<compile_context>
chip_gen: v7x
topology: tpu7x:2x2x1
jax: 0.10.2.dev20260603
libtpu: 0.0.44.dev20260713+nightly
codegen_flags: <defaults>
</compile_context>

<pallas_src>
import functools

import numpy as np
import jax
import jax.numpy as jnp
from jax import lax
from jax.experimental import pallas as pl
from jax.experimental.pallas import tpu as pltpu
from jax.experimental.pallas import tpu_sc as plsc

C, H, W = 3, 512, 512
GRID = 8
T = 64
NTILES = GRID * GRID
L = 16
NBINS = 256
NCH = NBINS // L
NCK = T // L
CL = 64.0

_rng = np.random.RandomState(0)
_ALPHAS = np.array([_rng.uniform(0.5, 1.0) for _ in range(NTILES)],
                   dtype=np.float32)

_mesh = plsc.VectorSubcoreMesh(core_axis_name="c", subcore_axis_name="s")


@functools.partial(
    pl.kernel,
    mesh=_mesh,
    out_type=jax.ShapeDtypeStruct((C, H, W), jnp.float32),
    compiler_params=pltpu.CompilerParams(use_tc_tiling_on_sc=True,
                                         needs_layout_passes=False),
    scratch_types=[
        pltpu.VMEM((C, T, 2 * T), jnp.float32),
        pltpu.VMEM((L * (NBINS + 1),), jnp.float32),
        pltpu.VMEM((NBINS,), jnp.float32),
        pltpu.VMEM((NTILES,), jnp.float32),
    ],
)
def _clahe(img_hbm, out_hbm, chan_v, hist_v, cdf_v, alpha_v):
    wid = lax.axis_index("s") * 2 + lax.axis_index("c")

    lanes = lax.iota(jnp.int32, L)
    lanesb = lanes * (NBINS + 1)
    ones = jnp.ones((L,), jnp.float32)
    zeros = jnp.zeros((L,), jnp.float32)

    for g in range(NTILES // L):
        vec = zeros
        for i in range(L):
            vec = jnp.where(lanes == i, float(_ALPHAS[g * L + i]), vec)
        alpha_v[pl.ds(g * L, L)] = vec

    def _zero(i, carry):
        for j in range(NCH):
            hist_v[pl.ds(i * (NBINS + 1) + j * L, L)] = zeros
        return carry
    lax.fori_loop(0, L, _zero, 0)

    iB = wid // 4
    jB = wid % 4
    hs = iB * T
    ws = jB * (2 * T)
    pltpu.sync_copy(img_hbm.at[:, pl.ds(hs, T), pl.ds(ws, 2 * T)], chan_v)

    def _do_half(half, carry):
        t = iB * GRID + jB * 2 + half
        wo = half * T

        @plsc.parallel_loop(
            0, T, 1, unroll=2,
            carry=(jnp.full((L,), jnp.inf, jnp.float32),
                   jnp.full((L,), -jnp.inf, jnp.float32)))
        def _pass_a(r, mm):
            vmin, vmax = mm
            px = [[chan_v[ch, r, pl.ds(wo + k * L, L)] for ch in range(C)]
                  for k in range(NCK)]
            idxs = []
            for k in range(NCK):
                lum = (px[k][0] + px[k][1] + px[k][2]) * (1.0 / 3.0)
                vmin = jnp.minimum(vmin, lum)
                vmax = jnp.maximum(vmax, lum)
                bins = jnp.minimum(lum * 256.0, 255.0).astype(jnp.int32)
                idxs.append(lanesb + bins)
            for k in range(NCK):
                plsc.addupdate_scatter(hist_v, [idxs[k]], ones)
            return vmin, vmax
        vmin, vmax = _pass_a
        tmin_v = jnp.broadcast_to(jnp.min(vmin), (L,))
        tmax_v = jnp.broadcast_to(jnp.max(vmax), (L,))

        @plsc.parallel_loop(0, L, 1, unroll=2, carry=(zeros,) * NCH)
        def _sum_rows(i, accs):
            loads = [hist_v[pl.ds(i * (NBINS + 1) + j * L, L)] for j in range(NCH)]
            for j in range(NCH):
                hist_v[pl.ds(i * (NBINS + 1) + j * L, L)] = zeros
            return tuple(accs[j] + loads[j] for j in range(NCH))
        accs = _sum_rows

        @pl.when(jnp.max(vmax) > jnp.min(vmin))
        def _enhance():
            exc = zeros
            clipped = []
            for j in range(NCH):
                hj = accs[j]
                exc = exc + jnp.maximum(hj - CL, 0.0)
                clipped.append(jnp.minimum(hj, CL))
            add_v = jnp.broadcast_to(jnp.sum(exc), (L,)) * (1.0 / 256.0)

            run = zeros
            for j in range(NCH):
                sl = pl.ds(j * L, L)
                cdf_v[sl] = plsc.cumsum(clipped[j] + add_v) + run
                run = plsc.load_gather(cdf_v, [jnp.full((L,), j * L + L - 1,
                                                        jnp.int32)])
            inv_total = 1.0 / run
            for j in range(NCH):
                sl = pl.ds(j * L, L)
                cdf_v[sl] = cdf_v[sl] * inv_total

            a_v = plsc.load_gather(alpha_v, [jnp.broadcast_to(t, (L,))])
            scale_v = 255.0 / (tmax_v - tmin_v)

            @plsc.parallel_loop(0, T, 1, unroll=2)
            def _pass_b(r):
                px = [[chan_v[ch, r, pl.ds(wo + k * L, L)]
                       for ch in range(C)] for k in range(NCK)]
                outs = []
                for k in range(NCK):
                    lum = (px[k][0] + px[k][1] + px[k][2]) * (1.0 / 3.0)
                    idx = jnp.minimum((lum - tmin_v) * scale_v,
                                      255.0).astype(jnp.int32)
                    enh = plsc.load_gather(cdf_v, [idx])
                    et = lum + a_v * (enh - lum)
                    mask = lum > 1e-05
                    g = et * (1.0 / lum)
                    for ch in range(C):
                        val = jnp.where(mask, g * px[k][ch], et)
                        outs.append(jnp.minimum(val, 1.0))
                for k in range(NCK):
                    for ch in range(C):
                        chan_v[ch, r, pl.ds(wo + k * L, L)] = outs[k * C + ch]
        return carry

    lax.fori_loop(0, 2, _do_half, 0)
    pltpu.sync_copy(chan_v, out_hbm.at[:, pl.ds(hs, T), pl.ds(ws, 2 * T)])


def kernel(img):
    return _clahe(img)

# --- scband reference (transcript-rebuilt; emitter-appended) ---
"""Pipeline reference for scband-claheeffect-41549513621543 (READ-ONLY COPY).

The authoritative reference and input builder live on the scoring server;
editing this copy changes nothing except your own understanding.
"""

import jax, jax.numpy as jnp
import numpy as np

CLIP_LIMIT = 4.0
TILE_GRID = (8, 8)


def setup_inputs(seed: int = 0) -> dict:
    key = jax.random.key(seed)
    img = jax.random.uniform(key, (3, 512, 512), dtype=jnp.float32)
    return {"img": img}


def reference(img):
    c, h, w = img.shape
    tile_h, tile_w = TILE_GRID
    h_step, w_step = h // tile_h, w // tile_w
    lum = jnp.mean(img, axis=0)
    result = img
    rng = np.random.RandomState(0)  # deterministic stand-in for random.uniform(0.5, 1.0)
    for i in range(tile_h):
        for j in range(tile_w):
            hs, he = i * h_step, min((i + 1) * h_step, h)
            ws, we = j * w_step, min((j + 1) * w_step, w)
            if he <= hs or we <= ws:
                continue
            tile = lum[hs:he, ws:we]
            # torch.histc(tile, bins=256, min=0, max=1) equivalent
            bin_idx = jnp.clip((tile * 256.0).astype(jnp.int32), 0, 255)
            hist = jnp.bincount(bin_idx.ravel(), length=256).astype(jnp.float32)
            area = (he - hs) * (we - ws)
            cl = max(1, int(CLIP_LIMIT * area / 256))
            excess = jnp.sum(jnp.maximum(hist - cl, 0.0))
            hist = jnp.minimum(hist, float(cl)) + excess / 256.0
            cdf = jnp.cumsum(hist)
            cdf = cdf / cdf[-1]
            tmin = jnp.min(tile)
            tmax = jnp.max(tile)
            has_range = tmax > tmin
            denom = jnp.where(has_range, tmax - tmin, 1.0)
            norm_tile = (tile - tmin) / denom
            idx = jnp.clip((norm_tile * 255.0).astype(jnp.int32), 0, 255)
            enhanced = cdf[idx]
            alpha = float(rng.uniform(0.5, 1.0))
            enhanced_tile = alpha * enhanced + (1.0 - alpha) * tile
            mask = tile > 1e-05
            safe_tile = jnp.where(mask, tile, 1.0)
            for ch in range(c):
                orig = img[ch, hs:he, ws:we]
                ratio = jnp.where(mask, orig / safe_tile, 1.0)
                newv = enhanced_tile * ratio
                val = jnp.where(has_range, newv, orig)
                result = result.at[ch, hs:he, ws:we].set(val)
    return jnp.clip(result, 0.0, 1.0)

if __name__ == "__main__":
    import jax
    _d = setup_inputs()
    print(jax.jit(kernel)(*tuple(_d.values())))

</pallas_src>

<mosaic_0001>
#map = affine_map<(d0, d1) -> (0, 0, 0)>
module attributes {stable_mosaic.version = 14 : i64} {
  func.func @_clahe(%arg0: i32, %arg1: i32, %arg2: memref<3x512x512xf32, #tpu.memory_space<hbm>>, %arg3: memref<3x512x512xf32, #tpu.memory_space<hbm>>, %arg4: memref<3x64x128xf32, #tpu.memory_space<vmem>>, %arg5: memref<4112xf32, #tpu.memory_space<vmem>>, %arg6: memref<256xf32, #tpu.memory_space<vmem>>, %arg7: memref<64xf32, #tpu.memory_space<vmem>>) attributes {dimension_semantics = [#tpu.dimension_semantics<core_parallel>, #tpu.dimension_semantics<subcore_parallel>], iteration_bounds = array<i64: 2, 16>, scalar_prefetch = 0 : i64, scratch_operands = 4 : i64, tpu.core_type = #tpu.core_type<sc_vector_subcore>, window_params = [{transform_indices = #map}, {transform_indices = #map}]} {
    %mul3A = arith.constant 2 : i32
    %mul3A_0 = arith.muli %arg1, %mul3A : i32
    %add3A = arith.addi %mul3A_0, %arg0 : i32
    %iota3A = tpu.iota {dimensions = array<i32: 0>} : vector<16xi32>
    %mul3A_1 = arith.constant 257 : i32
    %mul3A_2 = vector.broadcast %mul3A_1 : i32 to vector<16xi32>
    %mul3A_3 = arith.muli %iota3A, %mul3A_2 : vector<16xi32>
    %broadcast_in_dim3A = arith.constant 1.000000e+00 : f32
    %broadcast_in_dim3A_4 = vector.broadcast %broadcast_in_dim3A : f32 to vector<16xf32>
    %broadcast_in_dim3A_5 = arith.constant 0.000000e+00 : f32
    %broadcast_in_dim3A_6 = vector.broadcast %broadcast_in_dim3A_5 : f32 to vector<16xf32>
    %eq3A = arith.constant 0 : i32
    %eq3A_7 = vector.broadcast %eq3A : i32 to vector<16xi32>
    %eq3A_8 = arith.cmpi eq, %iota3A, %eq3A_7 : vector<16xi32>
    %jit3A = arith.constant 0.774406731 : f32
    %broadcast_in_dim3A_9 = vector.broadcast %jit3A : f32 to vector<16xf32>
    %select_n3A = arith.select %eq3A_8, %broadcast_in_dim3A_9, %broadcast_in_dim3A_6 : vector<16xi1>, vector<16xf32>
    %eq3A_10 = arith.constant 1 : i32
    %eq3A_11 = vector.broadcast %eq3A_10 : i32 to vector<16xi32>
    %eq3A_12 = arith.cmpi eq, %iota3A, %eq3A_11 : vector<16xi32>
    %jit3A_13 = arith.constant 0.857594668 : f32
    %broadcast_in_dim3A_14 = vector.broadcast %jit3A_13 : f32 to vector<16xf32>
    %select_n3A_15 = arith.select %eq3A_12, %broadcast_in_dim3A_14, %select_n3A : vector<16xi1>, vector<16xf32>
    %eq3A_16 = arith.constant 2 : i32
    %eq3A_17 = vector.broadcast %eq3A_16 : i32 to vector<16xi32>
    %eq3A_18 = arith.cmpi eq, %iota3A, %eq3A_17 : vector<16xi32>
    %jit3A_19 = arith.constant 0.801381707 : f32
    %broadcast_in_dim3A_20 = vector.broadcast %jit3A_19 : f32 to vector<16xf32>
    %select_n3A_21 = arith.select %eq3A_18, %broadcast_in_dim3A_20, %select_n3A_15 : vector<16xi1>, vector<16xf32>
    %eq3A_22 = arith.constant 3 : i32
    %eq3A_23 = vector.broadcast %eq3A_22 : i32 to vector<16xi32>
    %eq3A_24 = arith.cmpi eq, %iota3A, %eq3A_23 : vector<16xi32>
    %jit3A_25 = arith.constant 0.772441565 : f32
    %broadcast_in_dim3A_26 = vector.broadcast %jit3A_25 : f32 to vector<16xf32>
    %select_n3A_27 = arith.select %eq3A_24, %broadcast_in_dim3A_26, %select_n3A_21 : vector<16xi1>, vector<16xf32>
    %eq3A_28 = arith.constant 4 : i32
    %eq3A_29 = vector.broadcast %eq3A_28 : i32 to vector<16xi32>
    %eq3A_30 = arith.cmpi eq, %iota3A, %eq3A_29 : vector<16xi32>
    %jit3A_31 = arith.constant 0.711827397 : f32
    %broadcast_in_dim3A_32 = vector.broadcast %jit3A_31 : f32 to vector<16xf32>
    %select_n3A_33 = arith.select %eq3A_30, %broadcast_in_dim3A_32, %select_n3A_27 : vector<16xi1>, vector<16xf32>
    %eq3A_34 = arith.constant 5 : i32
    %eq3A_35 = vector.broadcast %eq3A_34 : i32 to vector<16xi32>
    %eq3A_36 = arith.cmpi eq, %iota3A, %eq3A_35 : vector<16xi32>
    %jit3A_37 = arith.constant 0.822947084 : f32
    %broadcast_in_dim3A_38 = vector.broadcast %jit3A_37 : f32 to vector<16xf32>
    %select_n3A_39 = arith.select %eq3A_36, %broadcast_in_dim3A_38, %select_n3A_33 : vector<16xi1>, vector<16xf32>
    %eq3A_40 = arith.constant 6 : i32
    %eq3A_41 = vector.broadcast %eq3A_40 : i32 to vector<16xi32>
    %eq3A_42 = arith.cmpi eq, %iota3A, %eq3A_41 : vector<16xi32>
    %jit3A_43 = arith.constant 0.718793631 : f32
    %broadcast_in_dim3A_44 = vector.broadcast %jit3A_43 : f32 to vector<16xf32>
    %select_n3A_45 = arith.select %eq3A_42, %broadcast_in_dim3A_44, %select_n3A_39 : vector<16xi1>, vector<16xf32>
    %eq3A_46 = arith.constant 7 : i32
    %eq3A_47 = vector.broadcast %eq3A_46 : i32 to vector<16xi32>
    %eq3A_48 = arith.cmpi eq, %iota3A, %eq3A_47 : vector<16xi32>
    %jit3A_49 = arith.constant 0.945886492 : f32
    %broadcast_in_dim3A_50 = vector.broadcast %jit3A_49 : f32 to vector<16xf32>
    %select_n3A_51 = arith.select %eq3A_48, %broadcast_in_dim3A_50, %select_n3A_45 : vector<16xi1>, vector<16xf32>
    %eq3A_52 = arith.constant 8 : i32
    %eq3A_53 = vector.broadcast %eq3A_52 : i32 to vector<16xi32>
    %eq3A_54 = arith.cmpi eq, %iota3A, %eq3A_53 : vector<16xi32>
    %jit3A_55 = arith.constant 0.981831371 : f32
    %broadcast_in_dim3A_56 = vector.broadcast %jit3A_55 : f32 to vector<16xf32>
    %select_n3A_57 = arith.select %eq3A_54, %broadcast_in_dim3A_56, %select_n3A_51 : vector<16xi1>, vector<16xf32>
    %eq3A_58 = arith.constant 9 : i32
    %eq3A_59 = vector.broadcast %eq3A_58 : i32 to vector<16xi32>
    %eq3A_60 = arith.cmpi eq, %iota3A, %eq3A_59 : vector<16xi32>
    %jit3A_61 = arith.constant 0.691720783 : f32
    %broadcast_in_dim3A_62 = vector.broadcast %jit3A_61 : f32 to vector<16xf32>
    %select_n3A_63 = arith.select %eq3A_60, %broadcast_in_dim3A_62, %select_n3A_57 : vector<16xi1>, vector<16xf32>
    %eq3A_64 = arith.constant 10 : i32
    %eq3A_65 = vector.broadcast %eq3A_64 : i32 to vector<16xi32>
    %eq3A_66 = arith.cmpi eq, %iota3A, %eq3A_65 : vector<16xi32>
    %jit3A_67 = arith.constant 0.895862519 : f32
    %broadcast_in_dim3A_68 = vector.broadcast %jit3A_67 : f32 to vector<16xf32>
    %select_n3A_69 = arith.select %eq3A_66, %broadcast_in_dim3A_68, %select_n3A_63 : vector<16xi1>, vector<16xf32>
    %eq3A_70 = arith.constant 11 : i32
    %eq3A_71 = vector.broadcast %eq3A_70 : i32 to vector<16xi32>
    %eq3A_72 = arith.cmpi eq, %iota3A, %eq3A_71 : vector<16xi32>
    %jit3A_73 = arith.constant 0.764447451 : f32
    %broadcast_in_dim3A_74 = vector.broadcast %jit3A_73 : f32 to vector<16xf32>
    %select_n3A_75 = arith.select %eq3A_72, %broadcast_in_dim3A_74, %select_n3A_69 : vector<16xi1>, vector<16xf32>
    %eq3A_76 = arith.constant 12 : i32
    %eq3A_77 = vector.broadcast %eq3A_76 : i32 to vector<16xi32>
    %eq3A_78 = arith.cmpi eq, %iota3A, %eq3A_77 : vector<16xi32>
    %jit3A_79 = arith.constant 0.784022271 : f32
    %broadcast_in_dim3A_80 = vector.broadcast %jit3A_79 : f32 to vector<16xf32>
    %select_n3A_81 = arith.select %eq3A_78, %broadcast_in_dim3A_80, %select_n3A_75 : vector<16xi1>, vector<16xf32>
    %eq3A_82 = arith.constant 13 : i32
    %eq3A_83 = vector.broadcast %eq3A_82 : i32 to vector<16xi32>
    %eq3A_84 = arith.cmpi eq, %iota3A, %eq3A_83 : vector<16xi32>
    %jit3A_85 = arith.constant 0.962798297 : f32
    %broadcast_in_dim3A_86 = vector.broadcast %jit3A_85 : f32 to vector<16xf32>
    %select_n3A_87 = arith.select %eq3A_84, %broadcast_in_dim3A_86, %select_n3A_81 : vector<16xi1>, vector<16xf32>
    %eq3A_88 = arith.constant 14 : i32
    %eq3A_89 = vector.broadcast %eq3A_88 : i32 to vector<16xi32>
    %eq3A_90 = arith.cmpi eq, %iota3A, %eq3A_89 : vector<16xi32>
    %jit3A_91 = arith.constant 0.53551805 : f32
    %broadcast_in_dim3A_92 = vector.broadcast %jit3A_91 : f32 to vector<16xf32>
    %select_n3A_93 = arith.select %eq3A_90, %broadcast_in_dim3A_92, %select_n3A_87 : vector<16xi1>, vector<16xf32>
    %eq3A_94 = arith.constant 15 : i32
    %eq3A_95 = vector.broadcast %eq3A_94 : i32 to vector<16xi32>
    %eq3A_96 = arith.cmpi eq, %iota3A, %eq3A_95 : vector<16xi32>
    %jit3A_97 = arith.constant 0.543564677 : f32
    %broadcast_in_dim3A_98 = vector.broadcast %jit3A_97 : f32 to vector<16xf32>
    %select_n3A_99 = arith.select %eq3A_96, %broadcast_in_dim3A_98, %select_n3A_93 : vector<16xi1>, vector<16xf32>
    %swap3A = arith.constant 0 : index
    %swap3A_100 = tpu.vector_load %arg7[%swap3A] {strides = array<i32>} : memref<64xf32, #tpu.memory_space<vmem>>, vector<16xf32>,
    tpu.vector_store %arg7[%swap3A], %select_n3A_99 {strides = array<i32>} : memref<64xf32, #tpu.memory_space<vmem>>, vector<16xf32>,
    %eq3A_101 = arith.constant 0 : i32
    %eq3A_102 = vector.broadcast %eq3A_101 : i32 to vector<16xi32>
    %eq3A_103 = arith.cmpi eq, %iota3A, %eq3A_102 : vector<16xi32>
    %jit3A_104 = arith.constant 0.510109186 : f32
    %broadcast_in_dim3A_105 = vector.broadcast %jit3A_104 : f32 to vector<16xf32>
    %select_n3A_106 = arith.select %eq3A_103, %broadcast_in_dim3A_105, %broadcast_in_dim3A_6 : vector<16xi1>, vector<16xf32>
    %eq3A_107 = arith.constant 1 : i32
    %eq3A_108 = vector.broadcast %eq3A_107 : i32 to vector<16xi32>
    %eq3A_109 = arith.cmpi eq, %iota3A, %eq3A_108 : vector<16xi32>
    %jit3A_110 = arith.constant 0.916309893 : f32
    %broadcast_in_dim3A_111 = vector.broadcast %jit3A_110 : f32 to vector<16xf32>
    %select_n3A_112 = arith.select %eq3A_109, %broadcast_in_dim3A_111, %select_n3A_106 : vector<16xi1>, vector<16xf32>
    %eq3A_113 = arith.constant 2 : i32
    %eq3A_114 = vector.broadcast %eq3A_113 : i32 to vector<16xi32>
    %eq3A_115 = arith.cmpi eq, %iota3A, %eq3A_114 : vector<16xi32>
    %jit3A_116 = arith.constant 0.889078379 : f32
    %broadcast_in_dim3A_117 = vector.broadcast %jit3A_116 : f32 to vector<16xf32>
    %select_n3A_118 = arith.select %eq3A_115, %broadcast_in_dim3A_117, %select_n3A_112 : vector<16xi1>, vector<16xf32>
    %eq3A_119 = arith.constant 3 : i32
    %eq3A_120 = vector.broadcast %eq3A_119 : i32 to vector<16xi32>
    %eq3A_121 = arith.cmpi eq, %iota3A, %eq3A_120 : vector<16xi32>
    %jit3A_122 = arith.constant 0.935006082 : f32
    %broadcast_in_dim3A_123 = vector.broadcast %jit3A_122 : f32 to vector<16xf32>
    %select_n3A_124 = arith.select %eq3A_121, %broadcast_in_dim3A_123, %select_n3A_118 : vector<16xi1>, vector<16xf32>
    %eq3A_125 = arith.constant 4 : i32
    %eq3A_126 = vector.broadcast %eq3A_125 : i32 to vector<16xi32>
    %eq3A_127 = arith.cmpi eq, %iota3A, %eq3A_126 : vector<16xi32>
    %jit3A_128 = arith.constant 0.989309191 : f32
    %broadcast_in_dim3A_129 = vector.broadcast %jit3A_128 : f32 to vector<16xf32>
    %select_n3A_130 = arith.select %eq3A_127, %broadcast_in_dim3A_129, %select_n3A_124 : vector<16xi1>, vector<16xf32>
    %eq3A_131 = arith.constant 5 : i32
    %eq3A_132 = vector.broadcast %eq3A_131 : i32 to vector<16xi32>
    %eq3A_133 = arith.cmpi eq, %iota3A, %eq3A_132 : vector<16xi32>
    %jit3A_134 = arith.constant 0.899579287 : f32
    %broadcast_in_dim3A_135 = vector.broadcast %jit3A_134 : f32 to vector<16xf32>
    %select_n3A_136 = arith.select %eq3A_133, %broadcast_in_dim3A_135, %select_n3A_130 : vector<16xi1>, vector<16xf32>
    %eq3A_137 = arith.constant 6 : i32
    %eq3A_138 = vector.broadcast %eq3A_137 : i32 to vector<16xi32>
    %eq3A_139 = arith.cmpi eq, %iota3A, %eq3A_138 : vector<16xi32>
    %jit3A_140 = arith.constant 0.730739653 : f32
    %broadcast_in_dim3A_141 = vector.broadcast %jit3A_140 : f32 to vector<16xf32>
    %select_n3A_142 = arith.select %eq3A_139, %broadcast_in_dim3A_141, %select_n3A_136 : vector<16xi1>, vector<16xf32>
    %eq3A_143 = arith.constant 7 : i32
    %eq3A_144 = vector.broadcast %eq3A_143 : i32 to vector<16xi32>
    %eq3A_145 = arith.cmpi eq, %iota3A, %eq3A_144 : vector<16xi32>
    %jit3A_146 = arith.constant 0.89026457 : f32
    %broadcast_in_dim3A_147 = vector.broadcast %jit3A_146 : f32 to vector<16xf32>
    %select_n3A_148 = arith.select %eq3A_145, %broadcast_in_dim3A_147, %select_n3A_142 : vector<16xi1>, vector<16xf32>
    %eq3A_149 = arith.constant 8 : i32
    %eq3A_150 = vector.broadcast %eq3A_149 : i32 to vector<16xi32>
    %eq3A_151 = arith.cmpi eq, %iota3A, %eq3A_150 : vector<16xi32>
    %jit3A_152 = arith.constant 0.559137225 : f32
    %broadcast_in_dim3A_153 = vector.broadcast %jit3A_152 : f32 to vector<16xf32>
    %select_n3A_154 = arith.select %eq3A_151, %broadcast_in_dim3A_153, %select_n3A_148 : vector<16xi1>, vector<16xf32>
    %eq3A_155 = arith.constant 9 : i32
    %eq3A_156 = vector.broadcast %eq3A_155 : i32 to vector<16xi32>
    %eq3A_157 = arith.cmpi eq, %iota3A, %eq3A_156 : vector<16xi32>
    %jit3A_158 = arith.constant 0.819960534 : f32
    %broadcast_in_dim3A_159 = vector.broadcast %jit3A_158 : f32 to vector<16xf32>
    %select_n3A_160 = arith.select %eq3A_157, %broadcast_in_dim3A_159, %select_n3A_154 : vector<16xi1>, vector<16xf32>
    %eq3A_161 = arith.constant 10 : i32
    %eq3A_162 = vector.broadcast %eq3A_161 : i32 to vector<16xi32>
    %eq3A_163 = arith.cmpi eq, %iota3A, %eq3A_162 : vector<16xi32>
    %jit3A_164 = arith.constant 0.571676672 : f32
    %broadcast_in_dim3A_165 = vector.broadcast %jit3A_164 : f32 to vector<16xf32>
    %select_n3A_166 = arith.select %eq3A_163, %broadcast_in_dim3A_165, %select_n3A_160 : vector<16xi1>, vector<16xf32>
    %eq3A_167 = arith.constant 11 : i32
    %eq3A_168 = vector.broadcast %eq3A_167 : i32 to vector<16xi32>
    %eq3A_169 = arith.cmpi eq, %iota3A, %eq3A_168 : vector<16xi32>
    %jit3A_170 = arith.constant 0.972334444 : f32
    %broadcast_in_dim3A_171 = vector.broadcast %jit3A_170 : f32 to vector<16xf32>
    %select_n3A_172 = arith.select %eq3A_169, %broadcast_in_dim3A_171, %select_n3A_166 : vector<16xi1>, vector<16xf32>
    %eq3A_173 = arith.constant 12 : i32
    %eq3A_174 = vector.broadcast %eq3A_173 : i32 to vector<16xi32>
    %eq3A_175 = arith.cmpi eq, %iota3A, %eq3A_174 : vector<16xi32>
    %jit3A_176 = arith.constant 0.76092416 : f32
    %broadcast_in_dim3A_177 = vector.broadcast %jit3A_176 : f32 to vector<16xf32>
    %select_n3A_178 = arith.select %eq3A_175, %broadcast_in_dim3A_177, %select_n3A_172 : vector<16xi1>, vector<16xf32>
    %eq3A_179 = arith.constant 13 : i32
    %eq3A_180 = vector.broadcast %eq3A_179 : i32 to vector<16xi32>
    %eq3A_181 = arith.cmpi eq, %iota3A, %eq3A_180 : vector<16xi32>
    %jit3A_182 = arith.constant 0.707330942 : f32
    %broadcast_in_dim3A_183 = vector.broadcast %jit3A_182 : f32 to vector<16xf32>
    %select_n3A_184 = arith.select %eq3A_181, %broadcast_in_dim3A_183, %select_n3A_178 : vector<16xi1>, vector<16xf32>
    %eq3A_185 = arith.constant 14 : i32
    %eq3A_186 = vector.broadcast %eq3A_185 : i32 to vector<16xi32>
    %eq3A_187 = arith.cmpi eq, %iota3A, %eq3A_186 : vector<16xi32>
    %jit3A_188 = arith.constant 0.632277786 : f32
    %broadcast_in_dim3A_189 = vector.broadcast %jit3A_188 : f32 to vector<16xf32>
    %select_n3A_190 = arith.select %eq3A_187, %broadcast_in_dim3A_189, %select_n3A_184 : vector<16xi1>, vector<16xf32>
    %eq3A_191 = arith.constant 15 : i32
    %eq3A_192 = vector.broadcast %eq3A_191 : i32 to vector<16xi32>
    %eq3A_193 = arith.cmpi eq, %iota3A, %eq3A_192 : vector<16xi32>
    %jit3A_194 = arith.constant 0.887116849 : f32
    %broadcast_in_dim3A_195 = vector.broadcast %jit3A_194 : f32 to vector<16xf32>
    %select_n3A_196 = arith.select %eq3A_193, %broadcast_in_dim3A_195, %select_n3A_190 : vector<16xi1>, vector<16xf32>
    %swap3A_197 = arith.constant 16 : index
    %swap3A_198 = tpu.vector_load %arg7[%swap3A_197] {strides = array<i32>} : memref<64xf32, #tpu.memory_space<vmem>>, vector<16xf32>,
    tpu.vector_store %arg7[%swap3A_197], %select_n3A_196 {strides = array<i32>} : memref<64xf32, #tpu.memory_space<vmem>>, vector<16xf32>,
    %eq3A_199 = arith.constant 0 : i32
    %eq3A_200 = vector.broadcast %eq3A_199 : i32 to vector<16xi32>
    %eq3A_201 = arith.cmpi eq, %iota3A, %eq3A_200 : vector<16xi32>
    %jit3A_202 = arith.constant 0.728075147 : f32
    %broadcast_in_dim3A_203 = vector.broadcast %jit3A_202 : f32 to vector<16xf32>
    %select_n3A_204 = arith.select %eq3A_201, %broadcast_in_dim3A_203, %broadcast_in_dim3A_6 : vector<16xi1>, vector<16xf32>
    %eq3A_205 = arith.constant 1 : i32
    %eq3A_206 = vector.broadcast %eq3A_205 : i32 to vector<16xi32>
    %eq3A_207 = arith.cmpi eq, %iota3A, %eq3A_206 : vector<16xi32>
    %jit3A_208 = arith.constant 7.842170e-01 : f32
    %broadcast_in_dim3A_209 = vector.broadcast %jit3A_208 : f32 to vector<16xf32>
    %select_n3A_210 = arith.select %eq3A_207, %broadcast_in_dim3A_209, %select_n3A_204 : vector<16xi1>, vector<16xf32>
    %eq3A_211 = arith.constant 2 : i32
    %eq3A_212 = vector.broadcast %eq3A_211 : i32 to vector<16xi32>
    %eq3A_213 = arith.cmpi eq, %iota3A, %eq3A_212 : vector<16xi32>
    %jit3A_214 = arith.constant 0.509394884 : f32
    %broadcast_in_dim3A_215 = vector.broadcast %jit3A_214 : f32 to vector<16xf32>
    %select_n3A_216 = arith.select %eq3A_213, %broadcast_in_dim3A_215, %select_n3A_210 : vector<16xi1>, vector<16xf32>
    %eq3A_217 = arith.constant 3 : i32
    %eq3A_218 = vector.broadcast %eq3A_217 : i32 to vector<16xi32>
    %eq3A_219 = arith.cmpi eq, %iota3A, %eq3A_218 : vector<16xi32>
    %jit3A_220 = arith.constant 0.808817744 : f32
    %broadcast_in_dim3A_221 = vector.broadcast %jit3A_220 : f32 to vector<16xf32>
    %select_n3A_222 = arith.select %eq3A_219, %broadcast_in_dim3A_221, %select_n3A_216 : vector<16xi1>, vector<16xf32>
    %eq3A_223 = arith.constant 4 : i32
    %eq3A_224 = vector.broadcast %eq3A_223 : i32 to vector<16xi32>
    %eq3A_225 = arith.cmpi eq, %iota3A, %eq3A_224 : vector<16xi32>
    %jit3A_226 = arith.constant 0.806047856 : f32
    %broadcast_in_dim3A_227 = vector.broadcast %jit3A_226 : f32 to vector<16xf32>
    %select_n3A_228 = arith.select %eq3A_225, %broadcast_in_dim3A_227, %select_n3A_222 : vector<16xi1>, vector<16xf32>
    %eq3A_229 = arith.constant 5 : i32
    %eq3A_230 = vector.broadcast %eq3A_229 : i32 to vector<16xi32>
    %eq3A_231 = arith.cmpi eq, %iota3A, %eq3A_230 : vector<16xi32>
    %jit3A_232 = arith.constant 0.80846697 : f32
    %broadcast_in_dim3A_233 = vector.broadcast %jit3A_232 : f32 to vector<16xf32>
    %select_n3A_234 = arith.select %eq3A_231, %broadcast_in_dim3A_233, %select_n3A_228 : vector<16xi1>, vector<16xf32>
    %eq3A_235 = arith.constant 6 : i32
    %eq3A_236 = vector.broadcast %eq3A_235 : i32 to vector<16xi32>
    %eq3A_237 = arith.cmpi eq, %iota3A, %eq3A_236 : vector<16xi32>
    %jit3A_238 = arith.constant 0.971874058 : f32
    %broadcast_in_dim3A_239 = vector.broadcast %jit3A_238 : f32 to vector<16xf32>
    %select_n3A_240 = arith.select %eq3A_237, %broadcast_in_dim3A_239, %select_n3A_234 : vector<16xi1>, vector<16xf32>
    %eq3A_241 = arith.constant 7 : i32
    %eq3A_242 = vector.broadcast %eq3A_241 : i32 to vector<16xi32>
    %eq3A_243 = arith.cmpi eq, %iota3A, %eq3A_242 : vector<16xi32>
    %jit3A_244 = arith.constant 0.840910136 : f32
    %broadcast_in_dim3A_245 = vector.broadcast %jit3A_244 : f32 to vector<16xf32>
    %select_n3A_246 = arith.select %eq3A_243, %broadcast_in_dim3A_245, %select_n3A_240 : vector<16xi1>, vector<16xf32>
    %eq3A_247 = arith.constant 8 : i32
    %eq3A_248 = vector.broadcast %eq3A_247 : i32 to vector<16xi32>
    %eq3A_249 = arith.cmpi eq, %iota3A, %eq3A_248 : vector<16xi32>
    %jit3A_250 = arith.constant 0.679753959 : f32
    %broadcast_in_dim3A_251 = vector.broadcast %jit3A_250 : f32 to vector<16xf32>
    %select_n3A_252 = arith.select %eq3A_249, %broadcast_in_dim3A_251, %select_n3A_246 : vector<16xi1>, vector<16xf32>
    %eq3A_253 = arith.constant 9 : i32
    %eq3A_254 = vector.broadcast %eq3A_253 : i32 to vector<16xi32>
    %eq3A_255 = arith.cmpi eq, %iota3A, %eq3A_254 : vector<16xi32>
    %jit3A_256 = arith.constant 7.185160e-01 : f32
    %broadcast_in_dim3A_257 = vector.broadcast %jit3A_256 : f32 to vector<16xf32>
    %select_n3A_258 = arith.select %eq3A_255, %broadcast_in_dim3A_257, %select_n3A_252 : vector<16xi1>, vector<16xf32>
    %eq3A_259 = arith.constant 10 : i32
    %eq3A_260 = vector.broadcast %eq3A_259 : i32 to vector<16xi32>
    %eq3A_261 = arith.cmpi eq, %iota3A, %eq3A_260 : vector<16xi32>
    %jit3A_262 = arith.constant 0.848815619 : f32
    %broadcast_in_dim3A_263 = vector.broadcast %jit3A_262 : f32 to vector<16xf32>
    %select_n3A_264 = arith.select %eq3A_261, %broadcast_in_dim3A_263, %select_n3A_258 : vector<16xi1>, vector<16xf32>
    %eq3A_265 = arith.constant 11 : i32
    %eq3A_266 = vector.broadcast %eq3A_265 : i32 to vector<16xi32>
    %eq3A_267 = arith.cmpi eq, %iota3A, %eq3A_266 : vector<16xi32>
    %jit3A_268 = arith.constant 0.530112743 : f32
    %broadcast_in_dim3A_269 = vector.broadcast %jit3A_268 : f32 to vector<16xf32>
    %select_n3A_270 = arith.select %eq3A_267, %broadcast_in_dim3A_269, %select_n3A_264 : vector<16xi1>, vector<16xf32>
    %eq3A_271 = arith.constant 12 : i32
    %eq3A_272 = vector.broadcast %eq3A_271 : i32 to vector<16xi32>
    %eq3A_273 = arith.cmpi eq, %iota3A, %eq3A_272 : vector<16xi32>
    %jit3A_274 = arith.constant 0.833383381 : f32
    %broadcast_in_dim3A_275 = vector.broadcast %jit3A_274 : f32 to vector<16xf32>
    %select_n3A_276 = arith.select %eq3A_273, %broadcast_in_dim3A_275, %select_n3A_270 : vector<16xi1>, vector<16xf32>
    %eq3A_277 = arith.constant 13 : i32
    %eq3A_278 = vector.broadcast %eq3A_277 : i32 to vector<16xi32>
    %eq3A_279 = arith.cmpi eq, %iota3A, %eq3A_278 : vector<16xi32>
    %jit3A_280 = arith.constant 0.835318922 : f32
    %broadcast_in_dim3A_281 = vector.broadcast %jit3A_280 : f32 to vector<16xf32>
    %select_n3A_282 = arith.select %eq3A_279, %broadcast_in_dim3A_281, %select_n3A_276 : vector<16xi1>, vector<16xf32>
    %eq3A_283 = arith.constant 14 : i32
    %eq3A_284 = vector.broadcast %eq3A_283 : i32 to vector<16xi32>
    %eq3A_285 = arith.cmpi eq, %iota3A, %eq3A_284 : vector<16xi32>
    %jit3A_286 = arith.constant 0.60519129 : f32
    %broadcast_in_dim3A_287 = vector.broadcast %jit3A_286 : f32 to vector<16xf32>
    %select_n3A_288 = arith.select %eq3A_285, %broadcast_in_dim3A_287, %select_n3A_282 : vector<16xi1>, vector<16xf32>
    %eq3A_289 = arith.constant 15 : i32
    %eq3A_290 = vector.broadcast %eq3A_289 : i32 to vector<16xi32>
    %eq3A_291 = arith.cmpi eq, %iota3A, %eq3A_290 : vector<16xi32>
    %jit3A_292 = arith.constant 0.564463139 : f32
    %broadcast_in_dim3A_293 = vector.broadcast %jit3A_292 : f32 to vector<16xf32>
    %select_n3A_294 = arith.select %eq3A_291, %broadcast_in_dim3A_293, %select_n3A_288 : vector<16xi1>, vector<16xf32>
    %swap3A_295 = arith.constant 32 : index
    %swap3A_296 = tpu.vector_load %arg7[%swap3A_295] {strides = array<i32>} : memref<64xf32, #tpu.memory_space<vmem>>, vector<16xf32>,
    tpu.vector_store %arg7[%swap3A_295], %select_n3A_294 {strides = array<i32>} : memref<64xf32, #tpu.memory_space<vmem>>, vector<16xf32>,
    %eq3A_297 = arith.constant 0 : i32
    %eq3A_298 = vector.broadcast %eq3A_297 : i32 to vector<16xi32>
    %eq3A_299 = arith.cmpi eq, %iota3A, %eq3A_298 : vector<16xi32>
    %jit3A_300 = arith.constant 0.657714188 : f32
    %broadcast_in_dim3A_301 = vector.broadcast %jit3A_300 : f32 to vector<16xf32>
    %select_n3A_302 = arith.select %eq3A_299, %broadcast_in_dim3A_301, %broadcast_in_dim3A_6 : vector<16xi1>, vector<16xf32>
    %eq3A_303 = arith.constant 1 : i32
    %eq3A_304 = vector.broadcast %eq3A_303 : i32 to vector<16xi32>
    %eq3A_305 = arith.cmpi eq, %iota3A, %eq3A_304 : vector<16xi32>
    %jit3A_306 = arith.constant 0.68185538 : f32
    %broadcast_in_dim3A_307 = vector.broadcast %jit3A_306 : f32 to vector<16xf32>
    %select_n3A_308 = arith.select %eq3A_305, %broadcast_in_dim3A_307, %select_n3A_302 : vector<16xi1>, vector<16xf32>
    %eq3A_309 = arith.constant 2 : i32
    %eq3A_310 = vector.broadcast %eq3A_309 : i32 to vector<16xi32>
    %eq3A_311 = arith.cmpi eq, %iota3A, %eq3A_310 : vector<16xi32>
    %jit3A_312 = arith.constant 0.785098373 : f32
    %broadcast_in_dim3A_313 = vector.broadcast %jit3A_312 : f32 to vector<16xf32>
    %select_n3A_314 = arith.select %eq3A_311, %broadcast_in_dim3A_313, %select_n3A_308 : vector<16xi1>, vector<16xf32>
    %eq3A_315 = arith.constant 3 : i32
    %eq3A_316 = vector.broadcast %eq3A_315 : i32 to vector<16xi32>
    %eq3A_317 = arith.cmpi eq, %iota3A, %eq3A_316 : vector<16xi32>
    %jit3A_318 = arith.constant 0.719300746 : f32
    %broadcast_in_dim3A_319 = vector.broadcast %jit3A_318 : f32 to vector<16xf32>
    %select_n3A_320 = arith.select %eq3A_317, %broadcast_in_dim3A_319, %select_n3A_314 : vector<16xi1>, vector<16xf32>
    %eq3A_321 = arith.constant 4 : i32
    %eq3A_322 = vector.broadcast %eq3A_321 : i32 to vector<16xi32>
    %eq3A_323 = arith.cmpi eq, %iota3A, %eq3A_322 : vector<16xi32>
    %jit3A_324 = arith.constant 0.994186937 : f32
    %broadcast_in_dim3A_325 = vector.broadcast %jit3A_324 : f32 to vector<16xf32>
    %select_n3A_326 = arith.select %eq3A_323, %broadcast_in_dim3A_325, %select_n3A_320 : vector<16xi1>, vector<16xf32>
    %eq3A_327 = arith.constant 5 : i32
    %eq3A_328 = vector.broadcast %eq3A_327 : i32 to vector<16xi32>
    %eq3A_329 = arith.cmpi eq, %iota3A, %eq3A_328 : vector<16xi32>
    %jit3A_330 = arith.constant 0.55102241 : f32
    %broadcast_in_dim3A_331 = vector.broadcast %jit3A_330 : f32 to vector<16xf32>
    %select_n3A_332 = arith.select %eq3A_329, %broadcast_in_dim3A_331, %select_n3A_326 : vector<16xi1>, vector<16xf32>
    %eq3A_333 = arith.constant 6 : i32
    %eq3A_334 = vector.broadcast %eq3A_333 : i32 to vector<16xi32>
    %eq3A_335 = arith.cmpi eq, %iota3A, %eq3A_334 : vector<16xi32>
    %jit3A_336 = arith.constant 0.604438365 : f32
    %broadcast_in_dim3A_337 = vector.broadcast %jit3A_336 : f32 to vector<16xf32>
    %select_n3A_338 = arith.select %eq3A_335, %broadcast_in_dim3A_337, %select_n3A_332 : vector<16xi1>, vector<16xf32>
    %eq3A_339 = arith.constant 7 : i32
    %eq3A_340 = vector.broadcast %eq3A_339 : i32 to vector<16xi32>
    %eq3A_341 = arith.cmpi eq, %iota3A, %eq3A_340 : vector<16xi32>
    %jit3A_342 = arith.constant 0.58065474 : f32
    %broadcast_in_dim3A_343 = vector.broadcast %jit3A_342 : f32 to vector<16xf32>
    %select_n3A_344 = arith.select %eq3A_341, %broadcast_in_dim3A_343, %select_n3A_338 : vector<16xi1>, vector<16xf32>
    %eq3A_345 = arith.constant 8 : i32
    %eq3A_346 = vector.broadcast %eq3A_345 : i32 to vector<16xi32>
    %eq3A_347 = arith.cmpi eq, %iota3A, %eq3A_346 : vector<16xi32>
    %jit3A_348 = arith.constant 0.826554179 : f32
    %broadcast_in_dim3A_349 = vector.broadcast %jit3A_348 : f32 to vector<16xf32>
    %select_n3A_350 = arith.select %eq3A_347, %broadcast_in_dim3A_349, %select_n3A_344 : vector<16xi1>, vector<16xf32>
    %eq3A_351 = arith.constant 9 : i32
    %eq3A_352 = vector.broadcast %eq3A_351 : i32 to vector<16xi32>
    %eq3A_353 = arith.cmpi eq, %iota3A, %eq3A_352 : vector<16xi32>
    %jit3A_354 = arith.constant 0.626645803 : f32
    %broadcast_in_dim3A_355 = vector.broadcast %jit3A_354 : f32 to vector<16xf32>
    %select_n3A_356 = arith.select %eq3A_353, %broadcast_in_dim3A_355, %select_n3A_350 : vector<16xi1>, vector<16xf32>
    %eq3A_357 = arith.constant 10 : i32
    %eq3A_358 = vector.broadcast %eq3A_357 : i32 to vector<16xi32>
    %eq3A_359 = arith.cmpi eq, %iota3A, %eq3A_358 : vector<16xi32>
    %jit3A_360 = arith.constant 0.73315537 : f32
    %broadcast_in_dim3A_361 = vector.broadcast %jit3A_360 : f32 to vector<16xf32>
    %select_n3A_362 = arith.select %eq3A_359, %broadcast_in_dim3A_361, %select_n3A_356 : vector<16xi1>, vector<16xf32>
    %eq3A_363 = arith.constant 11 : i32
    %eq3A_364 = vector.broadcast %eq3A_363 : i32 to vector<16xi32>
    %eq3A_365 = arith.cmpi eq, %iota3A, %eq3A_364 : vector<16xi32>
    %jit3A_366 = arith.constant 0.622212768 : f32
    %broadcast_in_dim3A_367 = vector.broadcast %jit3A_366 : f32 to vector<16xf32>
    %select_n3A_368 = arith.select %eq3A_365, %broadcast_in_dim3A_367, %select_n3A_362 : vector<16xi1>, vector<16xf32>
    %eq3A_369 = arith.constant 12 : i32
    %eq3A_370 = vector.broadcast %eq3A_369 : i32 to vector<16xi32>
    %eq3A_371 = arith.cmpi eq, %iota3A, %eq3A_370 : vector<16xi32>
    %jit3A_372 = arith.constant 0.57948482 : f32
    %broadcast_in_dim3A_373 = vector.broadcast %jit3A_372 : f32 to vector<16xf32>
    %select_n3A_374 = arith.select %eq3A_371, %broadcast_in_dim3A_373, %select_n3A_368 : vector<16xi1>, vector<16xf32>
    %eq3A_375 = arith.constant 13 : i32
    %eq3A_376 = vector.broadcast %eq3A_375 : i32 to vector<16xi32>
    %eq3A_377 = arith.cmpi eq, %iota3A, %eq3A_376 : vector<16xi32>
    %jit3A_378 = arith.constant 0.555187583 : f32
    %broadcast_in_dim3A_379 = vector.broadcast %jit3A_378 : f32 to vector<16xf32>
    %select_n3A_380 = arith.select %eq3A_377, %broadcast_in_dim3A_379, %select_n3A_374 : vector<16xi1>, vector<16xf32>
    %eq3A_381 = arith.constant 14 : i32
    %eq3A_382 = vector.broadcast %eq3A_381 : i32 to vector<16xi32>
    %eq3A_383 = arith.cmpi eq, %iota3A, %eq3A_382 : vector<16xi32>
    %jit3A_384 = arith.constant 0.828164816 : f32
    %broadcast_in_dim3A_385 = vector.broadcast %jit3A_384 : f32 to vector<16xf32>
    %select_n3A_386 = arith.select %eq3A_383, %broadcast_in_dim3A_385, %select_n3A_380 : vector<16xi1>, vector<16xf32>
    %eq3A_387 = arith.constant 15 : i32
    %eq3A_388 = vector.broadcast %eq3A_387 : i32 to vector<16xi32>
    %eq3A_389 = arith.cmpi eq, %iota3A, %eq3A_388 : vector<16xi32>
    %jit3A_390 = arith.constant 0.569091499 : f32
    %broadcast_in_dim3A_391 = vector.broadcast %jit3A_390 : f32 to vector<16xf32>
    %select_n3A_392 = arith.select %eq3A_389, %broadcast_in_dim3A_391, %select_n3A_386 : vector<16xi1>, vector<16xf32>
    %swap3A_393 = arith.constant 48 : index
    %swap3A_394 = tpu.vector_load %arg7[%swap3A_393] {strides = array<i32>} : memref<64xf32, #tpu.memory_space<vmem>>, vector<16xf32>,
    tpu.vector_store %arg7[%swap3A_393], %select_n3A_392 {strides = array<i32>} : memref<64xf32, #tpu.memory_space<vmem>>, vector<16xf32>,
    %scan3A = arith.constant 0 : i32
    %scan3A_395 = arith.constant 0 : i32
    %scan3A_396 = arith.constant 16 : i32
    %scan3A_397 = arith.addi %scan3A_395, %scan3A_396 : i32
    %scan3A_398 = arith.constant 1 : i32
    scf.for %scan3A_443 = %scan3A_395 to %scan3A_397 step %scan3A_398  : i32 {
      %mul3A_444 = arith.constant 257 : i32
      %mul3A_445 = arith.muli %scan3A_443, %mul3A_444 : i32
      %add3A_446 = arith.constant 0 : i32
      %add3A_447 = arith.addi %mul3A_445, %add3A_446 : i32
      %swap3A_448 = arith.index_cast %add3A_447 : i32 to index
      %swap3A_449 = tpu.vector_load %arg5[%swap3A_448] {strides = array<i32>} : memref<4112xf32, #tpu.memory_space<vmem>>, vector<16xf32>,
      tpu.vector_store %arg5[%swap3A_448], %broadcast_in_dim3A_6 {strides = array<i32>} : memref<4112xf32, #tpu.memory_space<vmem>>, vector<16xf32>,
      %mul3A_450 = arith.constant 257 : i32
      %mul3A_451 = arith.muli %scan3A_443, %mul3A_450 : i32
      %add3A_452 = arith.constant 16 : i32
      %add3A_453 = arith.addi %mul3A_451, %add3A_452 : i32
      %swap3A_454 = arith.index_cast %add3A_453 : i32 to index
      %swap3A_455 = tpu.vector_load %arg5[%swap3A_454] {strides = array<i32>} : memref<4112xf32, #tpu.memory_space<vmem>>, vector<16xf32>,
      tpu.vector_store %arg5[%swap3A_454], %broadcast_in_dim3A_6 {strides = array<i32>} : memref<4112xf32, #tpu.memory_space<vmem>>, vector<16xf32>,
      %mul3A_456 = arith.constant 257 : i32
      %mul3A_457 = arith.muli %scan3A_443, %mul3A_456 : i32
      %add3A_458 = arith.constant 32 : i32
      %add3A_459 = arith.addi %mul3A_457, %add3A_458 : i32
      %swap3A_460 = arith.index_cast %add3A_459 : i32 to index
      %swap3A_461 = tpu.vector_load %arg5[%swap3A_460] {strides = array<i32>} : memref<4112xf32, #tpu.memory_space<vmem>>, vector<16xf32>,
      tpu.vector_store %arg5[%swap3A_460], %broadcast_in_dim3A_6 {strides = array<i32>} : memref<4112xf32, #tpu.memory_space<vmem>>, vector<16xf32>,
      %mul3A_462 = arith.constant 257 : i32
      %mul3A_463 = arith.muli %scan3A_443, %mul3A_462 : i32
      %add3A_464 = arith.constant 48 : i32
      %add3A_465 = arith.addi %mul3A_463, %add3A_464 : i32
      %swap3A_466 = arith.index_cast %add3A_465 : i32 to index
      %swap3A_467 = tpu.vector_load %arg5[%swap3A_466] {strides = array<i32>} : memref<4112xf32, #tpu.memory_space<vmem>>, vector<16xf32>,
      tpu.vector_store %arg5[%swap3A_466], %broadcast_in_dim3A_6 {strides = array<i32>} : memref<4112xf32, #tpu.memory_space<vmem>>, vector<16xf32>,
      %mul3A_468 = arith.constant 257 : i32
      %mul3A_469 = arith.muli %scan3A_443, %mul3A_468 : i32
      %add3A_470 = arith.constant 64 : i32
      %add3A_471 = arith.addi %mul3A_469, %add3A_470 : i32
      %swap3A_472 = arith.index_cast %add3A_471 : i32 to index
      %swap3A_473 = tpu.vector_load %arg5[%swap3A_472] {strides = array<i32>} : memref<4112xf32, #tpu.memory_space<vmem>>, vector<16xf32>,
      tpu.vector_store %arg5[%swap3A_472], %broadcast_in_dim3A_6 {strides = array<i32>} : memref<4112xf32, #tpu.memory_space<vmem>>, vector<16xf32>,
      %mul3A_474 = arith.constant 257 : i32
      %mul3A_475 = arith.muli %scan3A_443, %mul3A_474 : i32
      %add3A_476 = arith.constant 80 : i32
      %add3A_477 = arith.addi %mul3A_475, %add3A_476 : i32
      %swap3A_478 = arith.index_cast %add3A_477 : i32 to index
      %swap3A_479 = tpu.vector_load %arg5[%swap3A_478] {strides = array<i32>} : memref<4112xf32, #tpu.memory_space<vmem>>, vector<16xf32>,
      tpu.vector_store %arg5[%swap3A_478], %broadcast_in_dim3A_6 {strides = array<i32>} : memref<4112xf32, #tpu.memory_space<vmem>>, vector<16xf32>,
      %mul3A_480 = arith.constant 257 : i32
      %mul3A_481 = arith.muli %scan3A_443, %mul3A_480 : i32
      %add3A_482 = arith.constant 96 : i32
      %add3A_483 = arith.addi %mul3A_481, %add3A_482 : i32
      %swap3A_484 = arith.index_cast %add3A_483 : i32 to index
      %swap3A_485 = tpu.vector_load %arg5[%swap3A_484] {strides = array<i32>} : memref<4112xf32, #tpu.memory_space<vmem>>, vector<16xf32>,
      tpu.vector_store %arg5[%swap3A_484], %broadcast_in_dim3A_6 {strides = array<i32>} : memref<4112xf32, #tpu.memory_space<vmem>>, vector<16xf32>,
      %mul3A_486 = arith.constant 257 : i32
      %mul3A_487 = arith.muli %scan3A_443, %mul3A_486 : i32
      %add3A_488 = arith.constant 112 : i32
      %add3A_489 = arith.addi %mul3A_487, %add3A_488 : i32
      %swap3A_490 = arith.index_cast %add3A_489 : i32 to index
      %swap3A_491 = tpu.vector_load %arg5[%swap3A_490] {strides = array<i32>} : memref<4112xf32, #tpu.memory_space<vmem>>, vector<16xf32>,
      tpu.vector_store %arg5[%swap3A_490], %broadcast_in_dim3A_6 {strides = array<i32>} : memref<4112xf32, #tpu.memory_space<vmem>>, vector<16xf32>,
      %mul3A_492 = arith.constant 257 : i32
      %mul3A_493 = arith.muli %scan3A_443, %mul3A_492 : i32
      %add3A_494 = arith.constant 128 : i32
      %add3A_495 = arith.addi %mul3A_493, %add3A_494 : i32
      %swap3A_496 = arith.index_cast %add3A_495 : i32 to index
      %swap3A_497 = tpu.vector_load %arg5[%swap3A_496] {strides = array<i32>} : memref<4112xf32, #tpu.memory_space<vmem>>, vector<16xf32>,
      tpu.vector_store %arg5[%swap3A_496], %broadcast_in_dim3A_6 {strides = array<i32>} : memref<4112xf32, #tpu.memory_space<vmem>>, vector<16xf32>,
      %mul3A_498 = arith.constant 257 : i32
      %mul3A_499 = arith.muli %scan3A_443, %mul3A_498 : i32
      %add3A_500 = arith.constant 144 : i32
      %add3A_501 = arith.addi %mul3A_499, %add3A_500 : i32
      %swap3A_502 = arith.index_cast %add3A_501 : i32 to index
      %swap3A_503 = tpu.vector_load %arg5[%swap3A_502] {strides = array<i32>} : memref<4112xf32, #tpu.memory_space<vmem>>, vector<16xf32>,
      tpu.vector_store %arg5[%swap3A_502], %broadcast_in_dim3A_6 {strides = array<i32>} : memref<4112xf32, #tpu.memory_space<vmem>>, vector<16xf32>,
      %mul3A_504 = arith.constant 257 : i32
      %mul3A_505 = arith.muli %scan3A_443, %mul3A_504 : i32
      %add3A_506 = arith.constant 160 : i32
      %add3A_507 = arith.addi %mul3A_505, %add3A_506 : i32
      %swap3A_508 = arith.index_cast %add3A_507 : i32 to index
      %swap3A_509 = tpu.vector_load %arg5[%swap3A_508] {strides = array<i32>} : memref<4112xf32, #tpu.memory_space<vmem>>, vector<16xf32>,
      tpu.vector_store %arg5[%swap3A_508], %broadcast_in_dim3A_6 {strides = array<i32>} : memref<4112xf32, #tpu.memory_space<vmem>>, vector<16xf32>,
      %mul3A_510 = arith.constant 257 : i32
      %mul3A_511 = arith.muli %scan3A_443, %mul3A_510 : i32
      %add3A_512 = arith.constant 176 : i32
      %add3A_513 = arith.addi %mul3A_511, %add3A_512 : i32
      %swap3A_514 = arith.index_cast %add3A_513 : i32 to index
      %swap3A_515 = tpu.vector_load %arg5[%swap3A_514] {strides = array<i32>} : memref<4112xf32, #tpu.memory_space<vmem>>, vector<16xf32>,
      tpu.vector_store %arg5[%swap3A_514], %broadcast_in_dim3A_6 {strides = array<i32>} : memref<4112xf32, #tpu.memory_space<vmem>>, vector<16xf32>,
      %mul3A_516 = arith.constant 257 : i32
      %mul3A_517 = arith.muli %scan3A_443, %mul3A_516 : i32
      %add3A_518 = arith.constant 192 : i32
      %add3A_519 = arith.addi %mul3A_517, %add3A_518 : i32
      %swap3A_520 = arith.index_cast %add3A_519 : i32 to index
      %swap3A_521 = tpu.vector_load %arg5[%swap3A_520] {strides = array<i32>} : memref<4112xf32, #tpu.memory_space<vmem>>, vector<16xf32>,
      tpu.vector_store %arg5[%swap3A_520], %broadcast_in_dim3A_6 {strides = array<i32>} : memref<4112xf32, #tpu.memory_space<vmem>>, vector<16xf32>,
      %mul3A_522 = arith.constant 257 : i32
      %mul3A_523 = arith.muli %scan3A_443, %mul3A_522 : i32
      %add3A_524 = arith.constant 208 : i32
      %add3A_525 = arith.addi %mul3A_523, %add3A_524 : i32
      %swap3A_526 = arith.index_cast %add3A_525 : i32 to index
      %swap3A_527 = tpu.vector_load %arg5[%swap3A_526] {strides = array<i32>} : memref<4112xf32, #tpu.memory_space<vmem>>, vector<16xf32>,
      tpu.vector_store %arg5[%swap3A_526], %broadcast_in_dim3A_6 {strides = array<i32>} : memref<4112xf32, #tpu.memory_space<vmem>>, vector<16xf32>,
      %mul3A_528 = arith.constant 257 : i32
      %mul3A_529 = arith.muli %scan3A_443, %mul3A_528 : i32
      %add3A_530 = arith.constant 224 : i32
      %add3A_531 = arith.addi %mul3A_529, %add3A_530 : i32
      %swap3A_532 = arith.index_cast %add3A_531 : i32 to index
      %swap3A_533 = tpu.vector_load %arg5[%swap3A_532] {strides = array<i32>} : memref<4112xf32, #tpu.memory_space<vmem>>, vector<16xf32>,
      tpu.vector_store %arg5[%swap3A_532], %broadcast_in_dim3A_6 {strides = array<i32>} : memref<4112xf32, #tpu.memory_space<vmem>>, vector<16xf32>,
      %mul3A_534 = arith.constant 257 : i32
      %mul3A_535 = arith.muli %scan3A_443, %mul3A_534 : i32
      %add3A_536 = arith.constant 240 : i32
      %add3A_537 = arith.addi %mul3A_535, %add3A_536 : i32
      %swap3A_538 = arith.index_cast %add3A_537 : i32 to index
      %swap3A_539 = tpu.vector_load %arg5[%swap3A_538] {strides = array<i32>} : memref<4112xf32, #tpu.memory_space<vmem>>, vector<16xf32>,
      tpu.vector_store %arg5[%swap3A_538], %broadcast_in_dim3A_6 {strides = array<i32>} : memref<4112xf32, #tpu.memory_space<vmem>>, vector<16xf32>,
    }
    %scan3A_399 = arith.constant 16 : i32
    %jit3A_400 = arith.constant 4 : i32
    %div3A = arith.divsi %add3A, %jit3A_400 : i32
    %sign3A = arith.constant 0 : i32
    %sign3A_401 = arith.cmpi sgt, %add3A, %sign3A : i32
    %sign3A_402 = arith.extui %sign3A_401 : i1 to i32
    %sign3A_403 = arith.constant 0 : i32
    %sign3A_404 = arith.cmpi slt, %add3A, %sign3A_403 : i32
    %sign3A_405 = arith.extui %sign3A_404 : i1 to i32
    %sign3A_406 = arith.subi %sign3A_402, %sign3A_405 : i32
    %sign3A_407 = arith.constant 0 : i32
    %sign3A_408 = arith.cmpi sgt, %jit3A_400, %sign3A_407 : i32
    %sign3A_409 = arith.extui %sign3A_408 : i1 to i32
    %sign3A_410 = arith.constant 0 : i32
    %sign3A_411 = arith.cmpi slt, %jit3A_400, %sign3A_410 : i32
    %sign3A_412 = arith.extui %sign3A_411 : i1 to i32
    %sign3A_413 = arith.subi %sign3A_409, %sign3A_412 : i32
    %ne3A = arith.cmpi ne, %sign3A_406, %sign3A_413 : i32
    %rem3A = arith.remsi %add3A, %jit3A_400 : i32
    %ne3A_414 = arith.constant 0 : i32
    %ne3A_415 = arith.cmpi ne, %rem3A, %ne3A_414 : i32
    %and3A = arith.andi %ne3A, %ne3A_415 : i1
    %sub3A = arith.constant 1 : i32
    %sub3A_416 = arith.subi %div3A, %sub3A : i32
    %select_n3A_417 = arith.select %and3A, %sub3A_416, %div3A : i32
    %jit3A_418 = arith.constant 4 : i32
    %eq3A_419 = arith.constant 0 : i32
    %eq3A_420 = arith.cmpi eq, %jit3A_418, %eq3A_419 : i32
    %jit3A_421 = arith.constant 1 : i32
    %select_n3A_422 = arith.select %eq3A_420, %jit3A_421, %jit3A_418 : i32
    %rem3A_423 = arith.remsi %add3A, %select_n3A_422 : i32
    %ne3A_424 = arith.constant 0 : i32
    %ne3A_425 = arith.cmpi ne, %rem3A_423, %ne3A_424 : i32
    %lt3A = arith.constant 0 : i32
    %lt3A_426 = arith.cmpi slt, %rem3A_423, %lt3A : i32
    %lt3A_427 = arith.constant 0 : i32
    %lt3A_428 = arith.cmpi slt, %select_n3A_422, %lt3A_427 : i32
    %ne3A_429 = arith.xori %lt3A_426, %lt3A_428 : i1
    %and3A_430 = arith.andi %ne3A_429, %ne3A_425 : i1
    %add3A_431 = arith.addi %rem3A_423, %select_n3A_422 : i32
    %select_n3A_432 = arith.select %and3A_430, %add3A_431, %rem3A_423 : i32
    %mul3A_433 = arith.constant 64 : i32
    %mul3A_434 = arith.muli %select_n3A_417, %mul3A_433 : i32
    %mul3A_435 = arith.constant 128 : i32
    %mul3A_436 = arith.muli %select_n3A_432, %mul3A_435 : i32
    "tpu.region"() ({
      %run_scoped3A = tpu.sem_alloc : memref<!tpu.dma_semaphore, #tpu.memory_space<semaphore_mem>>
      %dma_start3A = arith.constant 0 : i32
      %dma_start3A_443 = tpu.memref_slice %arg2[%dma_start3A, %mul3A_434, %mul3A_436] : memref<3x512x512xf32, #tpu.memory_space<hbm>> -> memref<3x64x128xf32, #tpu.memory_space<hbm>>
      %dma_start3A_444 = arith.constant 0 : i32
      %dma_start3A_445 = tpu.memref_slice %arg2[%dma_start3A_444, %mul3A_434, %mul3A_436] : memref<3x512x512xf32, #tpu.memory_space<hbm>> -> memref<3x64x128xf32, #tpu.memory_space<hbm>>
      tpu.enqueue_dma source(%dma_start3A_445 : memref<3x64x128xf32, #tpu.memory_space<hbm>>) target(%arg4 : memref<3x64x128xf32, #tpu.memory_space<vmem>>) target_semaphore(%run_scoped3A : memref<!tpu.dma_semaphore, #tpu.memory_space<semaphore_mem>>)
      %dma_wait3A = arith.constant 0 : i32
      %dma_wait3A_446 = tpu.memref_slice %arg2[%dma_wait3A, %mul3A_434, %mul3A_436] : memref<3x512x512xf32, #tpu.memory_space<hbm>> -> memref<3x64x128xf32, #tpu.memory_space<hbm>>
      %dma_wait3A_447 = arith.constant 0 : i32
      %dma_wait3A_448 = tpu.memref_slice %arg2[%dma_wait3A_447, %mul3A_434, %mul3A_436] : memref<3x512x512xf32, #tpu.memory_space<hbm>> -> memref<3x64x128xf32, #tpu.memory_space<hbm>>
      tpu.wait_dma2 semaphore(%run_scoped3A : memref<!tpu.dma_semaphore, #tpu.memory_space<semaphore_mem>>) src(%dma_wait3A_448 : memref<3x64x128xf32, #tpu.memory_space<hbm>>) dst(%arg4 : memref<3x64x128xf32, #tpu.memory_space<vmem>>)
      tpu.yield
    }) : () -> ()
    %scan3A_437 = arith.constant 0 : i32
    %scan3A_438 = arith.constant 0 : i32
    %scan3A_439 = arith.constant 2 : i32
    %scan3A_440 = arith.addi %scan3A_438, %scan3A_439 : i32
    %scan3A_441 = arith.constant 1 : i32
    scf.for %scan3A_443 = %scan3A_438 to %scan3A_440 step %scan3A_441  : i32 {
      %mul3A_444 = arith.constant 8 : i32
      %mul3A_445 = arith.muli %select_n3A_417, %mul3A_444 : i32
      %mul3A_446 = arith.constant 2 : i32
      %mul3A_447 = arith.muli %select_n3A_432, %mul3A_446 : i32
      %add3A_448 = arith.addi %mul3A_445, %mul3A_447 : i32
      %add3A_449 = arith.addi %add3A_448, %scan3A_443 : i32
      %mul3A_450 = arith.constant 64 : i32
      %mul3A_451 = arith.muli %scan3A_443, %mul3A_450 : i32
      %broadcast_in_dim3A_452 = arith.constant 0x7F800000 : f32
      %broadcast_in_dim3A_453 = vector.broadcast %broadcast_in_dim3A_452 : f32 to vector<16xf32>
      %broadcast_in_dim3A_454 = arith.constant 0xFF800000 : f32
      %broadcast_in_dim3A_455 = vector.broadcast %broadcast_in_dim3A_454 : f32 to vector<16xf32>
      %parallel_loop3A = arith.constant 0 : i32
      %parallel_loop3A_456 = arith.constant 64 : i32
      %parallel_loop3A_457 = arith.constant 1 : i32
      %parallel_loop3A_458:2 = scf.for %parallel_loop3A_480 = %parallel_loop3A to %parallel_loop3A_456 step %parallel_loop3A_457 iter_args(%parallel_loop3A_481 = %broadcast_in_dim3A_453, %parallel_loop3A_482 = %broadcast_in_dim3A_455) -> (vector<16xf32>, vector<16xf32>)  : i32 {
        %parallel_loop3A_483 = arith.constant 0 : i32
        %parallel_loop3A_484 = arith.addi %mul3A_451, %parallel_loop3A_483 : i32
        %parallel_loop3A_485 = arith.constant 0 : i32
        %parallel_loop3A_486 = arith.index_cast %parallel_loop3A_485 : i32 to index
        %parallel_loop3A_487 = arith.index_cast %parallel_loop3A_480 : i32 to index
        %parallel_loop3A_488 = arith.index_cast %parallel_loop3A_484 : i32 to index
        %parallel_loop3A_489 = tpu.vector_load %arg4[%parallel_loop3A_486, %parallel_loop3A_487, %parallel_loop3A_488] {strides = array<i32>} : memref<3x64x128xf32, #tpu.memory_space<vmem>>, vector<16xf32>,
        %parallel_loop3A_490 = arith.constant 0 : i32
        %parallel_loop3A_491 = arith.addi %mul3A_451, %parallel_loop3A_490 : i32
        %parallel_loop3A_492 = arith.constant 1 : i32
        %parallel_loop3A_493 = arith.index_cast %parallel_loop3A_492 : i32 to index
        %parallel_loop3A_494 = arith.index_cast %parallel_loop3A_480 : i32 to index
        %parallel_loop3A_495 = arith.index_cast %parallel_loop3A_491 : i32 to index
        %parallel_loop3A_496 = tpu.vector_load %arg4[%parallel_loop3A_493, %parallel_loop3A_494, %parallel_loop3A_495] {strides = array<i32>} : memref<3x64x128xf32, #tpu.memory_space<vmem>>, vector<16xf32>,
        %parallel_loop3A_497 = arith.constant 0 : i32
        %parallel_loop3A_498 = arith.addi %mul3A_451, %parallel_loop3A_497 : i32
        %parallel_loop3A_499 = arith.constant 2 : i32
        %parallel_loop3A_500 = arith.index_cast %parallel_loop3A_499 : i32 to index
        %parallel_loop3A_501 = arith.index_cast %parallel_loop3A_480 : i32 to index
        %parallel_loop3A_502 = arith.index_cast %parallel_loop3A_498 : i32 to index
        %parallel_loop3A_503 = tpu.vector_load %arg4[%parallel_loop3A_500, %parallel_loop3A_501, %parallel_loop3A_502] {strides = array<i32>} : memref<3x64x128xf32, #tpu.memory_space<vmem>>, vector<16xf32>,
        %parallel_loop3A_504 = arith.constant 16 : i32
        %parallel_loop3A_505 = arith.addi %mul3A_451, %parallel_loop3A_504 : i32
        %parallel_loop3A_506 = arith.constant 0 : i32
        %parallel_loop3A_507 = arith.index_cast %parallel_loop3A_506 : i32 to index
        %parallel_loop3A_508 = arith.index_cast %parallel_loop3A_480 : i32 to index
        %parallel_loop3A_509 = arith.index_cast %parallel_loop3A_505 : i32 to index
        %parallel_loop3A_510 = tpu.vector_load %arg4[%parallel_loop3A_507, %parallel_loop3A_508, %parallel_loop3A_509] {strides = array<i32>} : memref<3x64x128xf32, #tpu.memory_space<vmem>>, vector<16xf32>,
        %parallel_loop3A_511 = arith.constant 16 : i32
        %parallel_loop3A_512 = arith.addi %mul3A_451, %parallel_loop3A_511 : i32
        %parallel_loop3A_513 = arith.constant 1 : i32
        %parallel_loop3A_514 = arith.index_cast %parallel_loop3A_513 : i32 to index
        %parallel_loop3A_515 = arith.index_cast %parallel_loop3A_480 : i32 to index
        %parallel_loop3A_516 = arith.index_cast %parallel_loop3A_512 : i32 to index
        %parallel_loop3A_517 = tpu.vector_load %arg4[%parallel_loop3A_514, %parallel_loop3A_515, %parallel_loop3A_516] {strides = array<i32>} : memref<3x64x128xf32, #tpu.memory_space<vmem>>, vector<16xf32>,
        %parallel_loop3A_518 = arith.constant 16 : i32
        %parallel_loop3A_519 = arith.addi %mul3A_451, %parallel_loop3A_518 : i32
        %parallel_loop3A_520 = arith.constant 2 : i32
        %parallel_loop3A_521 = arith.index_cast %parallel_loop3A_520 : i32 to index
        %parallel_loop3A_522 = arith.index_cast %parallel_loop3A_480 : i32 to index
        %parallel_loop3A_523 = arith.index_cast %parallel_loop3A_519 : i32 to index
        %parallel_loop3A_524 = tpu.vector_load %arg4[%parallel_loop3A_521, %parallel_loop3A_522, %parallel_loop3A_523] {strides = array<i32>} : memref<3x64x128xf32, #tpu.memory_space<vmem>>, vector<16xf32>,
        %parallel_loop3A_525 = arith.constant 32 : i32
        %parallel_loop3A_526 = arith.addi %mul3A_451, %parallel_loop3A_525 : i32
        %parallel_loop3A_527 = arith.constant 0 : i32
        %parallel_loop3A_528 = arith.index_cast %parallel_loop3A_527 : i32 to index
        %parallel_loop3A_529 = arith.index_cast %parallel_loop3A_480 : i32 to index
        %parallel_loop3A_530 = arith.index_cast %parallel_loop3A_526 : i32 to index
        %parallel_loop3A_531 = tpu.vector_load %arg4[%parallel_loop3A_528, %parallel_loop3A_529, %parallel_loop3A_530] {strides = array<i32>} : memref<3x64x128xf32, #tpu.memory_space<vmem>>, vector<16xf32>,
        %parallel_loop3A_532 = arith.constant 32 : i32
        %parallel_loop3A_533 = arith.addi %mul3A_451, %parallel_loop3A_532 : i32
        %parallel_loop3A_534 = arith.constant 1 : i32
        %parallel_loop3A_535 = arith.index_cast %parallel_loop3A_534 : i32 to index
        %parallel_loop3A_536 = arith.index_cast %parallel_loop3A_480 : i32 to index
        %parallel_loop3A_537 = arith.index_cast %parallel_loop3A_533 : i32 to index
        %parallel_loop3A_538 = tpu.vector_load %arg4[%parallel_loop3A_535, %parallel_loop3A_536, %parallel_loop3A_537] {strides = array<i32>} : memref<3x64x128xf32, #tpu.memory_space<vmem>>, vector<16xf32>,
        %parallel_loop3A_539 = arith.constant 32 : i32
        %parallel_loop3A_540 = arith.addi %mul3A_451, %parallel_loop3A_539 : i32
        %parallel_loop3A_541 = arith.constant 2 : i32
        %parallel_loop3A_542 = arith.index_cast %parallel_loop3A_541 : i32 to index
        %parallel_loop3A_543 = arith.index_cast %parallel_loop3A_480 : i32 to index
        %parallel_loop3A_544 = arith.index_cast %parallel_loop3A_540 : i32 to index
        %parallel_loop3A_545 = tpu.vector_load %arg4[%parallel_loop3A_542, %parallel_loop3A_543, %parallel_loop3A_544] {strides = array<i32>} : memref<3x64x128xf32, #tpu.memory_space<vmem>>, vector<16xf32>,
        %parallel_loop3A_546 = arith.constant 48 : i32
        %parallel_loop3A_547 = arith.addi %mul3A_451, %parallel_loop3A_546 : i32
        %parallel_loop3A_548 = arith.constant 0 : i32
        %parallel_loop3A_549 = arith.index_cast %parallel_loop3A_548 : i32 to index
        %parallel_loop3A_550 = arith.index_cast %parallel_loop3A_480 : i32 to index
        %parallel_loop3A_551 = arith.index_cast %parallel_loop3A_547 : i32 to index
        %parallel_loop3A_552 = tpu.vector_load %arg4[%parallel_loop3A_549, %parallel_loop3A_550, %parallel_loop3A_551] {strides = array<i32>} : memref<3x64x128xf32, #tpu.memory_space<vmem>>, vector<16xf32>,
        %parallel_loop3A_553 = arith.constant 48 : i32
        %parallel_loop3A_554 = arith.addi %mul3A_451, %parallel_loop3A_553 : i32
        %parallel_loop3A_555 = arith.constant 1 : i32
        %parallel_loop3A_556 = arith.index_cast %parallel_loop3A_555 : i32 to index
        %parallel_loop3A_557 = arith.index_cast %parallel_loop3A_480 : i32 to index
        %parallel_loop3A_558 = arith.index_cast %parallel_loop3A_554 : i32 to index
        %parallel_loop3A_559 = tpu.vector_load %arg4[%parallel_loop3A_556, %parallel_loop3A_557, %parallel_loop3A_558] {strides = array<i32>} : memref<3x64x128xf32, #tpu.memory_space<vmem>>, vector<16xf32>,
        %parallel_loop3A_560 = arith.constant 48 : i32
        %parallel_loop3A_561 = arith.addi %mul3A_451, %parallel_loop3A_560 : i32
        %parallel_loop3A_562 = arith.constant 2 : i32
        %parallel_loop3A_563 = arith.index_cast %parallel_loop3A_562 : i32 to index
        %parallel_loop3A_564 = arith.index_cast %parallel_loop3A_480 : i32 to index
        %parallel_loop3A_565 = arith.index_cast %parallel_loop3A_561 : i32 to index
        %parallel_loop3A_566 = tpu.vector_load %arg4[%parallel_loop3A_563, %parallel_loop3A_564, %parallel_loop3A_565] {strides = array<i32>} : memref<3x64x128xf32, #tpu.memory_space<vmem>>, vector<16xf32>,
        %parallel_loop3A_567 = arith.addf %parallel_loop3A_489, %parallel_loop3A_496 : vector<16xf32>
        %parallel_loop3A_568 = arith.addf %parallel_loop3A_567, %parallel_loop3A_503 : vector<16xf32>
        %parallel_loop3A_569 = arith.constant 0.333333343 : f32
        %parallel_loop3A_570 = vector.broadcast %parallel_loop3A_569 : f32 to vector<16xf32>
        %parallel_loop3A_571 = arith.mulf %parallel_loop3A_568, %parallel_loop3A_570 : vector<16xf32>
        %parallel_loop3A_572 = arith.minimumf %parallel_loop3A_481, %parallel_loop3A_571 : vector<16xf32>
        %parallel_loop3A_573 = arith.maximumf %parallel_loop3A_482, %parallel_loop3A_571 : vector<16xf32>
        %parallel_loop3A_574 = arith.constant 2.560000e+02 : f32
        %parallel_loop3A_575 = vector.broadcast %parallel_loop3A_574 : f32 to vector<16xf32>
        %parallel_loop3A_576 = arith.mulf %parallel_loop3A_571, %parallel_loop3A_575 : vector<16xf32>
        %parallel_loop3A_577 = arith.constant 2.550000e+02 : f32
        %parallel_loop3A_578 = vector.broadcast %parallel_loop3A_577 : f32 to vector<16xf32>
        %parallel_loop3A_579 = arith.minimumf %parallel_loop3A_576, %parallel_loop3A_578 : vector<16xf32>
        %parallel_loop3A_580 = arith.fptosi %parallel_loop3A_579 : vector<16xf32> to vector<16xi32>
        %parallel_loop3A_581 = arith.addi %mul3A_3, %parallel_loop3A_580 : vector<16xi32>
        %parallel_loop3A_582 = arith.addf %parallel_loop3A_510, %parallel_loop3A_517 : vector<16xf32>
        %parallel_loop3A_583 = arith.addf %parallel_loop3A_582, %parallel_loop3A_524 : vector<16xf32>
        %parallel_loop3A_584 = arith.constant 0.333333343 : f32
        %parallel_loop3A_585 = vector.broadcast %parallel_loop3A_584 : f32 to vector<16xf32>
        %parallel_loop3A_586 = arith.mulf %parallel_loop3A_583, %parallel_loop3A_585 : vector<16xf32>
        %parallel_loop3A_587 = arith.minimumf %parallel_loop3A_572, %parallel_loop3A_586 : vector<16xf32>
        %parallel_loop3A_588 = arith.maximumf %parallel_loop3A_573, %parallel_loop3A_586 : vector<16xf32>
        %parallel_loop3A_589 = arith.constant 2.560000e+02 : f32
        %parallel_loop3A_590 = vector.broadcast %parallel_loop3A_589 : f32 to vector<16xf32>
        %parallel_loop3A_591 = arith.mulf %parallel_loop3A_586, %parallel_loop3A_590 : vector<16xf32>
        %parallel_loop3A_592 = arith.constant 2.550000e+02 : f32
        %parallel_loop3A_593 = vector.broadcast %parallel_loop3A_592 : f32 to vector<16xf32>
        %parallel_loop3A_594 = arith.minimumf %parallel_loop3A_591, %parallel_loop3A_593 : vector<16xf32>
        %parallel_loop3A_595 = arith.fptosi %parallel_loop3A_594 : vector<16xf32> to vector<16xi32>
        %parallel_loop3A_596 = arith.addi %mul3A_3, %parallel_loop3A_595 : vector<16xi32>
        %parallel_loop3A_597 = arith.addf %parallel_loop3A_531, %parallel_loop3A_538 : vector<16xf32>
        %parallel_loop3A_598 = arith.addf %parallel_loop3A_597, %parallel_loop3A_545 : vector<16xf32>
        %parallel_loop3A_599 = arith.constant 0.333333343 : f32
        %parallel_loop3A_600 = vector.broadcast %parallel_loop3A_599 : f32 to vector<16xf32>
        %parallel_loop3A_601 = arith.mulf %parallel_loop3A_598, %parallel_loop3A_600 : vector<16xf32>
        %parallel_loop3A_602 = arith.minimumf %parallel_loop3A_587, %parallel_loop3A_601 : vector<16xf32>
        %parallel_loop3A_603 = arith.maximumf %parallel_loop3A_588, %parallel_loop3A_601 : vector<16xf32>
        %parallel_loop3A_604 = arith.constant 2.560000e+02 : f32
        %parallel_loop3A_605 = vector.broadcast %parallel_loop3A_604 : f32 to vector<16xf32>
        %parallel_loop3A_606 = arith.mulf %parallel_loop3A_601, %parallel_loop3A_605 : vector<16xf32>
        %parallel_loop3A_607 = arith.constant 2.550000e+02 : f32
        %parallel_loop3A_608 = vector.broadcast %parallel_loop3A_607 : f32 to vector<16xf32>
        %parallel_loop3A_609 = arith.minimumf %parallel_loop3A_606, %parallel_loop3A_608 : vector<16xf32>
        %parallel_loop3A_610 = arith.fptosi %parallel_loop3A_609 : vector<16xf32> to vector<16xi32>
        %parallel_loop3A_611 = arith.addi %mul3A_3, %parallel_loop3A_610 : vector<16xi32>
        %parallel_loop3A_612 = arith.addf %parallel_loop3A_552, %parallel_loop3A_559 : vector<16xf32>
        %parallel_loop3A_613 = arith.addf %parallel_loop3A_612, %parallel_loop3A_566 : vector<16xf32>
        %parallel_loop3A_614 = arith.constant 0.333333343 : f32
        %parallel_loop3A_615 = vector.broadcast %parallel_loop3A_614 : f32 to vector<16xf32>
        %parallel_loop3A_616 = arith.mulf %parallel_loop3A_613, %parallel_loop3A_615 : vector<16xf32>
        %parallel_loop3A_617 = arith.minimumf %parallel_loop3A_602, %parallel_loop3A_616 : vector<16xf32>
        %parallel_loop3A_618 = arith.maximumf %parallel_loop3A_603, %parallel_loop3A_616 : vector<16xf32>
        %parallel_loop3A_619 = arith.constant 2.560000e+02 : f32
        %parallel_loop3A_620 = vector.broadcast %parallel_loop3A_619 : f32 to vector<16xf32>
        %parallel_loop3A_621 = arith.mulf %parallel_loop3A_616, %parallel_loop3A_620 : vector<16xf32>
        %parallel_loop3A_622 = arith.constant 2.550000e+02 : f32
        %parallel_loop3A_623 = vector.broadcast %parallel_loop3A_622 : f32 to vector<16xf32>
        %parallel_loop3A_624 = arith.minimumf %parallel_loop3A_621, %parallel_loop3A_623 : vector<16xf32>
        %parallel_loop3A_625 = arith.fptosi %parallel_loop3A_624 : vector<16xf32> to vector<16xi32>
        %parallel_loop3A_626 = arith.addi %mul3A_3, %parallel_loop3A_625 : vector<16xi32>
        tpu.vector_store_idx %arg5[%parallel_loop3A_581], %broadcast_in_dim3A_4 {add = true} : memref<4112xf32, #tpu.memory_space<vmem>>[vector<16xi32>], vector<16xf32>,
        tpu.vector_store_idx %arg5[%parallel_loop3A_596], %broadcast_in_dim3A_4 {add = true} : memref<4112xf32, #tpu.memory_space<vmem>>[vector<16xi32>], vector<16xf32>,
        tpu.vector_store_idx %arg5[%parallel_loop3A_611], %broadcast_in_dim3A_4 {add = true} : memref<4112xf32, #tpu.memory_space<vmem>>[vector<16xi32>], vector<16xf32>,
        tpu.vector_store_idx %arg5[%parallel_loop3A_626], %broadcast_in_dim3A_4 {add = true} : memref<4112xf32, #tpu.memory_space<vmem>>[vector<16xi32>], vector<16xf32>,
        scf.yield %parallel_loop3A_617, %parallel_loop3A_618 : vector<16xf32>, vector<16xf32>
      } {sc.loop_unroll_factor = 2 : i64, sc.parallel_access}
      %reduce_min3A = arith.constant true
      %reduce_min3A_459 = vector.broadcast %reduce_min3A : i1 to vector<16xi1>
      %reduce_min3A_460 = tpu.scan <min>, %parallel_loop3A_458#0 masked %reduce_min3A_459 : vector<16xf32>, vector<16xi1> -> vector<16xf32>
      %reduce_min3A_461 = vector.extract %reduce_min3A_460[15] : f32 from vector<16xf32>
      %broadcast_in_dim3A_462 = vector.broadcast %reduce_min3A_461 : f32 to vector<16xf32>
      %reduce_max3A = arith.constant true
      %reduce_max3A_463 = vector.broadcast %reduce_max3A : i1 to vector<16xi1>
      %reduce_max3A_464 = tpu.scan <max>, %parallel_loop3A_458#1 masked %reduce_max3A_463 : vector<16xf32>, vector<16xi1> -> vector<16xf32>
      %reduce_max3A_465 = vector.extract %reduce_max3A_464[15] : f32 from vector<16xf32>
      %broadcast_in_dim3A_466 = vector.broadcast %reduce_max3A_465 : f32 to vector<16xf32>
      %parallel_loop3A_467 = arith.constant 0 : i32
      %parallel_loop3A_468 = arith.constant 16 : i32
      %parallel_loop3A_469 = arith.constant 1 : i32
      %parallel_loop3A_470:16 = scf.for %parallel_loop3A_480 = %parallel_loop3A_467 to %parallel_loop3A_468 step %parallel_loop3A_469 iter_args(%parallel_loop3A_481 = %broadcast_in_dim3A_6, %parallel_loop3A_482 = %broadcast_in_dim3A_6, %parallel_loop3A_483 = %broadcast_in_dim3A_6, %parallel_loop3A_484 = %broadcast_in_dim3A_6, %parallel_loop3A_485 = %broadcast_in_dim3A_6, %parallel_loop3A_486 = %broadcast_in_dim3A_6, %parallel_loop3A_487 = %broadcast_in_dim3A_6, %parallel_loop3A_488 = %broadcast_in_dim3A_6, %parallel_loop3A_489 = %broadcast_in_dim3A_6, %parallel_loop3A_490 = %broadcast_in_dim3A_6, %parallel_loop3A_491 = %broadcast_in_dim3A_6, %parallel_loop3A_492 = %broadcast_in_dim3A_6, %parallel_loop3A_493 = %broadcast_in_dim3A_6, %parallel_loop3A_494 = %broadcast_in_dim3A_6, %parallel_loop3A_495 = %broadcast_in_dim3A_6, %parallel_loop3A_496 = %broadcast_in_dim3A_6) -> (vector<16xf32>, vector<16xf32>, vector<16xf32>, vector<16xf32>, vector<16xf32>, vector<16xf32>, vector<16xf32>, vector<16xf32>, vector<16xf32>, vector<16xf32>, vector<16xf32>, vector<16xf32>, vector<16xf32>, vector<16xf32>, vector<16xf32>, vector<16xf32>)  : i32 {
        %parallel_loop3A_497 = arith.constant 257 : i32
        %parallel_loop3A_498 = arith.muli %parallel_loop3A_480, %parallel_loop3A_497 : i32
        %parallel_loop3A_499 = arith.constant 0 : i32
        %parallel_loop3A_500 = arith.addi %parallel_loop3A_498, %parallel_loop3A_499 : i32
        %parallel_loop3A_501 = arith.index_cast %parallel_loop3A_500 : i32 to index
        %parallel_loop3A_502 = tpu.vector_load %arg5[%parallel_loop3A_501] {strides = array<i32>} : memref<4112xf32, #tpu.memory_space<vmem>>, vector<16xf32>,
        %parallel_loop3A_503 = arith.constant 257 : i32
        %parallel_loop3A_504 = arith.muli %parallel_loop3A_480, %parallel_loop3A_503 : i32
        %parallel_loop3A_505 = arith.constant 16 : i32
        %parallel_loop3A_506 = arith.addi %parallel_loop3A_504, %parallel_loop3A_505 : i32
        %parallel_loop3A_507 = arith.index_cast %parallel_loop3A_506 : i32 to index
        %parallel_loop3A_508 = tpu.vector_load %arg5[%parallel_loop3A_507] {strides = array<i32>} : memref<4112xf32, #tpu.memory_space<vmem>>, vector<16xf32>,
        %parallel_loop3A_509 = arith.constant 257 : i32
        %parallel_loop3A_510 = arith.muli %parallel_loop3A_480, %parallel_loop3A_509 : i32
        %parallel_loop3A_511 = arith.constant 32 : i32
        %parallel_loop3A_512 = arith.addi %parallel_loop3A_510, %parallel_loop3A_511 : i32
        %parallel_loop3A_513 = arith.index_cast %parallel_loop3A_512 : i32 to index
        %parallel_loop3A_514 = tpu.vector_load %arg5[%parallel_loop3A_513] {strides = array<i32>} : memref<4112xf32, #tpu.memory_space<vmem>>, vector<16xf32>,
        %parallel_loop3A_515 = arith.constant 257 : i32
        %parallel_loop3A_516 = arith.muli %parallel_loop3A_480, %parallel_loop3A_515 : i32
        %parallel_loop3A_517 = arith.constant 48 : i32
        %parallel_loop3A_518 = arith.addi %parallel_loop3A_516, %parallel_loop3A_517 : i32
        %parallel_loop3A_519 = arith.index_cast %parallel_loop3A_518 : i32 to index
        %parallel_loop3A_520 = tpu.vector_load %arg5[%parallel_loop3A_519] {strides = array<i32>} : memref<4112xf32, #tpu.memory_space<vmem>>, vector<16xf32>,
        %parallel_loop3A_521 = arith.constant 257 : i32
        %parallel_loop3A_522 = arith.muli %parallel_loop3A_480, %parallel_loop3A_521 : i32
        %parallel_loop3A_523 = arith.constant 64 : i32
        %parallel_loop3A_524 = arith.addi %parallel_loop3A_522, %parallel_loop3A_523 : i32
        %parallel_loop3A_525 = arith.index_cast %parallel_loop3A_524 : i32 to index
        %parallel_loop3A_526 = tpu.vector_load %arg5[%parallel_loop3A_525] {strides = array<i32>} : memref<4112xf32, #tpu.memory_space<vmem>>, vector<16xf32>,
        %parallel_loop3A_527 = arith.constant 257 : i32
        %parallel_loop3A_528 = arith.muli %parallel_loop3A_480, %parallel_loop3A_527 : i32
        %parallel_loop3A_529 = arith.constant 80 : i32
        %parallel_loop3A_530 = arith.addi %parallel_loop3A_528, %parallel_loop3A_529 : i32
        %parallel_loop3A_531 = arith.index_cast %parallel_loop3A_530 : i32 to index
        %parallel_loop3A_532 = tpu.vector_load %arg5[%parallel_loop3A_531] {strides = array<i32>} : memref<4112xf32, #tpu.memory_space<vmem>>, vector<16xf32>,
        %parallel_loop3A_533 = arith.constant 257 : i32
        %parallel_loop3A_534 = arith.muli %parallel_loop3A_480, %parallel_loop3A_533 : i32
        %parallel_loop3A_535 = arith.constant 96 : i32
        %parallel_loop3A_536 = arith.addi %parallel_loop3A_534, %parallel_loop3A_535 : i32
        %parallel_loop3A_537 = arith.index_cast %parallel_loop3A_536 : i32 to index
        %parallel_loop3A_538 = tpu.vector_load %arg5[%parallel_loop3A_537] {strides = array<i32>} : memref<4112xf32, #tpu.memory_space<vmem>>, vector<16xf32>,
        %parallel_loop3A_539 = arith.constant 257 : i32
        %parallel_loop3A_540 = arith.muli %parallel_loop3A_480, %parallel_loop3A_539 : i32
        %parallel_loop3A_541 = arith.constant 112 : i32
        %parallel_loop3A_542 = arith.addi %parallel_loop3A_540, %parallel_loop3A_541 : i32
        %parallel_loop3A_543 = arith.index_cast %parallel_loop3A_542 : i32 to index
        %parallel_loop3A_544 = tpu.vector_load %arg5[%parallel_loop3A_543] {strides = array<i32>} : memref<4112xf32, #tpu.memory_space<vmem>>, vector<16xf32>,
        %parallel_loop3A_545 = arith.constant 257 : i32
        %parallel_loop3A_546 = arith.muli %parallel_loop3A_480, %parallel_loop3A_545 : i32
        %parallel_loop3A_547 = arith.constant 128 : i32
        %parallel_loop3A_548 = arith.addi %parallel_loop3A_546, %parallel_loop3A_547 : i32
        %parallel_loop3A_549 = arith.index_cast %parallel_loop3A_548 : i32 to index
        %parallel_loop3A_550 = tpu.vector_load %arg5[%parallel_loop3A_549] {strides = array<i32>} : memref<4112xf32, #tpu.memory_space<vmem>>, vector<16xf32>,
        %parallel_loop3A_551 = arith.constant 257 : i32
        %parallel_loop3A_552 = arith.muli %parallel_loop3A_480, %parallel_loop3A_551 : i32
        %parallel_loop3A_553 = arith.constant 144 : i32
        %parallel_loop3A_554 = arith.addi %parallel_loop3A_552, %parallel_loop3A_553 : i32
        %parallel_loop3A_555 = arith.index_cast %parallel_loop3A_554 : i32 to index
        %parallel_loop3A_556 = tpu.vector_load %arg5[%parallel_loop3A_555] {strides = array<i32>} : memref<4112xf32, #tpu.memory_space<vmem>>, vector<16xf32>,
        %parallel_loop3A_557 = arith.constant 257 : i32
        %parallel_loop3A_558 = arith.muli %parallel_loop3A_480, %parallel_loop3A_557 : i32
        %parallel_loop3A_559 = arith.constant 160 : i32
        %parallel_loop3A_560 = arith.addi %parallel_loop3A_558, %parallel_loop3A_559 : i32
        %parallel_loop3A_561 = arith.index_cast %parallel_loop3A_560 : i32 to index
        %parallel_loop3A_562 = tpu.vector_load %arg5[%parallel_loop3A_561] {strides = array<i32>} : memref<4112xf32, #tpu.memory_space<vmem>>, vector<16xf32>,
        %parallel_loop3A_563 = arith.constant 257 : i32
        %parallel_loop3A_564 = arith.muli %parallel_loop3A_480, %parallel_loop3A_563 : i32
        %parallel_loop3A_565 = arith.constant 176 : i32
        %parallel_loop3A_566 = arith.addi %parallel_loop3A_564, %parallel_loop3A_565 : i32
        %parallel_loop3A_567 = arith.index_cast %parallel_loop3A_566 : i32 to index
        %parallel_loop3A_568 = tpu.vector_load %arg5[%parallel_loop3A_567] {strides = array<i32>} : memref<4112xf32, #tpu.memory_space<vmem>>, vector<16xf32>,
        %parallel_loop3A_569 = arith.constant 257 : i32
        %parallel_loop3A_570 = arith.muli %parallel_loop3A_480, %parallel_loop3A_569 : i32
        %parallel_loop3A_571 = arith.constant 192 : i32
        %parallel_loop3A_572 = arith.addi %parallel_loop3A_570, %parallel_loop3A_571 : i32
        %parallel_loop3A_573 = arith.index_cast %parallel_loop3A_572 : i32 to index
        %parallel_loop3A_574 = tpu.vector_load %arg5[%parallel_loop3A_573] {strides = array<i32>} : memref<4112xf32, #tpu.memory_space<vmem>>, vector<16xf32>,
        %parallel_loop3A_575 = arith.constant 257 : i32
        %parallel_loop3A_576 = arith.muli %parallel_loop3A_480, %parallel_loop3A_575 : i32
        %parallel_loop3A_577 = arith.constant 208 : i32
        %parallel_loop3A_578 = arith.addi %parallel_loop3A_576, %parallel_loop3A_577 : i32
        %parallel_loop3A_579 = arith.index_cast %parallel_loop3A_578 : i32 to index
        %parallel_loop3A_580 = tpu.vector_load %arg5[%parallel_loop3A_579] {strides = array<i32>} : memref<4112xf32, #tpu.memory_space<vmem>>, vector<16xf32>,
        %parallel_loop3A_581 = arith.constant 257 : i32
        %parallel_loop3A_582 = arith.muli %parallel_loop3A_480, %parallel_loop3A_581 : i32
        %parallel_loop3A_583 = arith.constant 224 : i32
        %parallel_loop3A_584 = arith.addi %parallel_loop3A_582, %parallel_loop3A_583 : i32
        %parallel_loop3A_585 = arith.index_cast %parallel_loop3A_584 : i32 to index
        %parallel_loop3A_586 = tpu.vector_load %arg5[%parallel_loop3A_585] {strides = array<i32>} : memref<4112xf32, #tpu.memory_space<vmem>>, vector<16xf32>,
        %parallel_loop3A_587 = arith.constant 257 : i32
        %parallel_loop3A_588 = arith.muli %parallel_loop3A_480, %parallel_loop3A_587 : i32
        %parallel_loop3A_589 = arith.constant 240 : i32
        %parallel_loop3A_590 = arith.addi %parallel_loop3A_588, %parallel_loop3A_589 : i32
        %parallel_loop3A_591 = arith.index_cast %parallel_loop3A_590 : i32 to index
        %parallel_loop3A_592 = tpu.vector_load %arg5[%parallel_loop3A_591] {strides = array<i32>} : memref<4112xf32, #tpu.memory_space<vmem>>, vector<16xf32>,
        %parallel_loop3A_593 = arith.constant 257 : i32
        %parallel_loop3A_594 = arith.muli %parallel_loop3A_480, %parallel_loop3A_593 : i32
        %parallel_loop3A_595 = arith.constant 0 : i32
        %parallel_loop3A_596 = arith.addi %parallel_loop3A_594, %parallel_loop3A_595 : i32
        %parallel_loop3A_597 = arith.index_cast %parallel_loop3A_596 : i32 to index
        %parallel_loop3A_598 = tpu.vector_load %arg5[%parallel_loop3A_597] {strides = array<i32>} : memref<4112xf32, #tpu.memory_space<vmem>>, vector<16xf32>,
        tpu.vector_store %arg5[%parallel_loop3A_597], %broadcast_in_dim3A_6 {strides = array<i32>} : memref<4112xf32, #tpu.memory_space<vmem>>, vector<16xf32>,
        %parallel_loop3A_599 = arith.constant 257 : i32
        %parallel_loop3A_600 = arith.muli %parallel_loop3A_480, %parallel_loop3A_599 : i32
        %parallel_loop3A_601 = arith.constant 16 : i32
        %parallel_loop3A_602 = arith.addi %parallel_loop3A_600, %parallel_loop3A_601 : i32
        %parallel_loop3A_603 = arith.index_cast %parallel_loop3A_602 : i32 to index
        %parallel_loop3A_604 = tpu.vector_load %arg5[%parallel_loop3A_603] {strides = array<i32>} : memref<4112xf32, #tpu.memory_space<vmem>>, vector<16xf32>,
        tpu.vector_store %arg5[%parallel_loop3A_603], %broadcast_in_dim3A_6 {strides = array<i32>} : memref<4112xf32, #tpu.memory_space<vmem>>, vector<16xf32>,
        %parallel_loop3A_605 = arith.constant 257 : i32
        %parallel_loop3A_606 = arith.muli %parallel_loop3A_480, %parallel_loop3A_605 : i32
        %parallel_loop3A_607 = arith.constant 32 : i32
        %parallel_loop3A_608 = arith.addi %parallel_loop3A_606, %parallel_loop3A_607 : i32
        %parallel_loop3A_609 = arith.index_cast %parallel_loop3A_608 : i32 to index
        %parallel_loop3A_610 = tpu.vector_load %arg5[%parallel_loop3A_609] {strides = array<i32>} : memref<4112xf32, #tpu.memory_space<vmem>>, vector<16xf32>,
        tpu.vector_store %arg5[%parallel_loop3A_609], %broadcast_in_dim3A_6 {strides = array<i32>} : memref<4112xf32, #tpu.memory_space<vmem>>, vector<16xf32>,
        %parallel_loop3A_611 = arith.constant 257 : i32
        %parallel_loop3A_612 = arith.muli %parallel_loop3A_480, %parallel_loop3A_611 : i32
        %parallel_loop3A_613 = arith.constant 48 : i32
        %parallel_loop3A_614 = arith.addi %parallel_loop3A_612, %parallel_loop3A_613 : i32
        %parallel_loop3A_615 = arith.index_cast %parallel_loop3A_614 : i32 to index
        %parallel_loop3A_616 = tpu.vector_load %arg5[%parallel_loop3A_615] {strides = array<i32>} : memref<4112xf32, #tpu.memory_space<vmem>>, vector<16xf32>,
        tpu.vector_store %arg5[%parallel_loop3A_615], %broadcast_in_dim3A_6 {strides = array<i32>} : memref<4112xf32, #tpu.memory_space<vmem>>, vector<16xf32>,
        %parallel_loop3A_617 = arith.constant 257 : i32
        %parallel_loop3A_618 = arith.muli %parallel_loop3A_480, %parallel_loop3A_617 : i32
        %parallel_loop3A_619 = arith.constant 64 : i32
        %parallel_loop3A_620 = arith.addi %parallel_loop3A_618, %parallel_loop3A_619 : i32
        %parallel_loop3A_621 = arith.index_cast %parallel_loop3A_620 : i32 to index
        %parallel_loop3A_622 = tpu.vector_load %arg5[%parallel_loop3A_621] {strides = array<i32>} : memref<4112xf32, #tpu.memory_space<vmem>>, vector<16xf32>,
        tpu.vector_store %arg5[%parallel_loop3A_621], %broadcast_in_dim3A_6 {strides = array<i32>} : memref<4112xf32, #tpu.memory_space<vmem>>, vector<16xf32>,
        %parallel_loop3A_623 = arith.constant 257 : i32
        %parallel_loop3A_624 = arith.muli %parallel_loop3A_480, %parallel_loop3A_623 : i32
        %parallel_loop3A_625 = arith.constant 80 : i32
        %parallel_loop3A_626 = arith.addi %parallel_loop3A_624, %parallel_loop3A_625 : i32
        %parallel_loop3A_627 = arith.index_cast %parallel_loop3A_626 : i32 to index
        %parallel_loop3A_628 = tpu.vector_load %arg5[%parallel_loop3A_627] {strides = array<i32>} : memref<4112xf32, #tpu.memory_space<vmem>>, vector<16xf32>,
        tpu.vector_store %arg5[%parallel_loop3A_627], %broadcast_in_dim3A_6 {strides = array<i32>} : memref<4112xf32, #tpu.memory_space<vmem>>, vector<16xf32>,
        %parallel_loop3A_629 = arith.constant 257 : i32
        %parallel_loop3A_630 = arith.muli %parallel_loop3A_480, %parallel_loop3A_629 : i32
        %parallel_loop3A_631 = arith.constant 96 : i32
        %parallel_loop3A_632 = arith.addi %parallel_loop3A_630, %parallel_loop3A_631 : i32
        %parallel_loop3A_633 = arith.index_cast %parallel_loop3A_632 : i32 to index
        %parallel_loop3A_634 = tpu.vector_load %arg5[%parallel_loop3A_633] {strides = array<i32>} : memref<4112xf32, #tpu.memory_space<vmem>>, vector<16xf32>,
        tpu.vector_store %arg5[%parallel_loop3A_633], %broadcast_in_dim3A_6 {strides = array<i32>} : memref<4112xf32, #tpu.memory_space<vmem>>, vector<16xf32>,
        %parallel_loop3A_635 = arith.constant 257 : i32
        %parallel_loop3A_636 = arith.muli %parallel_loop3A_480, %parallel_loop3A_635 : i32
        %parallel_loop3A_637 = arith.constant 112 : i32
        %parallel_loop3A_638 = arith.addi %parallel_loop3A_636, %parallel_loop3A_637 : i32
        %parallel_loop3A_639 = arith.index_cast %parallel_loop3A_638 : i32 to index
        %parallel_loop3A_640 = tpu.vector_load %arg5[%parallel_loop3A_639] {strides = array<i32>} : memref<4112xf32, #tpu.memory_space<vmem>>, vector<16xf32>,
        tpu.vector_store %arg5[%parallel_loop3A_639], %broadcast_in_dim3A_6 {strides = array<i32>} : memref<4112xf32, #tpu.memory_space<vmem>>, vector<16xf32>,
        %parallel_loop3A_641 = arith.constant 257 : i32
        %parallel_loop3A_642 = arith.muli %parallel_loop3A_480, %parallel_loop3A_641 : i32
        %parallel_loop3A_643 = arith.constant 128 : i32
        %parallel_loop3A_644 = arith.addi %parallel_loop3A_642, %parallel_loop3A_643 : i32
        %parallel_loop3A_645 = arith.index_cast %parallel_loop3A_644 : i32 to index
        %parallel_loop3A_646 = tpu.vector_load %arg5[%parallel_loop3A_645] {strides = array<i32>} : memref<4112xf32, #tpu.memory_space<vmem>>, vector<16xf32>,
        tpu.vector_store %arg5[%parallel_loop3A_645], %broadcast_in_dim3A_6 {strides = array<i32>} : memref<4112xf32, #tpu.memory_space<vmem>>, vector<16xf32>,
        %parallel_loop3A_647 = arith.constant 257 : i32
        %parallel_loop3A_648 = arith.muli %parallel_loop3A_480, %parallel_loop3A_647 : i32
        %parallel_loop3A_649 = arith.constant 144 : i32
        %parallel_loop3A_650 = arith.addi %parallel_loop3A_648, %parallel_loop3A_649 : i32
        %parallel_loop3A_651 = arith.index_cast %parallel_loop3A_650 : i32 to index
        %parallel_loop3A_652 = tpu.vector_load %arg5[%parallel_loop3A_651] {strides = array<i32>} : memref<4112xf32, #tpu.memory_space<vmem>>, vector<16xf32>,
        tpu.vector_store %arg5[%parallel_loop3A_651], %broadcast_in_dim3A_6 {strides = array<i32>} : memref<4112xf32, #tpu.memory_space<vmem>>, vector<16xf32>,
        %parallel_loop3A_653 = arith.constant 257 : i32
        %parallel_loop3A_654 = arith.muli %parallel_loop3A_480, %parallel_loop3A_653 : i32
        %parallel_loop3A_655 = arith.constant 160 : i32
        %parallel_loop3A_656 = arith.addi %parallel_loop3A_654, %parallel_loop3A_655 : i32
        %parallel_loop3A_657 = arith.index_cast %parallel_loop3A_656 : i32 to index
        %parallel_loop3A_658 = tpu.vector_load %arg5[%parallel_loop3A_657] {strides = array<i32>} : memref<4112xf32, #tpu.memory_space<vmem>>, vector<16xf32>,
        tpu.vector_store %arg5[%parallel_loop3A_657], %broadcast_in_dim3A_6 {strides = array<i32>} : memref<4112xf32, #tpu.memory_space<vmem>>, vector<16xf32>,
        %parallel_loop3A_659 = arith.constant 257 : i32
        %parallel_loop3A_660 = arith.muli %parallel_loop3A_480, %parallel_loop3A_659 : i32
        %parallel_loop3A_661 = arith.constant 176 : i32
        %parallel_loop3A_662 = arith.addi %parallel_loop3A_660, %parallel_loop3A_661 : i32
        %parallel_loop3A_663 = arith.index_cast %parallel_loop3A_662 : i32 to index
        %parallel_loop3A_664 = tpu.vector_load %arg5[%parallel_loop3A_663] {strides = array<i32>} : memref<4112xf32, #tpu.memory_space<vmem>>, vector<16xf32>,
        tpu.vector_store %arg5[%parallel_loop3A_663], %broadcast_in_dim3A_6 {strides = array<i32>} : memref<4112xf32, #tpu.memory_space<vmem>>, vector<16xf32>,
        %parallel_loop3A_665 = arith.constant 257 : i32
        %parallel_loop3A_666 = arith.muli %parallel_loop3A_480, %parallel_loop3A_665 : i32
        %parallel_loop3A_667 = arith.constant 192 : i32
        %parallel_loop3A_668 = arith.addi %parallel_loop3A_666, %parallel_loop3A_667 : i32
        %parallel_loop3A_669 = arith.index_cast %parallel_loop3A_668 : i32 to index
        %parallel_loop3A_670 = tpu.vector_load %arg5[%parallel_loop3A_669] {strides = array<i32>} : memref<4112xf32, #tpu.memory_space<vmem>>, vector<16xf32>,
        tpu.vector_store %arg5[%parallel_loop3A_669], %broadcast_in_dim3A_6 {strides = array<i32>} : memref<4112xf32, #tpu.memory_space<vmem>>, vector<16xf32>,
        %parallel_loop3A_671 = arith.constant 257 : i32
        %parallel_loop3A_672 = arith.muli %parallel_loop3A_480, %parallel_loop3A_671 : i32
        %parallel_loop3A_673 = arith.constant 208 : i32
        %parallel_loop3A_674 = arith.addi %parallel_loop3A_672, %parallel_loop3A_673 : i32
        %parallel_loop3A_675 = arith.index_cast %parallel_loop3A_674 : i32 to index
        %parallel_loop3A_676 = tpu.vector_load %arg5[%parallel_loop3A_675] {strides = array<i32>} : memref<4112xf32, #tpu.memory_space<vmem>>, vector<16xf32>,
        tpu.vector_store %arg5[%parallel_loop3A_675], %broadcast_in_dim3A_6 {strides = array<i32>} : memref<4112xf32, #tpu.memory_space<vmem>>, vector<16xf32>,
        %parallel_loop3A_677 = arith.constant 257 : i32
        %parallel_loop3A_678 = arith.muli %parallel_loop3A_480, %parallel_loop3A_677 : i32
        %parallel_loop3A_679 = arith.constant 224 : i32
        %parallel_loop3A_680 = arith.addi %parallel_loop3A_678, %parallel_loop3A_679 : i32
        %parallel_loop3A_681 = arith.index_cast %parallel_loop3A_680 : i32 to index
        %parallel_loop3A_682 = tpu.vector_load %arg5[%parallel_loop3A_681] {strides = array<i32>} : memref<4112xf32, #tpu.memory_space<vmem>>, vector<16xf32>,
        tpu.vector_store %arg5[%parallel_loop3A_681], %broadcast_in_dim3A_6 {strides = array<i32>} : memref<4112xf32, #tpu.memory_space<vmem>>, vector<16xf32>,
        %parallel_loop3A_683 = arith.constant 257 : i32
        %parallel_loop3A_684 = arith.muli %parallel_loop3A_480, %parallel_loop3A_683 : i32
        %parallel_loop3A_685 = arith.constant 240 : i32
        %parallel_loop3A_686 = arith.addi %parallel_loop3A_684, %parallel_loop3A_685 : i32
        %parallel_loop3A_687 = arith.index_cast %parallel_loop3A_686 : i32 to index
        %parallel_loop3A_688 = tpu.vector_load %arg5[%parallel_loop3A_687] {strides = array<i32>} : memref<4112xf32, #tpu.memory_space<vmem>>, vector<16xf32>,
        tpu.vector_store %arg5[%parallel_loop3A_687], %broadcast_in_dim3A_6 {strides = array<i32>} : memref<4112xf32, #tpu.memory_space<vmem>>, vector<16xf32>,
        %parallel_loop3A_689 = arith.addf %parallel_loop3A_481, %parallel_loop3A_502 : vector<16xf32>
        %parallel_loop3A_690 = arith.addf %parallel_loop3A_482, %parallel_loop3A_508 : vector<16xf32>
        %parallel_loop3A_691 = arith.addf %parallel_loop3A_483, %parallel_loop3A_514 : vector<16xf32>
        %parallel_loop3A_692 = arith.addf %parallel_loop3A_484, %parallel_loop3A_520 : vector<16xf32>
        %parallel_loop3A_693 = arith.addf %parallel_loop3A_485, %parallel_loop3A_526 : vector<16xf32>
        %parallel_loop3A_694 = arith.addf %parallel_loop3A_486, %parallel_loop3A_532 : vector<16xf32>
        %parallel_loop3A_695 = arith.addf %parallel_loop3A_487, %parallel_loop3A_538 : vector<16xf32>
        %parallel_loop3A_696 = arith.addf %parallel_loop3A_488, %parallel_loop3A_544 : vector<16xf32>
        %parallel_loop3A_697 = arith.addf %parallel_loop3A_489, %parallel_loop3A_550 : vector<16xf32>
        %parallel_loop3A_698 = arith.addf %parallel_loop3A_490, %parallel_loop3A_556 : vector<16xf32>
        %parallel_loop3A_699 = arith.addf %parallel_loop3A_491, %parallel_loop3A_562 : vector<16xf32>
        %parallel_loop3A_700 = arith.addf %parallel_loop3A_492, %parallel_loop3A_568 : vector<16xf32>
        %parallel_loop3A_701 = arith.addf %parallel_loop3A_493, %parallel_loop3A_574 : vector<16xf32>
        %parallel_loop3A_702 = arith.addf %parallel_loop3A_494, %parallel_loop3A_580 : vector<16xf32>
        %parallel_loop3A_703 = arith.addf %parallel_loop3A_495, %parallel_loop3A_586 : vector<16xf32>
        %parallel_loop3A_704 = arith.addf %parallel_loop3A_496, %parallel_loop3A_592 : vector<16xf32>
        scf.yield %parallel_loop3A_689, %parallel_loop3A_690, %parallel_loop3A_691, %parallel_loop3A_692, %parallel_loop3A_693, %parallel_loop3A_694, %parallel_loop3A_695, %parallel_loop3A_696, %parallel_loop3A_697, %parallel_loop3A_698, %parallel_loop3A_699, %parallel_loop3A_700, %parallel_loop3A_701, %parallel_loop3A_702, %parallel_loop3A_703, %parallel_loop3A_704 : vector<16xf32>, vector<16xf32>, vector<16xf32>, vector<16xf32>, vector<16xf32>, vector<16xf32>, vector<16xf32>, vector<16xf32>, vector<16xf32>, vector<16xf32>, vector<16xf32>, vector<16xf32>, vector<16xf32>, vector<16xf32>, vector<16xf32>, vector<16xf32>
      } {sc.loop_unroll_factor = 2 : i64, sc.parallel_access}
      %reduce_max3A_471 = arith.constant true
      %reduce_max3A_472 = vector.broadcast %reduce_max3A_471 : i1 to vector<16xi1>
      %reduce_max3A_473 = tpu.scan <max>, %parallel_loop3A_458#1 masked %reduce_max3A_472 : vector<16xf32>, vector<16xi1> -> vector<16xf32>
      %reduce_max3A_474 = vector.extract %reduce_max3A_473[15] : f32 from vector<16xf32>
      %reduce_min3A_475 = arith.constant true
      %reduce_min3A_476 = vector.broadcast %reduce_min3A_475 : i1 to vector<16xi1>
      %reduce_min3A_477 = tpu.scan <min>, %parallel_loop3A_458#0 masked %reduce_min3A_476 : vector<16xf32>, vector<16xi1> -> vector<16xf32>
      %reduce_min3A_478 = vector.extract %reduce_min3A_477[15] : f32 from vector<16xf32>
      %gt3A = arith.cmpf ogt, %reduce_max3A_474, %reduce_min3A_478 : f32
      %convert_element_type3A = arith.extui %gt3A : i1 to i32
      %cond3A = arith.constant 0 : i32
      %cond3A_479 = arith.cmpi ne, %convert_element_type3A, %cond3A : i32
      scf.if %cond3A_479 {
        %sub3A_480 = arith.constant 6.400000e+01 : f32
        %sub3A_481 = vector.broadcast %sub3A_480 : f32 to vector<16xf32>
        %sub3A_482 = arith.subf %parallel_loop3A_470#0, %sub3A_481 : vector<16xf32>
        %max3A = arith.constant 0.000000e+00 : f32
        %max3A_483 = vector.broadcast %max3A : f32 to vector<16xf32>
        %max3A_484 = arith.maximumf %sub3A_482, %max3A_483 : vector<16xf32>
        %add3A_485 = arith.addf %broadcast_in_dim3A_6, %max3A_484 : vector<16xf32>
        %min3A = arith.constant 6.400000e+01 : f32
        %min3A_486 = vector.broadcast %min3A : f32 to vector<16xf32>
        %min3A_487 = arith.minimumf %parallel_loop3A_470#0, %min3A_486 : vector<16xf32>
        %sub3A_488 = arith.constant 6.400000e+01 : f32
        %sub3A_489 = vector.broadcast %sub3A_488 : f32 to vector<16xf32>
        %sub3A_490 = arith.subf %parallel_loop3A_470#1, %sub3A_489 : vector<16xf32>
        %max3A_491 = arith.constant 0.000000e+00 : f32
        %max3A_492 = vector.broadcast %max3A_491 : f32 to vector<16xf32>
        %max3A_493 = arith.maximumf %sub3A_490, %max3A_492 : vector<16xf32>
        %add3A_494 = arith.addf %add3A_485, %max3A_493 : vector<16xf32>
        %min3A_495 = arith.constant 6.400000e+01 : f32
        %min3A_496 = vector.broadcast %min3A_495 : f32 to vector<16xf32>
        %min3A_497 = arith.minimumf %parallel_loop3A_470#1, %min3A_496 : vector<16xf32>
        %sub3A_498 = arith.constant 6.400000e+01 : f32
        %sub3A_499 = vector.broadcast %sub3A_498 : f32 to vector<16xf32>
        %sub3A_500 = arith.subf %parallel_loop3A_470#2, %sub3A_499 : vector<16xf32>
        %max3A_501 = arith.constant 0.000000e+00 : f32
        %max3A_502 = vector.broadcast %max3A_501 : f32 to vector<16xf32>
        %max3A_503 = arith.maximumf %sub3A_500, %max3A_502 : vector<16xf32>
        %add3A_504 = arith.addf %add3A_494, %max3A_503 : vector<16xf32>
        %min3A_505 = arith.constant 6.400000e+01 : f32
        %min3A_506 = vector.broadcast %min3A_505 : f32 to vector<16xf32>
        %min3A_507 = arith.minimumf %parallel_loop3A_470#2, %min3A_506 : vector<16xf32>
        %sub3A_508 = arith.constant 6.400000e+01 : f32
        %sub3A_509 = vector.broadcast %sub3A_508 : f32 to vector<16xf32>
        %sub3A_510 = arith.subf %parallel_loop3A_470#3, %sub3A_509 : vector<16xf32>
        %max3A_511 = arith.constant 0.000000e+00 : f32
        %max3A_512 = vector.broadcast %max3A_511 : f32 to vector<16xf32>
        %max3A_513 = arith.maximumf %sub3A_510, %max3A_512 : vector<16xf32>
        %add3A_514 = arith.addf %add3A_504, %max3A_513 : vector<16xf32>
        %min3A_515 = arith.constant 6.400000e+01 : f32
        %min3A_516 = vector.broadcast %min3A_515 : f32 to vector<16xf32>
        %min3A_517 = arith.minimumf %parallel_loop3A_470#3, %min3A_516 : vector<16xf32>
        %sub3A_518 = arith.constant 6.400000e+01 : f32
        %sub3A_519 = vector.broadcast %sub3A_518 : f32 to vector<16xf32>
        %sub3A_520 = arith.subf %parallel_loop3A_470#4, %sub3A_519 : vector<16xf32>
        %max3A_521 = arith.constant 0.000000e+00 : f32
        %max3A_522 = vector.broadcast %max3A_521 : f32 to vector<16xf32>
        %max3A_523 = arith.maximumf %sub3A_520, %max3A_522 : vector<16xf32>
        %add3A_524 = arith.addf %add3A_514, %max3A_523 : vector<16xf32>
        %min3A_525 = arith.constant 6.400000e+01 : f32
        %min3A_526 = vector.broadcast %min3A_525 : f32 to vector<16xf32>
        %min3A_527 = arith.minimumf %parallel_loop3A_470#4, %min3A_526 : vector<16xf32>
        %sub3A_528 = arith.constant 6.400000e+01 : f32
        %sub3A_529 = vector.broadcast %sub3A_528 : f32 to vector<16xf32>
        %sub3A_530 = arith.subf %parallel_loop3A_470#5, %sub3A_529 : vector<16xf32>
        %max3A_531 = arith.constant 0.000000e+00 : f32
        %max3A_532 = vector.broadcast %max3A_531 : f32 to vector<16xf32>
        %max3A_533 = arith.maximumf %sub3A_530, %max3A_532 : vector<16xf32>
        %add3A_534 = arith.addf %add3A_524, %max3A_533 : vector<16xf32>
        %min3A_535 = arith.constant 6.400000e+01 : f32
        %min3A_536 = vector.broadcast %min3A_535 : f32 to vector<16xf32>
        %min3A_537 = arith.minimumf %parallel_loop3A_470#5, %min3A_536 : vector<16xf32>
        %sub3A_538 = arith.constant 6.400000e+01 : f32
        %sub3A_539 = vector.broadcast %sub3A_538 : f32 to vector<16xf32>
        %sub3A_540 = arith.subf %parallel_loop3A_470#6, %sub3A_539 : vector<16xf32>
        %max3A_541 = arith.constant 0.000000e+00 : f32
        %max3A_542 = vector.broadcast %max3A_541 : f32 to vector<16xf32>
        %max3A_543 = arith.maximumf %sub3A_540, %max3A_542 : vector<16xf32>
        %add3A_544 = arith.addf %add3A_534, %max3A_543 : vector<16xf32>
        %min3A_545 = arith.constant 6.400000e+01 : f32
        %min3A_546 = vector.broadcast %min3A_545 : f32 to vector<16xf32>
        %min3A_547 = arith.minimumf %parallel_loop3A_470#6, %min3A_546 : vector<16xf32>
        %sub3A_548 = arith.constant 6.400000e+01 : f32
        %sub3A_549 = vector.broadcast %sub3A_548 : f32 to vector<16xf32>
        %sub3A_550 = arith.subf %parallel_loop3A_470#7, %sub3A_549 : vector<16xf32>
        %max3A_551 = arith.constant 0.000000e+00 : f32
        %max3A_552 = vector.broadcast %max3A_551 : f32 to vector<16xf32>
        %max3A_553 = arith.maximumf %sub3A_550, %max3A_552 : vector<16xf32>
        %add3A_554 = arith.addf %add3A_544, %max3A_553 : vector<16xf32>
        %min3A_555 = arith.constant 6.400000e+01 : f32
        %min3A_556 = vector.broadcast %min3A_555 : f32 to vector<16xf32>
        %min3A_557 = arith.minimumf %parallel_loop3A_470#7, %min3A_556 : vector<16xf32>
        %sub3A_558 = arith.constant 6.400000e+01 : f32
        %sub3A_559 = vector.broadcast %sub3A_558 : f32 to vector<16xf32>
        %sub3A_560 = arith.subf %parallel_loop3A_470#8, %sub3A_559 : vector<16xf32>
        %max3A_561 = arith.constant 0.000000e+00 : f32
        %max3A_562 = vector.broadcast %max3A_561 : f32 to vector<16xf32>
        %max3A_563 = arith.maximumf %sub3A_560, %max3A_562 : vector<16xf32>
        %add3A_564 = arith.addf %add3A_554, %max3A_563 : vector<16xf32>
        %min3A_565 = arith.constant 6.400000e+01 : f32
        %min3A_566 = vector.broadcast %min3A_565 : f32 to vector<16xf32>
        %min3A_567 = arith.minimumf %parallel_loop3A_470#8, %min3A_566 : vector<16xf32>
        %sub3A_568 = arith.constant 6.400000e+01 : f32
        %sub3A_569 = vector.broadcast %sub3A_568 : f32 to vector<16xf32>
        %sub3A_570 = arith.subf %parallel_loop3A_470#9, %sub3A_569 : vector<16xf32>
        %max3A_571 = arith.constant 0.000000e+00 : f32
        %max3A_572 = vector.broadcast %max3A_571 : f32 to vector<16xf32>
        %max3A_573 = arith.maximumf %sub3A_570, %max3A_572 : vector<16xf32>
        %add3A_574 = arith.addf %add3A_564, %max3A_573 : vector<16xf32>
        %min3A_575 = arith.constant 6.400000e+01 : f32
        %min3A_576 = vector.broadcast %min3A_575 : f32 to vector<16xf32>
        %min3A_577 = arith.minimumf %parallel_loop3A_470#9, %min3A_576 : vector<16xf32>
        %sub3A_578 = arith.constant 6.400000e+01 : f32
        %sub3A_579 = vector.broadcast %sub3A_578 : f32 to vector<16xf32>
        %sub3A_580 = arith.subf %parallel_loop3A_470#10, %sub3A_579 : vector<16xf32>
        %max3A_581 = arith.constant 0.000000e+00 : f32
        %max3A_582 = vector.broadcast %max3A_581 : f32 to vector<16xf32>
        %max3A_583 = arith.maximumf %sub3A_580, %max3A_582 : vector<16xf32>
        %add3A_584 = arith.addf %add3A_574, %max3A_583 : vector<16xf32>
        %min3A_585 = arith.constant 6.400000e+01 : f32
        %min3A_586 = vector.broadcast %min3A_585 : f32 to vector<16xf32>
        %min3A_587 = arith.minimumf %parallel_loop3A_470#10, %min3A_586 : vector<16xf32>
        %sub3A_588 = arith.constant 6.400000e+01 : f32
        %sub3A_589 = vector.broadcast %sub3A_588 : f32 to vector<16xf32>
        %sub3A_590 = arith.subf %parallel_loop3A_470#11, %sub3A_589 : vector<16xf32>
        %max3A_591 = arith.constant 0.000000e+00 : f32
        %max3A_592 = vector.broadcast %max3A_591 : f32 to vector<16xf32>
        %max3A_593 = arith.maximumf %sub3A_590, %max3A_592 : vector<16xf32>
        %add3A_594 = arith.addf %add3A_584, %max3A_593 : vector<16xf32>
        %min3A_595 = arith.constant 6.400000e+01 : f32
        %min3A_596 = vector.broadcast %min3A_595 : f32 to vector<16xf32>
        %min3A_597 = arith.minimumf %parallel_loop3A_470#11, %min3A_596 : vector<16xf32>
        %sub3A_598 = arith.constant 6.400000e+01 : f32
        %sub3A_599 = vector.broadcast %sub3A_598 : f32 to vector<16xf32>
        %sub3A_600 = arith.subf %parallel_loop3A_470#12, %sub3A_599 : vector<16xf32>
        %max3A_601 = arith.constant 0.000000e+00 : f32
        %max3A_602 = vector.broadcast %max3A_601 : f32 to vector<16xf32>
        %max3A_603 = arith.maximumf %sub3A_600, %max3A_602 : vector<16xf32>
        %add3A_604 = arith.addf %add3A_594, %max3A_603 : vector<16xf32>
        %min3A_605 = arith.constant 6.400000e+01 : f32
        %min3A_606 = vector.broadcast %min3A_605 : f32 to vector<16xf32>
        %min3A_607 = arith.minimumf %parallel_loop3A_470#12, %min3A_606 : vector<16xf32>
        %sub3A_608 = arith.constant 6.400000e+01 : f32
        %sub3A_609 = vector.broadcast %sub3A_608 : f32 to vector<16xf32>
        %sub3A_610 = arith.subf %parallel_loop3A_470#13, %sub3A_609 : vector<16xf32>
        %max3A_611 = arith.constant 0.000000e+00 : f32
        %max3A_612 = vector.broadcast %max3A_611 : f32 to vector<16xf32>
        %max3A_613 = arith.maximumf %sub3A_610, %max3A_612 : vector<16xf32>
        %add3A_614 = arith.addf %add3A_604, %max3A_613 : vector<16xf32>
        %min3A_615 = arith.constant 6.400000e+01 : f32
        %min3A_616 = vector.broadcast %min3A_615 : f32 to vector<16xf32>
        %min3A_617 = arith.minimumf %parallel_loop3A_470#13, %min3A_616 : vector<16xf32>
        %sub3A_618 = arith.constant 6.400000e+01 : f32
        %sub3A_619 = vector.broadcast %sub3A_618 : f32 to vector<16xf32>
        %sub3A_620 = arith.subf %parallel_loop3A_470#14, %sub3A_619 : vector<16xf32>
        %max3A_621 = arith.constant 0.000000e+00 : f32
        %max3A_622 = vector.broadcast %max3A_621 : f32 to vector<16xf32>
        %max3A_623 = arith.maximumf %sub3A_620, %max3A_622 : vector<16xf32>
        %add3A_624 = arith.addf %add3A_614, %max3A_623 : vector<16xf32>
        %min3A_625 = arith.constant 6.400000e+01 : f32
        %min3A_626 = vector.broadcast %min3A_625 : f32 to vector<16xf32>
        %min3A_627 = arith.minimumf %parallel_loop3A_470#14, %min3A_626 : vector<16xf32>
        %sub3A_628 = arith.constant 6.400000e+01 : f32
        %sub3A_629 = vector.broadcast %sub3A_628 : f32 to vector<16xf32>
        %sub3A_630 = arith.subf %parallel_loop3A_470#15, %sub3A_629 : vector<16xf32>
        %max3A_631 = arith.constant 0.000000e+00 : f32
        %max3A_632 = vector.broadcast %max3A_631 : f32 to vector<16xf32>
        %max3A_633 = arith.maximumf %sub3A_630, %max3A_632 : vector<16xf32>
        %add3A_634 = arith.addf %add3A_624, %max3A_633 : vector<16xf32>
        %min3A_635 = arith.constant 6.400000e+01 : f32
        %min3A_636 = vector.broadcast %min3A_635 : f32 to vector<16xf32>
        %min3A_637 = arith.minimumf %parallel_loop3A_470#15, %min3A_636 : vector<16xf32>
        %reduce_sum3A = arith.constant true
        %reduce_sum3A_638 = vector.broadcast %reduce_sum3A : i1 to vector<16xi1>
        %reduce_sum3A_639 = tpu.scan <sum>, %add3A_634 masked %reduce_sum3A_638 : vector<16xf32>, vector<16xi1> -> vector<16xf32>
        %reduce_sum3A_640 = vector.extract %reduce_sum3A_639[15] : f32 from vector<16xf32>
        %broadcast_in_dim3A_641 = vector.broadcast %reduce_sum3A_640 : f32 to vector<16xf32>
        %mul3A_642 = arith.constant 3.906250e-03 : f32
        %mul3A_643 = vector.broadcast %mul3A_642 : f32 to vector<16xf32>
        %mul3A_644 = arith.mulf %broadcast_in_dim3A_641, %mul3A_643 : vector<16xf32>
        %add3A_645 = arith.addf %min3A_487, %mul3A_644 : vector<16xf32>
        %broadcast_in_dim3A_646 = arith.constant true
        %broadcast_in_dim3A_647 = vector.broadcast %broadcast_in_dim3A_646 : i1 to vector<16xi1>
        %masked_cumsum3A = tpu.scan <sum>, %add3A_645 masked %broadcast_in_dim3A_647 : vector<16xf32>, vector<16xi1> -> vector<16xf32>
        %add3A_648 = arith.addf %masked_cumsum3A, %broadcast_in_dim3A_6 : vector<16xf32>
        %swap3A_649 = arith.constant 0 : index
        %swap3A_650 = tpu.vector_load %arg6[%swap3A_649] {strides = array<i32>} : memref<256xf32, #tpu.memory_space<vmem>>, vector<16xf32>,
        tpu.vector_store %arg6[%swap3A_649], %add3A_648 {strides = array<i32>} : memref<256xf32, #tpu.memory_space<vmem>>, vector<16xf32>,
        %broadcast_in_dim3A_651 = arith.constant 15 : i32
        %broadcast_in_dim3A_652 = vector.broadcast %broadcast_in_dim3A_651 : i32 to vector<16xi32>
        %gather3A = tpu.vector_load_idx %arg6[%broadcast_in_dim3A_652] : memref<256xf32, #tpu.memory_space<vmem>>[vector<16xi32>], vector<16xf32>,
        %add3A_653 = arith.addf %min3A_497, %mul3A_644 : vector<16xf32>
        %broadcast_in_dim3A_654 = arith.constant true
        %broadcast_in_dim3A_655 = vector.broadcast %broadcast_in_dim3A_654 : i1 to vector<16xi1>
        %masked_cumsum3A_656 = tpu.scan <sum>, %add3A_653 masked %broadcast_in_dim3A_655 : vector<16xf32>, vector<16xi1> -> vector<16xf32>
        %add3A_657 = arith.addf %masked_cumsum3A_656, %gather3A : vector<16xf32>
        %swap3A_658 = arith.constant 16 : index
        %swap3A_659 = tpu.vector_load %arg6[%swap3A_658] {strides = array<i32>} : memref<256xf32, #tpu.memory_space<vmem>>, vector<16xf32>,
        tpu.vector_store %arg6[%swap3A_658], %add3A_657 {strides = array<i32>} : memref<256xf32, #tpu.memory_space<vmem>>, vector<16xf32>,
        %broadcast_in_dim3A_660 = arith.constant 31 : i32
        %broadcast_in_dim3A_661 = vector.broadcast %broadcast_in_dim3A_660 : i32 to vector<16xi32>
        %gather3A_662 = tpu.vector_load_idx %arg6[%broadcast_in_dim3A_661] : memref<256xf32, #tpu.memory_space<vmem>>[vector<16xi32>], vector<16xf32>,
        %add3A_663 = arith.addf %min3A_507, %mul3A_644 : vector<16xf32>
        %broadcast_in_dim3A_664 = arith.constant true
        %broadcast_in_dim3A_665 = vector.broadcast %broadcast_in_dim3A_664 : i1 to vector<16xi1>
        %masked_cumsum3A_666 = tpu.scan <sum>, %add3A_663 masked %broadcast_in_dim3A_665 : vector<16xf32>, vector<16xi1> -> vector<16xf32>
        %add3A_667 = arith.addf %masked_cumsum3A_666, %gather3A_662 : vector<16xf32>
        %swap3A_668 = arith.constant 32 : index
        %swap3A_669 = tpu.vector_load %arg6[%swap3A_668] {strides = array<i32>} : memref<256xf32, #tpu.memory_space<vmem>>, vector<16xf32>,
        tpu.vector_store %arg6[%swap3A_668], %add3A_667 {strides = array<i32>} : memref<256xf32, #tpu.memory_space<vmem>>, vector<16xf32>,
        %broadcast_in_dim3A_670 = arith.constant 47 : i32
        %broadcast_in_dim3A_671 = vector.broadcast %broadcast_in_dim3A_670 : i32 to vector<16xi32>
        %gather3A_672 = tpu.vector_load_idx %arg6[%broadcast_in_dim3A_671] : memref<256xf32, #tpu.memory_space<vmem>>[vector<16xi32>], vector<16xf32>,
        %add3A_673 = arith.addf %min3A_517, %mul3A_644 : vector<16xf32>
        %broadcast_in_dim3A_674 = arith.constant true
        %broadcast_in_dim3A_675 = vector.broadcast %broadcast_in_dim3A_674 : i1 to vector<16xi1>
        %masked_cumsum3A_676 = tpu.scan <sum>, %add3A_673 masked %broadcast_in_dim3A_675 : vector<16xf32>, vector<16xi1> -> vector<16xf32>
        %add3A_677 = arith.addf %masked_cumsum3A_676, %gather3A_672 : vector<16xf32>
        %swap3A_678 = arith.constant 48 : index
        %swap3A_679 = tpu.vector_load %arg6[%swap3A_678] {strides = array<i32>} : memref<256xf32, #tpu.memory_space<vmem>>, vector<16xf32>,
        tpu.vector_store %arg6[%swap3A_678], %add3A_677 {strides = array<i32>} : memref<256xf32, #tpu.memory_space<vmem>>, vector<16xf32>,
        %broadcast_in_dim3A_680 = arith.constant 63 : i32
        %broadcast_in_dim3A_681 = vector.broadcast %broadcast_in_dim3A_680 : i32 to vector<16xi32>
        %gather3A_682 = tpu.vector_load_idx %arg6[%broadcast_in_dim3A_681] : memref<256xf32, #tpu.memory_space<vmem>>[vector<16xi32>], vector<16xf32>,
        %add3A_683 = arith.addf %min3A_527, %mul3A_644 : vector<16xf32>
        %broadcast_in_dim3A_684 = arith.constant true
        %broadcast_in_dim3A_685 = vector.broadcast %broadcast_in_dim3A_684 : i1 to vector<16xi1>
        %masked_cumsum3A_686 = tpu.scan <sum>, %add3A_683 masked %broadcast_in_dim3A_685 : vector<16xf32>, vector<16xi1> -> vector<16xf32>
        %add3A_687 = arith.addf %masked_cumsum3A_686, %gather3A_682 : vector<16xf32>
        %swap3A_688 = arith.constant 64 : index
        %swap3A_689 = tpu.vector_load %arg6[%swap3A_688] {strides = array<i32>} : memref<256xf32, #tpu.memory_space<vmem>>, vector<16xf32>,
        tpu.vector_store %arg6[%swap3A_688], %add3A_687 {strides = array<i32>} : memref<256xf32, #tpu.memory_space<vmem>>, vector<16xf32>,
        %broadcast_in_dim3A_690 = arith.constant 79 : i32
        %broadcast_in_dim3A_691 = vector.broadcast %broadcast_in_dim3A_690 : i32 to vector<16xi32>
        %gather3A_692 = tpu.vector_load_idx %arg6[%broadcast_in_dim3A_691] : memref<256xf32, #tpu.memory_space<vmem>>[vector<16xi32>], vector<16xf32>,
        %add3A_693 = arith.addf %min3A_537, %mul3A_644 : vector<16xf32>
        %broadcast_in_dim3A_694 = arith.constant true
        %broadcast_in_dim3A_695 = vector.broadcast %broadcast_in_dim3A_694 : i1 to vector<16xi1>
        %masked_cumsum3A_696 = tpu.scan <sum>, %add3A_693 masked %broadcast_in_dim3A_695 : vector<16xf32>, vector<16xi1> -> vector<16xf32>
        %add3A_697 = arith.addf %masked_cumsum3A_696, %gather3A_692 : vector<16xf32>
        %swap3A_698 = arith.constant 80 : index
        %swap3A_699 = tpu.vector_load %arg6[%swap3A_698] {strides = array<i32>} : memref<256xf32, #tpu.memory_space<vmem>>, vector<16xf32>,
        tpu.vector_store %arg6[%swap3A_698], %add3A_697 {strides = array<i32>} : memref<256xf32, #tpu.memory_space<vmem>>, vector<16xf32>,
        %broadcast_in_dim3A_700 = arith.constant 95 : i32
        %broadcast_in_dim3A_701 = vector.broadcast %broadcast_in_dim3A_700 : i32 to vector<16xi32>
        %gather3A_702 = tpu.vector_load_idx %arg6[%broadcast_in_dim3A_701] : memref<256xf32, #tpu.memory_space<vmem>>[vector<16xi32>], vector<16xf32>,
        %add3A_703 = arith.addf %min3A_547, %mul3A_644 : vector<16xf32>
        %broadcast_in_dim3A_704 = arith.constant true
        %broadcast_in_dim3A_705 = vector.broadcast %broadcast_in_dim3A_704 : i1 to vector<16xi1>
        %masked_cumsum3A_706 = tpu.scan <sum>, %add3A_703 masked %broadcast_in_dim3A_705 : vector<16xf32>, vector<16xi1> -> vector<16xf32>
        %add3A_707 = arith.addf %masked_cumsum3A_706, %gather3A_702 : vector<16xf32>
        %swap3A_708 = arith.constant 96 : index
        %swap3A_709 = tpu.vector_load %arg6[%swap3A_708] {strides = array<i32>} : memref<256xf32, #tpu.memory_space<vmem>>, vector<16xf32>,
        tpu.vector_store %arg6[%swap3A_708], %add3A_707 {strides = array<i32>} : memref<256xf32, #tpu.memory_space<vmem>>, vector<16xf32>,
        %broadcast_in_dim3A_710 = arith.constant 111 : i32
        %broadcast_in_dim3A_711 = vector.broadcast %broadcast_in_dim3A_710 : i32 to vector<16xi32>
        %gather3A_712 = tpu.vector_load_idx %arg6[%broadcast_in_dim3A_711] : memref<256xf32, #tpu.memory_space<vmem>>[vector<16xi32>], vector<16xf32>,
        %add3A_713 = arith.addf %min3A_557, %mul3A_644 : vector<16xf32>
        %broadcast_in_dim3A_714 = arith.constant true
        %broadcast_in_dim3A_715 = vector.broadcast %broadcast_in_dim3A_714 : i1 to vector<16xi1>
        %masked_cumsum3A_716 = tpu.scan <sum>, %add3A_713 masked %broadcast_in_dim3A_715 : vector<16xf32>, vector<16xi1> -> vector<16xf32>
        %add3A_717 = arith.addf %masked_cumsum3A_716, %gather3A_712 : vector<16xf32>
        %swap3A_718 = arith.constant 112 : index
        %swap3A_719 = tpu.vector_load %arg6[%swap3A_718] {strides = array<i32>} : memref<256xf32, #tpu.memory_space<vmem>>, vector<16xf32>,
        tpu.vector_store %arg6[%swap3A_718], %add3A_717 {strides = array<i32>} : memref<256xf32, #tpu.memory_space<vmem>>, vector<16xf32>,
        %broadcast_in_dim3A_720 = arith.constant 127 : i32
        %broadcast_in_dim3A_721 = vector.broadcast %broadcast_in_dim3A_720 : i32 to vector<16xi32>
        %gather3A_722 = tpu.vector_load_idx %arg6[%broadcast_in_dim3A_721] : memref<256xf32, #tpu.memory_space<vmem>>[vector<16xi32>], vector<16xf32>,
        %add3A_723 = arith.addf %min3A_567, %mul3A_644 : vector<16xf32>
        %broadcast_in_dim3A_724 = arith.constant true
        %broadcast_in_dim3A_725 = vector.broadcast %broadcast_in_dim3A_724 : i1 to vector<16xi1>
        %masked_cumsum3A_726 = tpu.scan <sum>, %add3A_723 masked %broadcast_in_dim3A_725 : vector<16xf32>, vector<16xi1> -> vector<16xf32>
        %add3A_727 = arith.addf %masked_cumsum3A_726, %gather3A_722 : vector<16xf32>
        %swap3A_728 = arith.constant 128 : index
        %swap3A_729 = tpu.vector_load %arg6[%swap3A_728] {strides = array<i32>} : memref<256xf32, #tpu.memory_space<vmem>>, vector<16xf32>,
        tpu.vector_store %arg6[%swap3A_728], %add3A_727 {strides = array<i32>} : memref<256xf32, #tpu.memory_space<vmem>>, vector<16xf32>,
        %broadcast_in_dim3A_730 = arith.constant 143 : i32
        %broadcast_in_dim3A_731 = vector.broadcast %broadcast_in_dim3A_730 : i32 to vector<16xi32>
        %gather3A_732 = tpu.vector_load_idx %arg6[%broadcast_in_dim3A_731] : memref<256xf32, #tpu.memory_space<vmem>>[vector<16xi32>], vector<16xf32>,
        %add3A_733 = arith.addf %min3A_577, %mul3A_644 : vector<16xf32>
        %broadcast_in_dim3A_734 = arith.constant true
        %broadcast_in_dim3A_735 = vector.broadcast %broadcast_in_dim3A_734 : i1 to vector<16xi1>
        %masked_cumsum3A_736 = tpu.scan <sum>, %add3A_733 masked %broadcast_in_dim3A_735 : vector<16xf32>, vector<16xi1> -> vector<16xf32>
        %add3A_737 = arith.addf %masked_cumsum3A_736, %gather3A_732 : vector<16xf32>
        %swap3A_738 = arith.constant 144 : index
        %swap3A_739 = tpu.vector_load %arg6[%swap3A_738] {strides = array<i32>} : memref<256xf32, #tpu.memory_space<vmem>>, vector<16xf32>,
        tpu.vector_store %arg6[%swap3A_738], %add3A_737 {strides = array<i32>} : memref<256xf32, #tpu.memory_space<vmem>>, vector<16xf32>,
        %broadcast_in_dim3A_740 = arith.constant 159 : i32
        %broadcast_in_dim3A_741 = vector.broadcast %broadcast_in_dim3A_740 : i32 to vector<16xi32>
        %gather3A_742 = tpu.vector_load_idx %arg6[%broadcast_in_dim3A_741] : memref<256xf32, #tpu.memory_space<vmem>>[vector<16xi32>], vector<16xf32>,
        %add3A_743 = arith.addf %min3A_587, %mul3A_644 : vector<16xf32>
        %broadcast_in_dim3A_744 = arith.constant true
        %broadcast_in_dim3A_745 = vector.broadcast %broadcast_in_dim3A_744 : i1 to vector<16xi1>
        %masked_cumsum3A_746 = tpu.scan <sum>, %add3A_743 masked %broadcast_in_dim3A_745 : vector<16xf32>, vector<16xi1> -> vector<16xf32>
        %add3A_747 = arith.addf %masked_cumsum3A_746, %gather3A_742 : vector<16xf32>
        %swap3A_748 = arith.constant 160 : index
        %swap3A_749 = tpu.vector_load %arg6[%swap3A_748] {strides = array<i32>} : memref<256xf32, #tpu.memory_space<vmem>>, vector<16xf32>,
        tpu.vector_store %arg6[%swap3A_748], %add3A_747 {strides = array<i32>} : memref<256xf32, #tpu.memory_space<vmem>>, vector<16xf32>,
        %broadcast_in_dim3A_750 = arith.constant 175 : i32
        %broadcast_in_dim3A_751 = vector.broadcast %broadcast_in_dim3A_750 : i32 to vector<16xi32>
        %gather3A_752 = tpu.vector_load_idx %arg6[%broadcast_in_dim3A_751] : memref<256xf32, #tpu.memory_space<vmem>>[vector<16xi32>], vector<16xf32>,
        %add3A_753 = arith.addf %min3A_597, %mul3A_644 : vector<16xf32>
        %broadcast_in_dim3A_754 = arith.constant true
        %broadcast_in_dim3A_755 = vector.broadcast %broadcast_in_dim3A_754 : i1 to vector<16xi1>
        %masked_cumsum3A_756 = tpu.scan <sum>, %add3A_753 masked %broadcast_in_dim3A_755 : vector<16xf32>, vector<16xi1> -> vector<16xf32>
        %add3A_757 = arith.addf %masked_cumsum3A_756, %gather3A_752 : vector<16xf32>
        %swap3A_758 = arith.constant 176 : index
        %swap3A_759 = tpu.vector_load %arg6[%swap3A_758] {strides = array<i32>} : memref<256xf32, #tpu.memory_space<vmem>>, vector<16xf32>,
        tpu.vector_store %arg6[%swap3A_758], %add3A_757 {strides = array<i32>} : memref<256xf32, #tpu.memory_space<vmem>>, vector<16xf32>,
        %broadcast_in_dim3A_760 = arith.constant 191 : i32
        %broadcast_in_dim3A_761 = vector.broadcast %broadcast_in_dim3A_760 : i32 to vector<16xi32>
        %gather3A_762 = tpu.vector_load_idx %arg6[%broadcast_in_dim3A_761] : memref<256xf32, #tpu.memory_space<vmem>>[vector<16xi32>], vector<16xf32>,
        %add3A_763 = arith.addf %min3A_607, %mul3A_644 : vector<16xf32>
        %broadcast_in_dim3A_764 = arith.constant true
        %broadcast_in_dim3A_765 = vector.broadcast %broadcast_in_dim3A_764 : i1 to vector<16xi1>
        %masked_cumsum3A_766 = tpu.scan <sum>, %add3A_763 masked %broadcast_in_dim3A_765 : vector<16xf32>, vector<16xi1> -> vector<16xf32>
        %add3A_767 = arith.addf %masked_cumsum3A_766, %gather3A_762 : vector<16xf32>
        %swap3A_768 = arith.constant 192 : index
        %swap3A_769 = tpu.vector_load %arg6[%swap3A_768] {strides = array<i32>} : memref<256xf32, #tpu.memory_space<vmem>>, vector<16xf32>,
        tpu.vector_store %arg6[%swap3A_768], %add3A_767 {strides = array<i32>} : memref<256xf32, #tpu.memory_space<vmem>>, vector<16xf32>,
        %broadcast_in_dim3A_770 = arith.constant 207 : i32
        %broadcast_in_dim3A_771 = vector.broadcast %broadcast_in_dim3A_770 : i32 to vector<16xi32>
        %gather3A_772 = tpu.vector_load_idx %arg6[%broadcast_in_dim3A_771] : memref<256xf32, #tpu.memory_space<vmem>>[vector<16xi32>], vector<16xf32>,
        %add3A_773 = arith.addf %min3A_617, %mul3A_644 : vector<16xf32>
        %broadcast_in_dim3A_774 = arith.constant true
        %broadcast_in_dim3A_775 = vector.broadcast %broadcast_in_dim3A_774 : i1 to vector<16xi1>
        %masked_cumsum3A_776 = tpu.scan <sum>, %add3A_773 masked %broadcast_in_dim3A_775 : vector<16xf32>, vector<16xi1> -> vector<16xf32>
        %add3A_777 = arith.addf %masked_cumsum3A_776, %gather3A_772 : vector<16xf32>
        %swap3A_778 = arith.constant 208 : index
        %swap3A_779 = tpu.vector_load %arg6[%swap3A_778] {strides = array<i32>} : memref<256xf32, #tpu.memory_space<vmem>>, vector<16xf32>,
        tpu.vector_store %arg6[%swap3A_778], %add3A_777 {strides = array<i32>} : memref<256xf32, #tpu.memory_space<vmem>>, vector<16xf32>,
        %broadcast_in_dim3A_780 = arith.constant 223 : i32
        %broadcast_in_dim3A_781 = vector.broadcast %broadcast_in_dim3A_780 : i32 to vector<16xi32>
        %gather3A_782 = tpu.vector_load_idx %arg6[%broadcast_in_dim3A_781] : memref<256xf32, #tpu.memory_space<vmem>>[vector<16xi32>], vector<16xf32>,
        %add3A_783 = arith.addf %min3A_627, %mul3A_644 : vector<16xf32>
        %broadcast_in_dim3A_784 = arith.constant true
        %broadcast_in_dim3A_785 = vector.broadcast %broadcast_in_dim3A_784 : i1 to vector<16xi1>
        %masked_cumsum3A_786 = tpu.scan <sum>, %add3A_783 masked %broadcast_in_dim3A_785 : vector<16xf32>, vector<16xi1> -> vector<16xf32>
        %add3A_787 = arith.addf %masked_cumsum3A_786, %gather3A_782 : vector<16xf32>
        %swap3A_788 = arith.constant 224 : index
        %swap3A_789 = tpu.vector_load %arg6[%swap3A_788] {strides = array<i32>} : memref<256xf32, #tpu.memory_space<vmem>>, vector<16xf32>,
        tpu.vector_store %arg6[%swap3A_788], %add3A_787 {strides = array<i32>} : memref<256xf32, #tpu.memory_space<vmem>>, vector<16xf32>,
        %broadcast_in_dim3A_790 = arith.constant 239 : i32
        %broadcast_in_dim3A_791 = vector.broadcast %broadcast_in_dim3A_790 : i32 to vector<16xi32>
        %gather3A_792 = tpu.vector_load_idx %arg6[%broadcast_in_dim3A_791] : memref<256xf32, #tpu.memory_space<vmem>>[vector<16xi32>], vector<16xf32>,
        %add3A_793 = arith.addf %min3A_637, %mul3A_644 : vector<16xf32>
        %broadcast_in_dim3A_794 = arith.constant true
        %broadcast_in_dim3A_795 = vector.broadcast %broadcast_in_dim3A_794 : i1 to vector<16xi1>
        %masked_cumsum3A_796 = tpu.scan <sum>, %add3A_793 masked %broadcast_in_dim3A_795 : vector<16xf32>, vector<16xi1> -> vector<16xf32>
        %add3A_797 = arith.addf %masked_cumsum3A_796, %gather3A_792 : vector<16xf32>
        %swap3A_798 = arith.constant 240 : index
        %swap3A_799 = tpu.vector_load %arg6[%swap3A_798] {strides = array<i32>} : memref<256xf32, #tpu.memory_space<vmem>>, vector<16xf32>,
        tpu.vector_store %arg6[%swap3A_798], %add3A_797 {strides = array<i32>} : memref<256xf32, #tpu.memory_space<vmem>>, vector<16xf32>,
        %broadcast_in_dim3A_800 = arith.constant 255 : i32
        %broadcast_in_dim3A_801 = vector.broadcast %broadcast_in_dim3A_800 : i32 to vector<16xi32>
        %gather3A_802 = tpu.vector_load_idx %arg6[%broadcast_in_dim3A_801] : memref<256xf32, #tpu.memory_space<vmem>>[vector<16xi32>], vector<16xf32>,
        %div3A_803 = arith.constant 1.000000e+00 : f32
        %div3A_804 = vector.broadcast %div3A_803 : f32 to vector<16xf32>
        %div3A_805 = arith.divf %div3A_804, %gather3A_802 : vector<16xf32>
        %get3A = arith.constant 0 : index
        %get3A_806 = tpu.vector_load %arg6[%get3A] {strides = array<i32>} : memref<256xf32, #tpu.memory_space<vmem>>, vector<16xf32>,
        %mul3A_807 = arith.mulf %get3A_806, %div3A_805 : vector<16xf32>
        %swap3A_808 = arith.constant 0 : index
        %swap3A_809 = tpu.vector_load %arg6[%swap3A_808] {strides = array<i32>} : memref<256xf32, #tpu.memory_space<vmem>>, vector<16xf32>,
        tpu.vector_store %arg6[%swap3A_808], %mul3A_807 {strides = array<i32>} : memref<256xf32, #tpu.memory_space<vmem>>, vector<16xf32>,
        %get3A_810 = arith.constant 16 : index
        %get3A_811 = tpu.vector_load %arg6[%get3A_810] {strides = array<i32>} : memref<256xf32, #tpu.memory_space<vmem>>, vector<16xf32>,
        %mul3A_812 = arith.mulf %get3A_811, %div3A_805 : vector<16xf32>
        %swap3A_813 = arith.constant 16 : index
        %swap3A_814 = tpu.vector_load %arg6[%swap3A_813] {strides = array<i32>} : memref<256xf32, #tpu.memory_space<vmem>>, vector<16xf32>,
        tpu.vector_store %arg6[%swap3A_813], %mul3A_812 {strides = array<i32>} : memref<256xf32, #tpu.memory_space<vmem>>, vector<16xf32>,
        %get3A_815 = arith.constant 32 : index
        %get3A_816 = tpu.vector_load %arg6[%get3A_815] {strides = array<i32>} : memref<256xf32, #tpu.memory_space<vmem>>, vector<16xf32>,
        %mul3A_817 = arith.mulf %get3A_816, %div3A_805 : vector<16xf32>
        %swap3A_818 = arith.constant 32 : index
        %swap3A_819 = tpu.vector_load %arg6[%swap3A_818] {strides = array<i32>} : memref<256xf32, #tpu.memory_space<vmem>>, vector<16xf32>,
        tpu.vector_store %arg6[%swap3A_818], %mul3A_817 {strides = array<i32>} : memref<256xf32, #tpu.memory_space<vmem>>, vector<16xf32>,
        %get3A_820 = arith.constant 48 : index
        %get3A_821 = tpu.vector_load %arg6[%get3A_820] {strides = array<i32>} : memref<256xf32, #tpu.memory_space<vmem>>, vector<16xf32>,
        %mul3A_822 = arith.mulf %get3A_821, %div3A_805 : vector<16xf32>
        %swap3A_823 = arith.constant 48 : index
        %swap3A_824 = tpu.vector_load %arg6[%swap3A_823] {strides = array<i32>} : memref<256xf32, #tpu.memory_space<vmem>>, vector<16xf32>,
        tpu.vector_store %arg6[%swap3A_823], %mul3A_822 {strides = array<i32>} : memref<256xf32, #tpu.memory_space<vmem>>, vector<16xf32>,
        %get3A_825 = arith.constant 64 : index
        %get3A_826 = tpu.vector_load %arg6[%get3A_825] {strides = array<i32>} : memref<256xf32, #tpu.memory_space<vmem>>, vector<16xf32>,
        %mul3A_827 = arith.mulf %get3A_826, %div3A_805 : vector<16xf32>
        %swap3A_828 = arith.constant 64 : index
        %swap3A_829 = tpu.vector_load %arg6[%swap3A_828] {strides = array<i32>} : memref<256xf32, #tpu.memory_space<vmem>>, vector<16xf32>,
        tpu.vector_store %arg6[%swap3A_828], %mul3A_827 {strides = array<i32>} : memref<256xf32, #tpu.memory_space<vmem>>, vector<16xf32>,
        %get3A_830 = arith.constant 80 : index
        %get3A_831 = tpu.vector_load %arg6[%get3A_830] {strides = array<i32>} : memref<256xf32, #tpu.memory_space<vmem>>, vector<16xf32>,
        %mul3A_832 = arith.mulf %get3A_831, %div3A_805 : vector<16xf32>
        %swap3A_833 = arith.constant 80 : index
        %swap3A_834 = tpu.vector_load %arg6[%swap3A_833] {strides = array<i32>} : memref<256xf32, #tpu.memory_space<vmem>>, vector<16xf32>,
        tpu.vector_store %arg6[%swap3A_833], %mul3A_832 {strides = array<i32>} : memref<256xf32, #tpu.memory_space<vmem>>, vector<16xf32>,
        %get3A_835 = arith.constant 96 : index
        %get3A_836 = tpu.vector_load %arg6[%get3A_835] {strides = array<i32>} : memref<256xf32, #tpu.memory_space<vmem>>, vector<16xf32>,
        %mul3A_837 = arith.mulf %get3A_836, %div3A_805 : vector<16xf32>
        %swap3A_838 = arith.constant 96 : index
        %swap3A_839 = tpu.vector_load %arg6[%swap3A_838] {strides = array<i32>} : memref<256xf32, #tpu.memory_space<vmem>>, vector<16xf32>,
        tpu.vector_store %arg6[%swap3A_838], %mul3A_837 {strides = array<i32>} : memref<256xf32, #tpu.memory_space<vmem>>, vector<16xf32>,
        %get3A_840 = arith.constant 112 : index
        %get3A_841 = tpu.vector_load %arg6[%get3A_840] {strides = array<i32>} : memref<256xf32, #tpu.memory_space<vmem>>, vector<16xf32>,
        %mul3A_842 = arith.mulf %get3A_841, %div3A_805 : vector<16xf32>
        %swap3A_843 = arith.constant 112 : index
        %swap3A_844 = tpu.vector_load %arg6[%swap3A_843] {strides = array<i32>} : memref<256xf32, #tpu.memory_space<vmem>>, vector<16xf32>,
        tpu.vector_store %arg6[%swap3A_843], %mul3A_842 {strides = array<i32>} : memref<256xf32, #tpu.memory_space<vmem>>, vector<16xf32>,
        %get3A_845 = arith.constant 128 : index
        %get3A_846 = tpu.vector_load %arg6[%get3A_845] {strides = array<i32>} : memref<256xf32, #tpu.memory_space<vmem>>, vector<16xf32>,
        %mul3A_847 = arith.mulf %get3A_846, %div3A_805 : vector<16xf32>
        %swap3A_848 = arith.constant 128 : index
        %swap3A_849 = tpu.vector_load %arg6[%swap3A_848] {strides = array<i32>} : memref<256xf32, #tpu.memory_space<vmem>>, vector<16xf32>,
        tpu.vector_store %arg6[%swap3A_848], %mul3A_847 {strides = array<i32>} : memref<256xf32, #tpu.memory_space<vmem>>, vector<16xf32>,
        %get3A_850 = arith.constant 144 : index
        %get3A_851 = tpu.vector_load %arg6[%get3A_850] {strides = array<i32>} : memref<256xf32, #tpu.memory_space<vmem>>, vector<16xf32>,
        %mul3A_852 = arith.mulf %get3A_851, %div3A_805 : vector<16xf32>
        %swap3A_853 = arith.constant 144 : index
        %swap3A_854 = tpu.vector_load %arg6[%swap3A_853] {strides = array<i32>} : memref<256xf32, #tpu.memory_space<vmem>>, vector<16xf32>,
        tpu.vector_store %arg6[%swap3A_853], %mul3A_852 {strides = array<i32>} : memref<256xf32, #tpu.memory_space<vmem>>, vector<16xf32>,
        %get3A_855 = arith.constant 160 : index
        %get3A_856 = tpu.vector_load %arg6[%get3A_855] {strides = array<i32>} : memref<256xf32, #tpu.memory_space<vmem>>, vector<16xf32>,
        %mul3A_857 = arith.mulf %get3A_856, %div3A_805 : vector<16xf32>
        %swap3A_858 = arith.constant 160 : index
        %swap3A_859 = tpu.vector_load %arg6[%swap3A_858] {strides = array<i32>} : memref<256xf32, #tpu.memory_space<vmem>>, vector<16xf32>,
        tpu.vector_store %arg6[%swap3A_858], %mul3A_857 {strides = array<i32>} : memref<256xf32, #tpu.memory_space<vmem>>, vector<16xf32>,
        %get3A_860 = arith.constant 176 : index
        %get3A_861 = tpu.vector_load %arg6[%get3A_860] {strides = array<i32>} : memref<256xf32, #tpu.memory_space<vmem>>, vector<16xf32>,
        %mul3A_862 = arith.mulf %get3A_861, %div3A_805 : vector<16xf32>
        %swap3A_863 = arith.constant 176 : index
        %swap3A_864 = tpu.vector_load %arg6[%swap3A_863] {strides = array<i32>} : memref<256xf32, #tpu.memory_space<vmem>>, vector<16xf32>,
        tpu.vector_store %arg6[%swap3A_863], %mul3A_862 {strides = array<i32>} : memref<256xf32, #tpu.memory_space<vmem>>, vector<16xf32>,
        %get3A_865 = arith.constant 192 : index
        %get3A_866 = tpu.vector_load %arg6[%get3A_865] {strides = array<i32>} : memref<256xf32, #tpu.memory_space<vmem>>, vector<16xf32>,
        %mul3A_867 = arith.mulf %get3A_866, %div3A_805 : vector<16xf32>
        %swap3A_868 = arith.constant 192 : index
        %swap3A_869 = tpu.vector_load %arg6[%swap3A_868] {strides = array<i32>} : memref<256xf32, #tpu.memory_space<vmem>>, vector<16xf32>,
        tpu.vector_store %arg6[%swap3A_868], %mul3A_867 {strides = array<i32>} : memref<256xf32, #tpu.memory_space<vmem>>, vector<16xf32>,
        %get3A_870 = arith.constant 208 : index
        %get3A_871 = tpu.vector_load %arg6[%get3A_870] {strides = array<i32>} : memref<256xf32, #tpu.memory_space<vmem>>, vector<16xf32>,
        %mul3A_872 = arith.mulf %get3A_871, %div3A_805 : vector<16xf32>
        %swap3A_873 = arith.constant 208 : index
        %swap3A_874 = tpu.vector_load %arg6[%swap3A_873] {strides = array<i32>} : memref<256xf32, #tpu.memory_space<vmem>>, vector<16xf32>,
        tpu.vector_store %arg6[%swap3A_873], %mul3A_872 {strides = array<i32>} : memref<256xf32, #tpu.memory_space<vmem>>, vector<16xf32>,
        %get3A_875 = arith.constant 224 : index
        %get3A_876 = tpu.vector_load %arg6[%get3A_875] {strides = array<i32>} : memref<256xf32, #tpu.memory_space<vmem>>, vector<16xf32>,
        %mul3A_877 = arith.mulf %get3A_876, %div3A_805 : vector<16xf32>
        %swap3A_878 = arith.constant 224 : index
        %swap3A_879 = tpu.vector_load %arg6[%swap3A_878] {strides = array<i32>} : memref<256xf32, #tpu.memory_space<vmem>>, vector<16xf32>,
        tpu.vector_store %arg6[%swap3A_878], %mul3A_877 {strides = array<i32>} : memref<256xf32, #tpu.memory_space<vmem>>, vector<16xf32>,
        %get3A_880 = arith.constant 240 : index
        %get3A_881 = tpu.vector_load %arg6[%get3A_880] {strides = array<i32>} : memref<256xf32, #tpu.memory_space<vmem>>, vector<16xf32>,
        %mul3A_882 = arith.mulf %get3A_881, %div3A_805 : vector<16xf32>
        %swap3A_883 = arith.constant 240 : index
        %swap3A_884 = tpu.vector_load %arg6[%swap3A_883] {strides = array<i32>} : memref<256xf32, #tpu.memory_space<vmem>>, vector<16xf32>,
        tpu.vector_store %arg6[%swap3A_883], %mul3A_882 {strides = array<i32>} : memref<256xf32, #tpu.memory_space<vmem>>, vector<16xf32>,
        %broadcast_in_dim3A_885 = vector.broadcast %add3A_449 : i32 to vector<16xi32>
        %gather3A_886 = tpu.vector_load_idx %arg7[%broadcast_in_dim3A_885] : memref<64xf32, #tpu.memory_space<vmem>>[vector<16xi32>], vector<16xf32>,
        %sub3A_887 = arith.subf %broadcast_in_dim3A_466, %broadcast_in_dim3A_462 : vector<16xf32>
        %div3A_888 = arith.constant 2.550000e+02 : f32
        %div3A_889 = vector.broadcast %div3A_888 : f32 to vector<16xf32>
        %div3A_890 = arith.divf %div3A_889, %sub3A_887 : vector<16xf32>
        %parallel_loop3A_891 = arith.constant 0 : i32
        %parallel_loop3A_892 = arith.constant 64 : i32
        %parallel_loop3A_893 = arith.constant 1 : i32
        scf.for %parallel_loop3A_894 = %parallel_loop3A_891 to %parallel_loop3A_892 step %parallel_loop3A_893  : i32 {
          %parallel_loop3A_895 = arith.constant 0 : i32
          %parallel_loop3A_896 = arith.addi %mul3A_451, %parallel_loop3A_895 : i32
          %parallel_loop3A_897 = arith.constant 0 : i32
          %parallel_loop3A_898 = arith.index_cast %parallel_loop3A_897 : i32 to index
          %parallel_loop3A_899 = arith.index_cast %parallel_loop3A_894 : i32 to index
          %parallel_loop3A_900 = arith.index_cast %parallel_loop3A_896 : i32 to index
          %parallel_loop3A_901 = tpu.vector_load %arg4[%parallel_loop3A_898, %parallel_loop3A_899, %parallel_loop3A_900] {strides = array<i32>} : memref<3x64x128xf32, #tpu.memory_space<vmem>>, vector<16xf32>,
          %parallel_loop3A_902 = arith.constant 0 : i32
          %parallel_loop3A_903 = arith.addi %mul3A_451, %parallel_loop3A_902 : i32
          %parallel_loop3A_904 = arith.constant 1 : i32
          %parallel_loop3A_905 = arith.index_cast %parallel_loop3A_904 : i32 to index
          %parallel_loop3A_906 = arith.index_cast %parallel_loop3A_894 : i32 to index
          %parallel_loop3A_907 = arith.index_cast %parallel_loop3A_903 : i32 to index
          %parallel_loop3A_908 = tpu.vector_load %arg4[%parallel_loop3A_905, %parallel_loop3A_906, %parallel_loop3A_907] {strides = array<i32>} : memref<3x64x128xf32, #tpu.memory_space<vmem>>, vector<16xf32>,
          %parallel_loop3A_909 = arith.constant 0 : i32
          %parallel_loop3A_910 = arith.addi %mul3A_451, %parallel_loop3A_909 : i32
          %parallel_loop3A_911 = arith.constant 2 : i32
          %parallel_loop3A_912 = arith.index_cast %parallel_loop3A_911 : i32 to index
          %parallel_loop3A_913 = arith.index_cast %parallel_loop3A_894 : i32 to index
          %parallel_loop3A_914 = arith.index_cast %parallel_loop3A_910 : i32 to index
          %parallel_loop3A_915 = tpu.vector_load %arg4[%parallel_loop3A_912, %parallel_loop3A_913, %parallel_loop3A_914] {strides = array<i32>} : memref<3x64x128xf32, #tpu.memory_space<vmem>>, vector<16xf32>,
          %parallel_loop3A_916 = arith.constant 16 : i32
          %parallel_loop3A_917 = arith.addi %mul3A_451, %parallel_loop3A_916 : i32
          %parallel_loop3A_918 = arith.constant 0 : i32
          %parallel_loop3A_919 = arith.index_cast %parallel_loop3A_918 : i32 to index
          %parallel_loop3A_920 = arith.index_cast %parallel_loop3A_894 : i32 to index
          %parallel_loop3A_921 = arith.index_cast %parallel_loop3A_917 : i32 to index
          %parallel_loop3A_922 = tpu.vector_load %arg4[%parallel_loop3A_919, %parallel_loop3A_920, %parallel_loop3A_921] {strides = array<i32>} : memref<3x64x128xf32, #tpu.memory_space<vmem>>, vector<16xf32>,
          %parallel_loop3A_923 = arith.constant 16 : i32
          %parallel_loop3A_924 = arith.addi %mul3A_451, %parallel_loop3A_923 : i32
          %parallel_loop3A_925 = arith.constant 1 : i32
          %parallel_loop3A_926 = arith.index_cast %parallel_loop3A_925 : i32 to index
          %parallel_loop3A_927 = arith.index_cast %parallel_loop3A_894 : i32 to index
          %parallel_loop3A_928 = arith.index_cast %parallel_loop3A_924 : i32 to index
          %parallel_loop3A_929 = tpu.vector_load %arg4[%parallel_loop3A_926, %parallel_loop3A_927, %parallel_loop3A_928] {strides = array<i32>} : memref<3x64x128xf32, #tpu.memory_space<vmem>>, vector<16xf32>,
          %parallel_loop3A_930 = arith.constant 16 : i32
          %parallel_loop3A_931 = arith.addi %mul3A_451, %parallel_loop3A_930 : i32
          %parallel_loop3A_932 = arith.constant 2 : i32
          %parallel_loop3A_933 = arith.index_cast %parallel_loop3A_932 : i32 to index
          %parallel_loop3A_934 = arith.index_cast %parallel_loop3A_894 : i32 to index
          %parallel_loop3A_935 = arith.index_cast %parallel_loop3A_931 : i32 to index
          %parallel_loop3A_936 = tpu.vector_load %arg4[%parallel_loop3A_933, %parallel_loop3A_934, %parallel_loop3A_935] {strides = array<i32>} : memref<3x64x128xf32, #tpu.memory_space<vmem>>, vector<16xf32>,
          %parallel_loop3A_937 = arith.constant 32 : i32
          %parallel_loop3A_938 = arith.addi %mul3A_451, %parallel_loop3A_937 : i32
          %parallel_loop3A_939 = arith.constant 0 : i32
          %parallel_loop3A_940 = arith.index_cast %parallel_loop3A_939 : i32 to index
          %parallel_loop3A_941 = arith.index_cast %parallel_loop3A_894 : i32 to index
          %parallel_loop3A_942 = arith.index_cast %parallel_loop3A_938 : i32 to index
          %parallel_loop3A_943 = tpu.vector_load %arg4[%parallel_loop3A_940, %parallel_loop3A_941, %parallel_loop3A_942] {strides = array<i32>} : memref<3x64x128xf32, #tpu.memory_space<vmem>>, vector<16xf32>,
          %parallel_loop3A_944 = arith.constant 32 : i32
          %parallel_loop3A_945 = arith.addi %mul3A_451, %parallel_loop3A_944 : i32
          %parallel_loop3A_946 = arith.constant 1 : i32
          %parallel_loop3A_947 = arith.index_cast %parallel_loop3A_946 : i32 to index
          %parallel_loop3A_948 = arith.index_cast %parallel_loop3A_894 : i32 to index
          %parallel_loop3A_949 = arith.index_cast %parallel_loop3A_945 : i32 to index
          %parallel_loop3A_950 = tpu.vector_load %arg4[%parallel_loop3A_947, %parallel_loop3A_948, %parallel_loop3A_949] {strides = array<i32>} : memref<3x64x128xf32, #tpu.memory_space<vmem>>, vector<16xf32>,
          %parallel_loop3A_951 = arith.constant 32 : i32
          %parallel_loop3A_952 = arith.addi %mul3A_451, %parallel_loop3A_951 : i32
          %parallel_loop3A_953 = arith.constant 2 : i32
          %parallel_loop3A_954 = arith.index_cast %parallel_loop3A_953 : i32 to index
          %parallel_loop3A_955 = arith.index_cast %parallel_loop3A_894 : i32 to index
          %parallel_loop3A_956 = arith.index_cast %parallel_loop3A_952 : i32 to index
          %parallel_loop3A_957 = tpu.vector_load %arg4[%parallel_loop3A_954, %parallel_loop3A_955, %parallel_loop3A_956] {strides = array<i32>} : memref<3x64x128xf32, #tpu.memory_space<vmem>>, vector<16xf32>,
          %parallel_loop3A_958 = arith.constant 48 : i32
          %parallel_loop3A_959 = arith.addi %mul3A_451, %parallel_loop3A_958 : i32
          %parallel_loop3A_960 = arith.constant 0 : i32
          %parallel_loop3A_961 = arith.index_cast %parallel_loop3A_960 : i32 to index
          %parallel_loop3A_962 = arith.index_cast %parallel_loop3A_894 : i32 to index
          %parallel_loop3A_963 = arith.index_cast %parallel_loop3A_959 : i32 to index
          %parallel_loop3A_964 = tpu.vector_load %arg4[%parallel_loop3A_961, %parallel_loop3A_962, %parallel_loop3A_963] {strides = array<i32>} : memref<3x64x128xf32, #tpu.memory_space<vmem>>, vector<16xf32>,
          %parallel_loop3A_965 = arith.constant 48 : i32
          %parallel_loop3A_966 = arith.addi %mul3A_451, %parallel_loop3A_965 : i32
          %parallel_loop3A_967 = arith.constant 1 : i32
          %parallel_loop3A_968 = arith.index_cast %parallel_loop3A_967 : i32 to index
          %parallel_loop3A_969 = arith.index_cast %parallel_loop3A_894 : i32 to index
          %parallel_loop3A_970 = arith.index_cast %parallel_loop3A_966 : i32 to index
          %parallel_loop3A_971 = tpu.vector_load %arg4[%parallel_loop3A_968, %parallel_loop3A_969, %parallel_loop3A_970] {strides = array<i32>} : memref<3x64x128xf32, #tpu.memory_space<vmem>>, vector<16xf32>,
          %parallel_loop3A_972 = arith.constant 48 : i32
          %parallel_loop3A_973 = arith.addi %mul3A_451, %parallel_loop3A_972 : i32
          %parallel_loop3A_974 = arith.constant 2 : i32
          %parallel_loop3A_975 = arith.index_cast %parallel_loop3A_974 : i32 to index
          %parallel_loop3A_976 = arith.index_cast %parallel_loop3A_894 : i32 to index
          %parallel_loop3A_977 = arith.index_cast %parallel_loop3A_973 : i32 to index
          %parallel_loop3A_978 = tpu.vector_load %arg4[%parallel_loop3A_975, %parallel_loop3A_976, %parallel_loop3A_977] {strides = array<i32>} : memref<3x64x128xf32, #tpu.memory_space<vmem>>, vector<16xf32>,
          %parallel_loop3A_979 = arith.addf %parallel_loop3A_901, %parallel_loop3A_908 : vector<16xf32>
          %parallel_loop3A_980 = arith.addf %parallel_loop3A_979, %parallel_loop3A_915 : vector<16xf32>
          %parallel_loop3A_981 = arith.constant 0.333333343 : f32
          %parallel_loop3A_982 = vector.broadcast %parallel_loop3A_981 : f32 to vector<16xf32>
          %parallel_loop3A_983 = arith.mulf %parallel_loop3A_980, %parallel_loop3A_982 : vector<16xf32>
          %parallel_loop3A_984 = arith.subf %parallel_loop3A_983, %broadcast_in_dim3A_462 : vector<16xf32>
          %parallel_loop3A_985 = arith.mulf %parallel_loop3A_984, %div3A_890 : vector<16xf32>
          %parallel_loop3A_986 = arith.constant 2.550000e+02 : f32
          %parallel_loop3A_987 = vector.broadcast %parallel_loop3A_986 : f32 to vector<16xf32>
          %parallel_loop3A_988 = arith.minimumf %parallel_loop3A_985, %parallel_loop3A_987 : vector<16xf32>
          %parallel_loop3A_989 = arith.fptosi %parallel_loop3A_988 : vector<16xf32> to vector<16xi32>
          %parallel_loop3A_990 = tpu.vector_load_idx %arg6[%parallel_loop3A_989] : memref<256xf32, #tpu.memory_space<vmem>>[vector<16xi32>], vector<16xf32>,
          %parallel_loop3A_991 = arith.subf %parallel_loop3A_990, %parallel_loop3A_983 : vector<16xf32>
          %parallel_loop3A_992 = arith.mulf %gather3A_886, %parallel_loop3A_991 : vector<16xf32>
          %parallel_loop3A_993 = arith.addf %parallel_loop3A_983, %parallel_loop3A_992 : vector<16xf32>
          %parallel_loop3A_994 = arith.constant 9.99999974E-6 : f32
          %parallel_loop3A_995 = vector.broadcast %parallel_loop3A_994 : f32 to vector<16xf32>
          %parallel_loop3A_996 = arith.cmpf ogt, %parallel_loop3A_983, %parallel_loop3A_995 : vector<16xf32>
          %parallel_loop3A_997 = arith.constant 1.000000e+00 : f32
          %parallel_loop3A_998 = vector.broadcast %parallel_loop3A_997 : f32 to vector<16xf32>
          %parallel_loop3A_999 = arith.divf %parallel_loop3A_998, %parallel_loop3A_983 : vector<16xf32>
          %parallel_loop3A_1000 = arith.mulf %parallel_loop3A_993, %parallel_loop3A_999 : vector<16xf32>
          %parallel_loop3A_1001 = arith.mulf %parallel_loop3A_1000, %parallel_loop3A_901 : vector<16xf32>
          %parallel_loop3A_1002 = arith.select %parallel_loop3A_996, %parallel_loop3A_1001, %parallel_loop3A_993 : vector<16xi1>, vector<16xf32>
          %parallel_loop3A_1003 = arith.constant 1.000000e+00 : f32
          %parallel_loop3A_1004 = vector.broadcast %parallel_loop3A_1003 : f32 to vector<16xf32>
          %parallel_loop3A_1005 = arith.minimumf %parallel_loop3A_1002, %parallel_loop3A_1004 : vector<16xf32>
          %parallel_loop3A_1006 = arith.mulf %parallel_loop3A_1000, %parallel_loop3A_908 : vector<16xf32>
          %parallel_loop3A_1007 = arith.select %parallel_loop3A_996, %parallel_loop3A_1006, %parallel_loop3A_993 : vector<16xi1>, vector<16xf32>
          %parallel_loop3A_1008 = arith.constant 1.000000e+00 : f32
          %parallel_loop3A_1009 = vector.broadcast %parallel_loop3A_1008 : f32 to vector<16xf32>
          %parallel_loop3A_1010 = arith.minimumf %parallel_loop3A_1007, %parallel_loop3A_1009 : vector<16xf32>
          %parallel_loop3A_1011 = arith.mulf %parallel_loop3A_1000, %parallel_loop3A_915 : vector<16xf32>
          %parallel_loop3A_1012 = arith.select %parallel_loop3A_996, %parallel_loop3A_1011, %parallel_loop3A_993 : vector<16xi1>, vector<16xf32>
          %parallel_loop3A_1013 = arith.constant 1.000000e+00 : f32
          %parallel_loop3A_1014 = vector.broadcast %parallel_loop3A_1013 : f32 to vector<16xf32>
          %parallel_loop3A_1015 = arith.minimumf %parallel_loop3A_1012, %parallel_loop3A_1014 : vector<16xf32>
          %parallel_loop3A_1016 = arith.addf %parallel_loop3A_922, %parallel_loop3A_929 : vector<16xf32>
          %parallel_loop3A_1017 = arith.addf %parallel_loop3A_1016, %parallel_loop3A_936 : vector<16xf32>
          %parallel_loop3A_1018 = arith.constant 0.333333343 : f32
          %parallel_loop3A_1019 = vector.broadcast %parallel_loop3A_1018 : f32 to vector<16xf32>
          %parallel_loop3A_1020 = arith.mulf %parallel_loop3A_1017, %parallel_loop3A_1019 : vector<16xf32>
          %parallel_loop3A_1021 = arith.subf %parallel_loop3A_1020, %broadcast_in_dim3A_462 : vector<16xf32>
          %parallel_loop3A_1022 = arith.mulf %parallel_loop3A_1021, %div3A_890 : vector<16xf32>
          %parallel_loop3A_1023 = arith.constant 2.550000e+02 : f32
          %parallel_loop3A_1024 = vector.broadcast %parallel_loop3A_1023 : f32 to vector<16xf32>
          %parallel_loop3A_1025 = arith.minimumf %parallel_loop3A_1022, %parallel_loop3A_1024 : vector<16xf32>
          %parallel_loop3A_1026 = arith.fptosi %parallel_loop3A_1025 : vector<16xf32> to vector<16xi32>
          %parallel_loop3A_1027 = tpu.vector_load_idx %arg6[%parallel_loop3A_1026] : memref<256xf32, #tpu.memory_space<vmem>>[vector<16xi32>], vector<16xf32>,
          %parallel_loop3A_1028 = arith.subf %parallel_loop3A_1027, %parallel_loop3A_1020 : vector<16xf32>
          %parallel_loop3A_1029 = arith.mulf %gather3A_886, %parallel_loop3A_1028 : vector<16xf32>
          %parallel_loop3A_1030 = arith.addf %parallel_loop3A_1020, %parallel_loop3A_1029 : vector<16xf32>
          %parallel_loop3A_1031 = arith.constant 9.99999974E-6 : f32
          %parallel_loop3A_1032 = vector.broadcast %parallel_loop3A_1031 : f32 to vector<16xf32>
          %parallel_loop3A_1033 = arith.cmpf ogt, %parallel_loop3A_1020, %parallel_loop3A_1032 : vector<16xf32>
          %parallel_loop3A_1034 = arith.constant 1.000000e+00 : f32
          %parallel_loop3A_1035 = vector.broadcast %parallel_loop3A_1034 : f32 to vector<16xf32>
          %parallel_loop3A_1036 = arith.divf %parallel_loop3A_1035, %parallel_loop3A_1020 : vector<16xf32>
          %parallel_loop3A_1037 = arith.mulf %parallel_loop3A_1030, %parallel_loop3A_1036 : vector<16xf32>
          %parallel_loop3A_1038 = arith.mulf %parallel_loop3A_1037, %parallel_loop3A_922 : vector<16xf32>
          %parallel_loop3A_1039 = arith.select %parallel_loop3A_1033, %parallel_loop3A_1038, %parallel_loop3A_1030 : vector<16xi1>, vector<16xf32>
          %parallel_loop3A_1040 = arith.constant 1.000000e+00 : f32
          %parallel_loop3A_1041 = vector.broadcast %parallel_loop3A_1040 : f32 to vector<16xf32>
          %parallel_loop3A_1042 = arith.minimumf %parallel_loop3A_1039, %parallel_loop3A_1041 : vector<16xf32>
          %parallel_loop3A_1043 = arith.mulf %parallel_loop3A_1037, %parallel_loop3A_929 : vector<16xf32>
          %parallel_loop3A_1044 = arith.select %parallel_loop3A_1033, %parallel_loop3A_1043, %parallel_loop3A_1030 : vector<16xi1>, vector<16xf32>
          %parallel_loop3A_1045 = arith.constant 1.000000e+00 : f32
          %parallel_loop3A_1046 = vector.broadcast %parallel_loop3A_1045 : f32 to vector<16xf32>
          %parallel_loop3A_1047 = arith.minimumf %parallel_loop3A_1044, %parallel_loop3A_1046 : vector<16xf32>
          %parallel_loop3A_1048 = arith.mulf %parallel_loop3A_1037, %parallel_loop3A_936 : vector<16xf32>
          %parallel_loop3A_1049 = arith.select %parallel_loop3A_1033, %parallel_loop3A_1048, %parallel_loop3A_1030 : vector<16xi1>, vector<16xf32>
          %parallel_loop3A_1050 = arith.constant 1.000000e+00 : f32
          %parallel_loop3A_1051 = vector.broadcast %parallel_loop3A_1050 : f32 to vector<16xf32>
          %parallel_loop3A_1052 = arith.minimumf %parallel_loop3A_1049, %parallel_loop3A_1051 : vector<16xf32>
          %parallel_loop3A_1053 = arith.addf %parallel_loop3A_943, %parallel_loop3A_950 : vector<16xf32>
          %parallel_loop3A_1054 = arith.addf %parallel_loop3A_1053, %parallel_loop3A_957 : vector<16xf32>
          %parallel_loop3A_1055 = arith.constant 0.333333343 : f32
          %parallel_loop3A_1056 = vector.broadcast %parallel_loop3A_1055 : f32 to vector<16xf32>
          %parallel_loop3A_1057 = arith.mulf %parallel_loop3A_1054, %parallel_loop3A_1056 : vector<16xf32>
          %parallel_loop3A_1058 = arith.subf %parallel_loop3A_1057, %broadcast_in_dim3A_462 : vector<16xf32>
          %parallel_loop3A_1059 = arith.mulf %parallel_loop3A_1058, %div3A_890 : vector<16xf32>
          %parallel_loop3A_1060 = arith.constant 2.550000e+02 : f32
          %parallel_loop3A_1061 = vector.broadcast %parallel_loop3A_1060 : f32 to vector<16xf32>
          %parallel_loop3A_1062 = arith.minimumf %parallel_loop3A_1059, %parallel_loop3A_1061 : vector<16xf32>
          %parallel_loop3A_1063 = arith.fptosi %parallel_loop3A_1062 : vector<16xf32> to vector<16xi32>
          %parallel_loop3A_1064 = tpu.vector_load_idx %arg6[%parallel_loop3A_1063] : memref<256xf32, #tpu.memory_space<vmem>>[vector<16xi32>], vector<16xf32>,
          %parallel_loop3A_1065 = arith.subf %parallel_loop3A_1064, %parallel_loop3A_1057 : vector<16xf32>
          %parallel_loop3A_1066 = arith.mulf %gather3A_886, %parallel_loop3A_1065 : vector<16xf32>
          %parallel_loop3A_1067 = arith.addf %parallel_loop3A_1057, %parallel_loop3A_1066 : vector<16xf32>
          %parallel_loop3A_1068 = arith.constant 9.99999974E-6 : f32
          %parallel_loop3A_1069 = vector.broadcast %parallel_loop3A_1068 : f32 to vector<16xf32>
          %parallel_loop3A_1070 = arith.cmpf ogt, %parallel_loop3A_1057, %parallel_loop3A_1069 : vector<16xf32>
          %parallel_loop3A_1071 = arith.constant 1.000000e+00 : f32
          %parallel_loop3A_1072 = vector.broadcast %parallel_loop3A_1071 : f32 to vector<16xf32>
          %parallel_loop3A_1073 = arith.divf %parallel_loop3A_1072, %parallel_loop3A_1057 : vector<16xf32>
          %parallel_loop3A_1074 = arith.mulf %parallel_loop3A_1067, %parallel_loop3A_1073 : vector<16xf32>
          %parallel_loop3A_1075 = arith.mulf %parallel_loop3A_1074, %parallel_loop3A_943 : vector<16xf32>
          %parallel_loop3A_1076 = arith.select %parallel_loop3A_1070, %parallel_loop3A_1075, %parallel_loop3A_1067 : vector<16xi1>, vector<16xf32>
          %parallel_loop3A_1077 = arith.constant 1.000000e+00 : f32
          %parallel_loop3A_1078 = vector.broadcast %parallel_loop3A_1077 : f32 to vector<16xf32>
          %parallel_loop3A_1079 = arith.minimumf %parallel_loop3A_1076, %parallel_loop3A_1078 : vector<16xf32>
          %parallel_loop3A_1080 = arith.mulf %parallel_loop3A_1074, %parallel_loop3A_950 : vector<16xf32>
          %parallel_loop3A_1081 = arith.select %parallel_loop3A_1070, %parallel_loop3A_1080, %parallel_loop3A_1067 : vector<16xi1>, vector<16xf32>
          %parallel_loop3A_1082 = arith.constant 1.000000e+00 : f32
          %parallel_loop3A_1083 = vector.broadcast %parallel_loop3A_1082 : f32 to vector<16xf32>
          %parallel_loop3A_1084 = arith.minimumf %parallel_loop3A_1081, %parallel_loop3A_1083 : vector<16xf32>
          %parallel_loop3A_1085 = arith.mulf %parallel_loop3A_1074, %parallel_loop3A_957 : vector<16xf32>
          %parallel_loop3A_1086 = arith.select %parallel_loop3A_1070, %parallel_loop3A_1085, %parallel_loop3A_1067 : vector<16xi1>, vector<16xf32>
          %parallel_loop3A_1087 = arith.constant 1.000000e+00 : f32
          %parallel_loop3A_1088 = vector.broadcast %parallel_loop3A_1087 : f32 to vector<16xf32>
          %parallel_loop3A_1089 = arith.minimumf %parallel_loop3A_1086, %parallel_loop3A_1088 : vector<16xf32>
          %parallel_loop3A_1090 = arith.addf %parallel_loop3A_964, %parallel_loop3A_971 : vector<16xf32>
          %parallel_loop3A_1091 = arith.addf %parallel_loop3A_1090, %parallel_loop3A_978 : vector<16xf32>
          %parallel_loop3A_1092 = arith.constant 0.333333343 : f32
          %parallel_loop3A_1093 = vector.broadcast %parallel_loop3A_1092 : f32 to vector<16xf32>
          %parallel_loop3A_1094 = arith.mulf %parallel_loop3A_1091, %parallel_loop3A_1093 : vector<16xf32>
          %parallel_loop3A_1095 = arith.subf %parallel_loop3A_1094, %broadcast_in_dim3A_462 : vector<16xf32>
          %parallel_loop3A_1096 = arith.mulf %parallel_loop3A_1095, %div3A_890 : vector<16xf32>
          %parallel_loop3A_1097 = arith.constant 2.550000e+02 : f32
          %parallel_loop3A_1098 = vector.broadcast %parallel_loop3A_1097 : f32 to vector<16xf32>
          %parallel_loop3A_1099 = arith.minimumf %parallel_loop3A_1096, %parallel_loop3A_1098 : vector<16xf32>
          %parallel_loop3A_1100 = arith.fptosi %parallel_loop3A_1099 : vector<16xf32> to vector<16xi32>
          %parallel_loop3A_1101 = tpu.vector_load_idx %arg6[%parallel_loop3A_1100] : memref<256xf32, #tpu.memory_space<vmem>>[vector<16xi32>], vector<16xf32>,
          %parallel_loop3A_1102 = arith.subf %parallel_loop3A_1101, %parallel_loop3A_1094 : vector<16xf32>
          %parallel_loop3A_1103 = arith.mulf %gather3A_886, %parallel_loop3A_1102 : vector<16xf32>
          %parallel_loop3A_1104 = arith.addf %parallel_loop3A_1094, %parallel_loop3A_1103 : vector<16xf32>
          %parallel_loop3A_1105 = arith.constant 9.99999974E-6 : f32
          %parallel_loop3A_1106 = vector.broadcast %parallel_loop3A_1105 : f32 to vector<16xf32>
          %parallel_loop3A_1107 = arith.cmpf ogt, %parallel_loop3A_1094, %parallel_loop3A_1106 : vector<16xf32>
          %parallel_loop3A_1108 = arith.constant 1.000000e+00 : f32
          %parallel_loop3A_1109 = vector.broadcast %parallel_loop3A_1108 : f32 to vector<16xf32>
          %parallel_loop3A_1110 = arith.divf %parallel_loop3A_1109, %parallel_loop3A_1094 : vector<16xf32>
          %parallel_loop3A_1111 = arith.mulf %parallel_loop3A_1104, %parallel_loop3A_1110 : vector<16xf32>
          %parallel_loop3A_1112 = arith.mulf %parallel_loop3A_1111, %parallel_loop3A_964 : vector<16xf32>
          %parallel_loop3A_1113 = arith.select %parallel_loop3A_1107, %parallel_loop3A_1112, %parallel_loop3A_1104 : vector<16xi1>, vector<16xf32>
          %parallel_loop3A_1114 = arith.constant 1.000000e+00 : f32
          %parallel_loop3A_1115 = vector.broadcast %parallel_loop3A_1114 : f32 to vector<16xf32>
          %parallel_loop3A_1116 = arith.minimumf %parallel_loop3A_1113, %parallel_loop3A_1115 : vector<16xf32>
          %parallel_loop3A_1117 = arith.mulf %parallel_loop3A_1111, %parallel_loop3A_971 : vector<16xf32>
          %parallel_loop3A_1118 = arith.select %parallel_loop3A_1107, %parallel_loop3A_1117, %parallel_loop3A_1104 : vector<16xi1>, vector<16xf32>
          %parallel_loop3A_1119 = arith.constant 1.000000e+00 : f32
          %parallel_loop3A_1120 = vector.broadcast %parallel_loop3A_1119 : f32 to vector<16xf32>
          %parallel_loop3A_1121 = arith.minimumf %parallel_loop3A_1118, %parallel_loop3A_1120 : vector<16xf32>
          %parallel_loop3A_1122 = arith.mulf %parallel_loop3A_1111, %parallel_loop3A_978 : vector<16xf32>
          %parallel_loop3A_1123 = arith.select %parallel_loop3A_1107, %parallel_loop3A_1122, %parallel_loop3A_1104 : vector<16xi1>, vector<16xf32>
          %parallel_loop3A_1124 = arith.constant 1.000000e+00 : f32
          %parallel_loop3A_1125 = vector.broadcast %parallel_loop3A_1124 : f32 to vector<16xf32>
          %parallel_loop3A_1126 = arith.minimumf %parallel_loop3A_1123, %parallel_loop3A_1125 : vector<16xf32>
          %parallel_loop3A_1127 = arith.constant 0 : i32
          %parallel_loop3A_1128 = arith.addi %mul3A_451, %parallel_loop3A_1127 : i32
          %parallel_loop3A_1129 = arith.constant 0 : i32
          %parallel_loop3A_1130 = arith.index_cast %parallel_loop3A_1129 : i32 to index
          %parallel_loop3A_1131 = arith.index_cast %parallel_loop3A_894 : i32 to index
          %parallel_loop3A_1132 = arith.index_cast %parallel_loop3A_1128 : i32 to index
          %parallel_loop3A_1133 = tpu.vector_load %arg4[%parallel_loop3A_1130, %parallel_loop3A_1131, %parallel_loop3A_1132] {strides = array<i32>} : memref<3x64x128xf32, #tpu.memory_space<vmem>>, vector<16xf32>,
          tpu.vector_store %arg4[%parallel_loop3A_1130, %parallel_loop3A_1131, %parallel_loop3A_1132], %parallel_loop3A_1005 {strides = array<i32>} : memref<3x64x128xf32, #tpu.memory_space<vmem>>, vector<16xf32>,
          %parallel_loop3A_1134 = arith.constant 0 : i32
          %parallel_loop3A_1135 = arith.addi %mul3A_451, %parallel_loop3A_1134 : i32
          %parallel_loop3A_1136 = arith.constant 1 : i32
          %parallel_loop3A_1137 = arith.index_cast %parallel_loop3A_1136 : i32 to index
          %parallel_loop3A_1138 = arith.index_cast %parallel_loop3A_894 : i32 to index
          %parallel_loop3A_1139 = arith.index_cast %parallel_loop3A_1135 : i32 to index
          %parallel_loop3A_1140 = tpu.vector_load %arg4[%parallel_loop3A_1137, %parallel_loop3A_1138, %parallel_loop3A_1139] {strides = array<i32>} : memref<3x64x128xf32, #tpu.memory_space<vmem>>, vector<16xf32>,
          tpu.vector_store %arg4[%parallel_loop3A_1137, %parallel_loop3A_1138, %parallel_loop3A_1139], %parallel_loop3A_1010 {strides = array<i32>} : memref<3x64x128xf32, #tpu.memory_space<vmem>>, vector<16xf32>,
          %parallel_loop3A_1141 = arith.constant 0 : i32
          %parallel_loop3A_1142 = arith.addi %mul3A_451, %parallel_loop3A_1141 : i32
          %parallel_loop3A_1143 = arith.constant 2 : i32
          %parallel_loop3A_1144 = arith.index_cast %parallel_loop3A_1143 : i32 to index
          %parallel_loop3A_1145 = arith.index_cast %parallel_loop3A_894 : i32 to index
          %parallel_loop3A_1146 = arith.index_cast %parallel_loop3A_1142 : i32 to index
          %parallel_loop3A_1147 = tpu.vector_load %arg4[%parallel_loop3A_1144, %parallel_loop3A_1145, %parallel_loop3A_1146] {strides = array<i32>} : memref<3x64x128xf32, #tpu.memory_space<vmem>>, vector<16xf32>,
          tpu.vector_store %arg4[%parallel_loop3A_1144, %parallel_loop3A_1145, %parallel_loop3A_1146], %parallel_loop3A_1015 {strides = array<i32>} : memref<3x64x128xf32, #tpu.memory_space<vmem>>, vector<16xf32>,
          %parallel_loop3A_1148 = arith.constant 16 : i32
          %parallel_loop3A_1149 = arith.addi %mul3A_451, %parallel_loop3A_1148 : i32
          %parallel_loop3A_1150 = arith.constant 0 : i32
          %parallel_loop3A_1151 = arith.index_cast %parallel_loop3A_1150 : i32 to index
          %parallel_loop3A_1152 = arith.index_cast %parallel_loop3A_894 : i32 to index
          %parallel_loop3A_1153 = arith.index_cast %parallel_loop3A_1149 : i32 to index
          %parallel_loop3A_1154 = tpu.vector_load %arg4[%parallel_loop3A_1151, %parallel_loop3A_1152, %parallel_loop3A_1153] {strides = array<i32>} : memref<3x64x128xf32, #tpu.memory_space<vmem>>, vector<16xf32>,
          tpu.vector_store %arg4[%parallel_loop3A_1151, %parallel_loop3A_1152, %parallel_loop3A_1153], %parallel_loop3A_1042 {strides = array<i32>} : memref<3x64x128xf32, #tpu.memory_space<vmem>>, vector<16xf32>,
          %parallel_loop3A_1155 = arith.constant 16 : i32
          %parallel_loop3A_1156 = arith.addi %mul3A_451, %parallel_loop3A_1155 : i32
          %parallel_loop3A_1157 = arith.constant 1 : i32
          %parallel_loop3A_1158 = arith.index_cast %parallel_loop3A_1157 : i32 to index
          %parallel_loop3A_1159 = arith.index_cast %parallel_loop3A_894 : i32 to index
          %parallel_loop3A_1160 = arith.index_cast %parallel_loop3A_1156 : i32 to index
          %parallel_loop3A_1161 = tpu.vector_load %arg4[%parallel_loop3A_1158, %parallel_loop3A_1159, %parallel_loop3A_1160] {strides = array<i32>} : memref<3x64x128xf32, #tpu.memory_space<vmem>>, vector<16xf32>,
          tpu.vector_store %arg4[%parallel_loop3A_1158, %parallel_loop3A_1159, %parallel_loop3A_1160], %parallel_loop3A_1047 {strides = array<i32>} : memref<3x64x128xf32, #tpu.memory_space<vmem>>, vector<16xf32>,
          %parallel_loop3A_1162 = arith.constant 16 : i32
          %parallel_loop3A_1163 = arith.addi %mul3A_451, %parallel_loop3A_1162 : i32
          %parallel_loop3A_1164 = arith.constant 2 : i32
          %parallel_loop3A_1165 = arith.index_cast %parallel_loop3A_1164 : i32 to index
          %parallel_loop3A_1166 = arith.index_cast %parallel_loop3A_894 : i32 to index
          %parallel_loop3A_1167 = arith.index_cast %parallel_loop3A_1163 : i32 to index
          %parallel_loop3A_1168 = tpu.vector_load %arg4[%parallel_loop3A_1165, %parallel_loop3A_1166, %parallel_loop3A_1167] {strides = array<i32>} : memref<3x64x128xf32, #tpu.memory_space<vmem>>, vector<16xf32>,
          tpu.vector_store %arg4[%parallel_loop3A_1165, %parallel_loop3A_1166, %parallel_loop3A_1167], %parallel_loop3A_1052 {strides = array<i32>} : memref<3x64x128xf32, #tpu.memory_space<vmem>>, vector<16xf32>,
          %parallel_loop3A_1169 = arith.constant 32 : i32
          %parallel_loop3A_1170 = arith.addi %mul3A_451, %parallel_loop3A_1169 : i32
          %parallel_loop3A_1171 = arith.constant 0 : i32
          %parallel_loop3A_1172 = arith.index_cast %parallel_loop3A_1171 : i32 to index
          %parallel_loop3A_1173 = arith.index_cast %parallel_loop3A_894 : i32 to index
          %parallel_loop3A_1174 = arith.index_cast %parallel_loop3A_1170 : i32 to index
          %parallel_loop3A_1175 = tpu.vector_load %arg4[%parallel_loop3A_1172, %parallel_loop3A_1173, %parallel_loop3A_1174] {strides = array<i32>} : memref<3x64x128xf32, #tpu.memory_space<vmem>>, vector<16xf32>,
          tpu.vector_store %arg4[%parallel_loop3A_1172, %parallel_loop3A_1173, %parallel_loop3A_1174], %parallel_loop3A_1079 {strides = array<i32>} : memref<3x64x128xf32, #tpu.memory_space<vmem>>, vector<16xf32>,
          %parallel_loop3A_1176 = arith.constant 32 : i32
          %parallel_loop3A_1177 = arith.addi %mul3A_451, %parallel_loop3A_1176 : i32
          %parallel_loop3A_1178 = arith.constant 1 : i32
          %parallel_loop3A_1179 = arith.index_cast %parallel_loop3A_1178 : i32 to index
          %parallel_loop3A_1180 = arith.index_cast %parallel_loop3A_894 : i32 to index
          %parallel_loop3A_1181 = arith.index_cast %parallel_loop3A_1177 : i32 to index
          %parallel_loop3A_1182 = tpu.vector_load %arg4[%parallel_loop3A_1179, %parallel_loop3A_1180, %parallel_loop3A_1181] {strides = array<i32>} : memref<3x64x128xf32, #tpu.memory_space<vmem>>, vector<16xf32>,
          tpu.vector_store %arg4[%parallel_loop3A_1179, %parallel_loop3A_1180, %parallel_loop3A_1181], %parallel_loop3A_1084 {strides = array<i32>} : memref<3x64x128xf32, #tpu.memory_space<vmem>>, vector<16xf32>,
          %parallel_loop3A_1183 = arith.constant 32 : i32
          %parallel_loop3A_1184 = arith.addi %mul3A_451, %parallel_loop3A_1183 : i32
          %parallel_loop3A_1185 = arith.constant 2 : i32
          %parallel_loop3A_1186 = arith.index_cast %parallel_loop3A_1185 : i32 to index
          %parallel_loop3A_1187 = arith.index_cast %parallel_loop3A_894 : i32 to index
          %parallel_loop3A_1188 = arith.index_cast %parallel_loop3A_1184 : i32 to index
          %parallel_loop3A_1189 = tpu.vector_load %arg4[%parallel_loop3A_1186, %parallel_loop3A_1187, %parallel_loop3A_1188] {strides = array<i32>} : memref<3x64x128xf32, #tpu.memory_space<vmem>>, vector<16xf32>,
          tpu.vector_store %arg4[%parallel_loop3A_1186, %parallel_loop3A_1187, %parallel_loop3A_1188], %parallel_loop3A_1089 {strides = array<i32>} : memref<3x64x128xf32, #tpu.memory_space<vmem>>, vector<16xf32>,
          %parallel_loop3A_1190 = arith.constant 48 : i32
          %parallel_loop3A_1191 = arith.addi %mul3A_451, %parallel_loop3A_1190 : i32
          %parallel_loop3A_1192 = arith.constant 0 : i32
          %parallel_loop3A_1193 = arith.index_cast %parallel_loop3A_1192 : i32 to index
          %parallel_loop3A_1194 = arith.index_cast %parallel_loop3A_894 : i32 to index
          %parallel_loop3A_1195 = arith.index_cast %parallel_loop3A_1191 : i32 to index
          %parallel_loop3A_1196 = tpu.vector_load %arg4[%parallel_loop3A_1193, %parallel_loop3A_1194, %parallel_loop3A_1195] {strides = array<i32>} : memref<3x64x128xf32, #tpu.memory_space<vmem>>, vector<16xf32>,
          tpu.vector_store %arg4[%parallel_loop3A_1193, %parallel_loop3A_1194, %parallel_loop3A_1195], %parallel_loop3A_1116 {strides = array<i32>} : memref<3x64x128xf32, #tpu.memory_space<vmem>>, vector<16xf32>,
          %parallel_loop3A_1197 = arith.constant 48 : i32
          %parallel_loop3A_1198 = arith.addi %mul3A_451, %parallel_loop3A_1197 : i32
          %parallel_loop3A_1199 = arith.constant 1 : i32
          %parallel_loop3A_1200 = arith.index_cast %parallel_loop3A_1199 : i32 to index
          %parallel_loop3A_1201 = arith.index_cast %parallel_loop3A_894 : i32 to index
          %parallel_loop3A_1202 = arith.index_cast %parallel_loop3A_1198 : i32 to index
          %parallel_loop3A_1203 = tpu.vector_load %arg4[%parallel_loop3A_1200, %parallel_loop3A_1201, %parallel_loop3A_1202] {strides = array<i32>} : memref<3x64x128xf32, #tpu.memory_space<vmem>>, vector<16xf32>,
          tpu.vector_store %arg4[%parallel_loop3A_1200, %parallel_loop3A_1201, %parallel_loop3A_1202], %parallel_loop3A_1121 {strides = array<i32>} : memref<3x64x128xf32, #tpu.memory_space<vmem>>, vector<16xf32>,
          %parallel_loop3A_1204 = arith.constant 48 : i32
          %parallel_loop3A_1205 = arith.addi %mul3A_451, %parallel_loop3A_1204 : i32
          %parallel_loop3A_1206 = arith.constant 2 : i32
          %parallel_loop3A_1207 = arith.index_cast %parallel_loop3A_1206 : i32 to index
          %parallel_loop3A_1208 = arith.index_cast %parallel_loop3A_894 : i32 to index
          %parallel_loop3A_1209 = arith.index_cast %parallel_loop3A_1205 : i32 to index
          %parallel_loop3A_1210 = tpu.vector_load %arg4[%parallel_loop3A_1207, %parallel_loop3A_1208, %parallel_loop3A_1209] {strides = array<i32>} : memref<3x64x128xf32, #tpu.memory_space<vmem>>, vector<16xf32>,
          tpu.vector_store %arg4[%parallel_loop3A_1207, %parallel_loop3A_1208, %parallel_loop3A_1209], %parallel_loop3A_1126 {strides = array<i32>} : memref<3x64x128xf32, #tpu.memory_space<vmem>>, vector<16xf32>,
        } {sc.loop_unroll_factor = 2 : i64, sc.parallel_access}
      } else {
      }
    }
    %scan3A_442 = arith.constant 2 : i32
    "tpu.region"() ({
      %run_scoped3A = tpu.sem_alloc : memref<!tpu.dma_semaphore, #tpu.memory_space<semaphore_mem>>
      %dma_start3A = arith.constant 0 : i32
      %dma_start3A_443 = tpu.memref_slice %arg3[%dma_start3A, %mul3A_434, %mul3A_436] : memref<3x512x512xf32, #tpu.memory_space<hbm>> -> memref<3x64x128xf32, #tpu.memory_space<hbm>>
      %dma_start3A_444 = arith.constant 0 : i32
      %dma_start3A_445 = tpu.memref_slice %arg3[%dma_start3A_444, %mul3A_434, %mul3A_436] : memref<3x512x512xf32, #tpu.memory_space<hbm>> -> memref<3x64x128xf32, #tpu.memory_space<hbm>>
      tpu.enqueue_dma source(%arg4 : memref<3x64x128xf32, #tpu.memory_space<vmem>>) target(%dma_start3A_445 : memref<3x64x128xf32, #tpu.memory_space<hbm>>) target_semaphore(%run_scoped3A : memref<!tpu.dma_semaphore, #tpu.memory_space<semaphore_mem>>)
      %dma_wait3A = arith.constant 0 : i32
      %dma_wait3A_446 = tpu.memref_slice %arg3[%dma_wait3A, %mul3A_434, %mul3A_436] : memref<3x512x512xf32, #tpu.memory_space<hbm>> -> memref<3x64x128xf32, #tpu.memory_space<hbm>>
      %dma_wait3A_447 = arith.constant 0 : i32
      %dma_wait3A_448 = tpu.memref_slice %arg3[%dma_wait3A_447, %mul3A_434, %mul3A_436] : memref<3x512x512xf32, #tpu.memory_space<hbm>> -> memref<3x64x128xf32, #tpu.memory_space<hbm>>
      tpu.wait_dma2 semaphore(%run_scoped3A : memref<!tpu.dma_semaphore, #tpu.memory_space<semaphore_mem>>) src(%arg4 : memref<3x64x128xf32, #tpu.memory_space<vmem>>) dst(%dma_wait3A_448 : memref<3x64x128xf32, #tpu.memory_space<hbm>>)
      tpu.yield
    }) : () -> ()
    return
  }
}

</mosaic_0001>

<sc_bundles>
// kernel: kernel.3.cloned.1.call-start
scs
__scs_entry_jumppad:
0x0: {  	(pc) =	sbr.rel $0x88, $3  }
0x1: {  	(tag) =	ssettag $0x0;
	lr =	simm.s32 $0x1  }
0x2: {  	[smem:$0x3FA0] =	sst lr;
	_ =	strace $0xD0000000  }
0x3: {  	_ = 	snop  }
0x4: {  	_ = 	snop  }
0x5: {  	_ = 	snop  }
0x6: {  	_ = 	snop  }
0x7: {  	_ = 	snop  }
__scs_overlays_trampoline_lowered:
0x8: {  	[smem:$0x3FAF] =	sst s0  }
0x9: {  	[smem:$0x3FB0] =	sst s1  }
0xa: {  	[smem:$0x3FB1] =	sst s2  }
0xb: {  	[smem:$0x3FB2] =	sst s3  }
0xc: {  	[smem:$0x3FB3] =	sst s4  }
0xd: {  	[smem:$0x3FB4] =	sst s5  }
0xe: {  	[smem:$0x3FB5] =	sst s6  }
0xf: {  	[smem:$0x3FB6] =	sst s7  }
0x10: {  	[smem:$0x3FB7] =	sst s8  }
0x11: {  	[smem:$0x3FB8] =	sst s9;
	s0 =	simm.s32 @!p0 $0x0  }
0x12: {  	s1 =	sld [smem:$0x3F9E];
	s0 =	simm.s32 @p0 $0x1  }
0x13: {  	[smem:$0x3FB9] =	sst s0;
	s0 =	simm.s32 @!p1 $0x0  }
0x14: {  	s2 =	sld [smem:$0x3F9D];
	s0 =	simm.s32 @p1 $0x1  }
0x15: {  	[smem:$0x3FBA] =	sst s0;
	s0 =	simm.s32 @!p2 $0x0  }
0x16: {  	s3 =	sld [smem:$0x3FDB];
	s0 =	simm.s32 @p2 $0x1  }
0x17: {  	s4 =	simm.s32 $0x1BF5;
	[smem:$0x3FBC] =	sst s0  }
0x18: {  	s0 =	sld [smem:$0x3F9F];
	_ =	swait.ge [sflag:s4], $0x0  }
0x19: {  	s7 =	sld [smem:$0x3FA0]  }
0x1a: {  	s8 =	sadd.s32 $0xFFFFE003, lr  }
0x1b: {  	s9 =	sadd.s32 $0xFFFFFEF7, lr;
	s5 =	simm.s32 $0xFFFFFFFF;
	p2 =	slt.u32 s8, $0xFFFFF086  }
0x1c: {  	p1 =	slt.u32 s9, $0xF7A;
	s5 =	simm.s32 @!p2 $0x0  }
0x1d: {  	s5 =	simm.s32 @p1 $0x1;
	p0 =	seq.s32 s7, s2  }
0x1e: {  	s7 =	smul.u32 @!p0 $0xF7A, s2;
	p2 =	seq.s32 @!p0 s5, $0x0  }
0x1f: {  	s9 =	smul.u32 $0xF7A, s1;
	s8 =	simm.s32 @!p0 $0x1BF5;
	p2 =	por !p2, p0  }
0x20: {  	[sflag:s8] =	ssyncset.s32 @!p0 $0xFFFFF086;
	s6 =	sadd.s32 @!p0 s3, s7;
	s7 =	simm.s32 @!p0 $0x108  }
0x21: {  	s3 =	sadd.s32 s3, s9;
	s6 =	sadd.s32 @!p0 $0x88, s6;
	s7 =	simm.s32 @p2 $0x1082  }
0x22: {  	[simem:s7], [sflag:s8] =	dma.local @!p0 [hbm:s6], $0xF7A  }
0x23: {  	s9 =	sor.u32 $0xD0000000, s2;
	s6 =	simm.s32 $0x108;
	_ =	swait.ge @!p0 [sflag:s8], $0x0  }
0x24: {  	s3 =	sadd.s32 $0x88, s3;
	s6 =	simm.s32 @!p1 $0x1082;
	[sflag:s4] =	ssyncset.s32 $0xFFFFF086  }
0x25: {  	[simem:s6], [sflag:s4] =	dma.local [hbm:s3], $0xF7A  }
0x26: {  	[smem:$0x3FA0] =	sst s1;
	(tag) =	ssettag s2;
	_ =	strace s9  }
0x27: {  	s1 =	sld [smem:$0x3FB0]  }
0x28: {  	s2 =	sld [smem:$0x3FB1]  }
0x29: {  	s4 =	sld [smem:$0x3FB3]  }
0x2a: {  	p0 =	seq.s32 s5, $0x0;
	s5 =	sld [smem:$0x3FB4]  }
0x2b: {  	s6 =	sld [smem:$0x3FB5]  }
0x2c: {  	s7 =	sld [smem:$0x3FB6]  }
0x2d: {  	s3 =	simm.s32 $0x108;
	s8 =	sld [smem:$0x3FB7]  }
0x2e: {  	s3 =	simm.s32 @!p0 $0x1082;
	s9 =	sld [smem:$0x3FB8]  }
0x2f: {  	lr =	sadd.s32 s0, s3;
	s0 =	sld [smem:$0x3FAF]  }
0x30: {  	s3 =	sld [smem:$0x3FB2]  }
0x31: {  	[smem:$0x3FBB] =	sst s10  }
0x32: {  	s10 =	sld [smem:$0x3FB9];
	_ =	sdelay $0x3  }
0x33: {  	p0 =	seq.s32 s10, $0x1;
	s10 =	sld [smem:$0x3FBB];
	_ =	sdelay $0x3  }
0x34: {  	[smem:$0x3FBB] =	sst s10  }
0x35: {  	s10 =	sld [smem:$0x3FBA];
	_ =	sdelay $0x3  }
0x36: {  	p1 =	seq.s32 s10, $0x1;
	s10 =	sld [smem:$0x3FBB];
	_ =	sdelay $0x3  }
0x37: {  	[smem:$0x3FBB] =	sst s10  }
0x38: {  	s10 =	sld [smem:$0x3FBC]  }
0x39: {  	_ = 	snop;
	(pc) =	sbr.ind lr, $3  }
0x3a: {  	_ = 	snop  }
0x3b: {  	_ = 	snop  }
0x3c: {  	p2 =	seq.s32 s10, $0x1;
	s10 =	sld [smem:$0x3FBB]  }
0x3d: {  	_ =	shalt  }
0x3e: {  	_ =	shalt  }
0x3f: {  	_ =	shalt  }
0x40: {  	_ =	shalt  }
0x41: {  	_ =	shalt  }
0x42: {  	_ =	shalt  }
0x43: {  	_ =	shalt  }
0x44: {  	_ =	shalt  }
0x45: {  	_ =	shalt  }
0x46: {  	_ =	shalt  }
0x47: {  	_ =	shalt  }
0x48: {  	_ =	shalt  }
0x49: {  	_ =	shalt  }
0x4a: {  	_ =	shalt  }
0x4b: {  	_ =	shalt  }
0x4c: {  	_ =	shalt  }
0x4d: {  	_ =	shalt  }
0x4e: {  	_ =	shalt  }
0x4f: {  	_ =	shalt  }
0x50: {  	_ =	shalt  }
0x51: {  	_ =	shalt  }
0x52: {  	_ =	shalt  }
0x53: {  	_ =	shalt  }
0x54: {  	_ =	shalt  }
0x55: {  	_ =	shalt  }
0x56: {  	_ =	shalt  }
0x57: {  	_ =	shalt  }
0x58: {  	_ =	shalt  }
0x59: {  	_ =	shalt  }
0x5a: {  	_ =	shalt  }
0x5b: {  	_ =	shalt  }
0x5c: {  	_ =	shalt  }
0x5d: {  	_ =	shalt  }
0x5e: {  	_ =	shalt  }
0x5f: {  	_ =	shalt  }
0x60: {  	_ =	shalt  }
0x61: {  	_ =	shalt  }
0x62: {  	_ =	shalt  }
0x63: {  	_ =	shalt  }
0x64: {  	_ =	shalt  }
0x65: {  	_ =	shalt  }
0x66: {  	_ =	shalt  }
0x67: {  	_ =	shalt  }
0x68: {  	_ =	shalt  }
0x69: {  	_ =	shalt  }
0x6a: {  	_ =	shalt  }
0x6b: {  	_ =	shalt  }
0x6c: {  	_ =	shalt  }
0x6d: {  	_ =	shalt  }
0x6e: {  	_ =	shalt  }
0x6f: {  	_ =	shalt  }
0x70: {  	_ =	shalt  }
0x71: {  	_ =	shalt  }
0x72: {  	_ =	shalt  }
0x73: {  	_ =	shalt  }
0x74: {  	_ =	shalt  }
0x75: {  	_ =	shalt  }
0x76: {  	_ =	shalt  }
0x77: {  	_ =	shalt  }
0x78: {  	_ =	shalt  }
0x79: {  	_ =	shalt  }
0x7a: {  	_ =	shalt  }
0x7b: {  	_ =	shalt  }
0x7c: {  	_ =	shalt  }
0x7d: {  	_ =	shalt  }
0x7e: {  	_ =	shalt  }
0x7f: {  	_ =	shalt  }
0x80: {  	_ =	shalt  }
0x81: {  	_ =	shalt  }
0x82: {  	_ =	shalt  }
0x83: {  	_ =	shalt  }
0x84: {  	_ =	shalt  }
0x85: {  	_ =	shalt  }
0x86: {  	_ =	shalt  }
0x87: {  	_ =	shalt  }
.Lfunc_end0:
.L_simem_size_0:
called_computation_lowered:
.L_overlay_start_0:
0x88: {  	s2 =	sld [smem:$0x3FD9]  }
0x89: {  	s3 =	sld [smem:$0x3FFE];
	_ =	sdelay $0x1  }
0x8a: {  	s1 =	srdreg.scid  }
0x8b: {  	s0 =	sand.u32 $0x1, s1  }
0x8c: {  	s18 =	sshll.u32 s0, $0xA;
	s2 =	sadd.s32 s3, s2  }
0x8d: {  	s2 =	sadd.s32 s2, s18  }
0x8e: {  	[smem:$0x3FC7] =	sst s2  }
0x8f: {  	_ = 	snop  }
0x90: {  	s2 =	sld [smem:$0x3FC9]  }
0x91: {  	s19 =	sld [smem:$0x3FD0];
	(tm) =	ssettm $0x1  }
0x92: {  	s4 =	sld [smem:$0x3FFB];
	_ =	sdelay $0x3  }
0x93: {  	_ =	strace s4  }
0x94: {  	s4 =	sld [smem:$0x3FFC];
	_ =	sdelay $0x3  }
0x95: {  	_ =	strace s4  }
0x96: {  	s4 =	sld [smem:$0x3FFD];
	_ =	sdelay $0x3  }
0x97: {  	_ =	strace s4  }
0x98: {  	_ =	strace $0x8FFFFFFF  }
0x99: {  	s20 =	sld [smem:$0x3FDB];
	_ =	sdelay $0x1  }
0x9a: {  	s5 =	simm.s32 $_scs_section_size  }
0x9b: {  	s6 =	simm.s32 $_size__tile_overlayer_lowered;
	s7 =	simm.s32 $_tile_overlayer_lowered  }
0x9c: {  	s23 =	simm.s32 $0x1BFF;
	s22 =	sshll.u32 s7, $0x1;
	s4 =	sadd.s32 s5, s20  }
0x9d: {  	s8 =	simm.s32 $0x0;
	s21 =	sshll.u32 s6, $0x1;
	s6 =	sadd.s32 s22, s4  }
0x9e: {  	[timem:s8], [sflag:s23] =	dma.local [hbm:s6], s21  }
0x9f: {  	_ =	swait.ge [sflag:s23], s21  }
0xa0: {  	s5 =	ssub.s32 $0x0, s21;
	[sflag:s23] =	ssyncset.done $0x0  }
0xa1: {  	[sflag:s23] =	ssyncadd.s32 s5;
	_ =	sdelay $0x1  }
0xa2: {  	s24 =	simm.s32 $0x1B8B  }
0xa3: {  	_ =	swait.ge [sflag:s24], $0x1  }
0xa4: {  	[sflag:s24] =	ssyncset.done $0x0  }
0xa5: {  	s25 =	simm.s32 $0x1B8E;
	[sflag:s24] =	ssyncadd.s32 $0xFFFFFFFF  }
0xa6: {  	s26 =	simm.s32 $execute0_lowered;
	[smem:$0x3FD2] =	sst s25  }
0xa7: {  	s5 =	sshll.u32 s26, $0x1;
	_ =	strace $0x80000046;
	[dreg:$0x1] =	wrdreg $0xFFFFFFFF  }
0xa8: {  	s28 =	simm.s32 $_size_execute0_lowered;
	s4 =	sadd.s32 s4, s5;
	[dreg:$0x0] =	wrdreg $0x0  }
0xa9: {  	s5 =	sshll.u32 s28, $0x1;
	[dreg:$0x2] =	wrdreg s4  }
0xaa: {  	[dreg:$0x3] =	wrdreg s5  }
0xab: {  	[dreg:$0x4] =	wrdreg $0xC0  }
0xac: {  	_ =	task [dreg:s8], $0x5FFFF  }
0xad: {  	[dreg:$0x1] =	wrdreg $0xFFFFFFFF  }
0xae: {  	[dreg:$0x0] =	wrdreg $0x60  }
0xaf: {  	[dreg:$0x2] =	wrdreg s2  }
0xb0: {  	[dreg:$0x3] =	wrdreg s19  }
0xb1: {  	[dreg:$0x4] =	wrdreg $0x9  }
0xb2: {  	_ =	task.clear_ibuf [dreg:s8], $0x5FFFF;
	_ =	strace $0x90000046  }
0xb3: {  	s29 =	simm.s32 $0x9;
	_ =	strace $0x80000048  }
0xb4: {  	_ =	swait.ge [sflag:s29], $0x1  }
0xb5: {  	[sflag:s29] =	ssyncadd.s32 $0xFFFFFFFF  }
0xb6: {  	_ =	strace $0x90000048  }
0xb7: {  	_ =	sfence  }
0xb8: {  	s30 =	sld [smem:$0x0];
	_ =	sdelay $0x2  }
0xb9: {  	s31 =	sshll.u32 s1, $0xD;
	s1 =	sshrl.u32 s1, $0x2  }
0xba: {  	s3 =	sand.u32 $0x4000, s31;
	s1 =	sadd.s32 s1, s30  }
0xbb: {  	s0 =	sor.u32 s3, s0;
	s1 =	sshll.u32 s1, $0x11  }
0xbc: {  	s0 =	sor.u32 s1, s0  }
0xbd: {  	s0 =	sadd.s32 $0x8F2B, s0  }
0xbe: {  	[sflag:s0] =	ssyncadd.remote.s32 $0x1  }
0xbf: {  	_ =	sfence.sel $0xFFFF  }
0xc0: {  	[dreg:$0x0] =	wrdreg $0xFFFFFFFF;
	(pc) =	sbr.abs _section_cstart, $3  }
0xc1: {  	[dreg:$0x1] =	wrdreg $0xFFFFFFFF  }
0xc2: {  	_ =	task.clear_ibuf [dreg:s8], $0x2FFFF;
	_ =	strace $0x9FFFFFFF  }
0xc3: {  	(tm) =	ssettm $0x7FFFFFFF  }
tec
execute0_lowered:
.L_overlay_start_1:
0x0: {  	(tag) =	ssettag $0x1  }
0x1: {  	v0 =	vimm.f32 $5.435646770e-01;
	vm14 =	vcmask $0x300  }
0x2: {  	vm13 =	vcmask $0x704;
	v0 =	vsel vm14, $0x3F463F85, v0  }
0x3: {  	vm12 =	vcmask $0xB08;
	v0 =	vsel vm13, $0x3F5B8B53, v0  }
0x4: {  	vm11 =	vcmask $0xF0C;
	v0 =	vsel vm12, $0x3F4D275A, v0  }
0x5: {  	vm10 =	vcmask $0x1310;
	v0 =	vsel vm11, $0x3F45BEBB, v0  }
0x6: {  	vm9 =	vcmask $0x1714;
	v0 =	vsel vm10, $0x3F363A52, v0  }
0x7: {  	vm8 =	vcmask $0x1B18;
	v0 =	vsel vm9, $0x3F52ACA9, v0  }
0x8: {  	vm7 =	vcmask $0x1F1C;
	vm6 =	vcmask $0x2320;
	v0 =	vsel vm8, $0x3F3802DC, v0  }
0x9: {  	vm5 =	vcmask $0x2724;
	vm4 =	vcmask $0x2B28;
	v0 =	vsel vm7, $0x3F72259E, v0  }
0xa: {  	vm3 =	vcmask $0x2F2C;
	vm2 =	vcmask $0x3330;
	v0 =	vsel vm6, $0x3F7B594D, v0  }
0xb: {  	vm1 =	vcmask $0x3734;
	vm0 =	vcmask $0x3B38;
	v0 =	vsel vm5, $0x3F31149D, v0  }
0xc: {  	s3 =	rddreg [dreg:$0x0];
	v60 =	vimm.f32 $8.871168490e-01;
	v1 =	vimm.f32 $5.644631390e-01;
	v0 =	vsel vm4, $0x3F65573F, v0  }
0xd: {  	s1 =	simm.s32 $0x0;
	v2 =	vimm.f32 $5.690914990e-01;
	s10 =	simm.s32 $0x1000;
	s11 =	simm.s32 $0x2000;
	v0 =	vsel vm3, $0x3F43B2D4, v0  }
0xe: {  	s12 =	simm.s32 $0x4000;
	s14 =	simm.s32 $0x6000;
	v17 =	vimm.s32 $0xAF;
	[smem:$0x7FF] =	sst s1;
	v0 =	vsel vm2, $0x3F48B5AF, v0  }
0xf: {  	s5 =	rddreg [dreg:$0x1];
	v1 =	vsel vm14, $0x3F3A6322, v1;
	v2 =	vsel vm14, $0x3F285FF5, v2;
	v0 =	vsel vm1, $0x3F7679F3, v0  }
0x10: {  	s0 =	rddreg [dreg:$0x2];
	s2 =	stileid.u32;
	_ =	strace $0x80000047;
	v1 =	vsel vm13, $0x3F48C272, v1;
	v0 =	vsel vm0, $0x3F0917B6, v0  }
0x11: {  	v4 =	vimm.f32 $0.0e+00;
	s15 =	simm.s32 $0x7080;
	s9 =	sshrl.u32 s2, $0x1;
	v2 =	vsel vm13, $0x3F2E8E13, v2;
	[tilespmem:$0x1FFC0] =	vst v0;
	v0 =	vsel vm14, $0x3F029684, v60  }
0x12: {  	v63 =	vlaneseq.u32;
	s16 =	simm.s32 $0x7180;
	s29 =	sshll.u32 s9, $0xC;
	v1 =	vsel vm12, $0x3F0267B4, v1;
	v0 =	vsel vm13, $0x3F6A9349, v0  }
0x13: {  	v2 =	vsel vm12, $0x3F48FC35, v2;
	v1 =	vsel vm11, $0x3F4F0EAE, v1;
	v0 =	vsel vm12, $0x3F639AA4, v0  }
0x14: {  	v2 =	vsel vm11, $0x3F382418, v2;
	v1 =	vsel vm10, $0x3F4E5927, v1;
	v0 =	vsel vm11, $0x3F6F5C8F, v0  }
0x15: {  	v2 =	vsel vm10, $0x3F7E8309, v2;
	v1 =	vsel vm9, $0x3F4EF7B1, v1;
	v0 =	vsel vm10, $0x3F7D435E, v0  }
0x16: {  	v2 =	vsel vm9, $0x3F0D0FCE, v2;
	v1 =	vsel vm8, $0x3F78CCBD, v1;
	v0 =	vsel vm9, $0x3F664AD4, v0  }
0x17: {  	v2 =	vsel vm8, $0x3F1ABC79, v2;
	v1 =	vsel vm7, $0x3F5745E3, v1;
	v0 =	vsel vm8, $0x3F3B11C1, v0  }
0x18: {  	v2 =	vsel vm7, $0x3F14A5CA, v2;
	v1 =	vsel vm6, $0x3F2E045B, v1;
	v0 =	vsel vm7, $0x3F63E861, v0  }
0x19: {  	v2 =	vsel vm6, $0x3F53990E, v2;
	v1 =	vsel vm5, $0x3F37F0AA, v1;
	v0 =	vsel vm6, $0x3F0F239E, v0  }
0x1a: {  	s4 =	srdreg.scid;
	v2 =	vsel vm5, $0x3F206BDC, v2;
	v1 =	vsel vm4, $0x3F594BFB, v1;
	v0 =	vsel vm5, $0x3F51E8EF, v0  }
0x1b: {  	s13 =	simm.s32 $0x1;
	s4 =	sand.u32 $0x1, s4;
	s6 =	sshll.u32 s2, $0x1;
	v2 =	vsel vm4, $0x3F3BB012, v2;
	v1 =	vsel vm3, $0x3F07B578, v1;
	v0 =	vsel vm4, $0x3F125967, v0  }
0x1c: {  	s7 =	ssub.s32 $0x2, s4;
	s6 =	sand.u32 $0x2, s6;
	s31 =	sshll.u32 s9, $0x3;
	v2 =	vsel vm3, $0x3F1F4956, v2;
	v1 =	vsel vm2, $0x3F55589D, v1;
	v0 =	vsel vm3, $0x3F78EAE9, v0  }
.Ltmp0:
0x1d: {  	v6 =	vimm.f32 $1.000000000e+00;
	s9 =	simm.s32 $0x400;
	s4 =	sor.u32 s4, s6;
	v1 =	vsel vm1, $0x3F55D776, v1;
	v0 =	vsel vm2, $0x3F42CBED, v0;
	(pc) =	sbr.rel .LBB2_1-.Ltmp0, $4  }
0x1e: {  	s17 =	simm.s32 $0x0;
	s8 =	sshrl.u32 s7, $0x1;
	s30 =	sshll.u32 s4, $0x7;
	v2 =	vsel vm2, $0x3F14591E, v2;
	v61 =	vsel vm0, $0x3F1AEDD1, v1;
	v0 =	vsel vm1, $0x3F3513A4, v0  }
0x1f: {  	v18 =	vimm.s32 $0xBF;
	s28 =	ssub.s32 s7, s8;
	s4 =	sshll.u32 s4, $0x1;
	s7 =	sor.u32 s29, s30;
	v62 =	vsel vm1, $0x3F0E20C6, v2;
	[tilespmem:$0x1FFE0] =	vst v61;
	v0 =	vsel vm0, $0x3F21DCF5, v0  }
0x20: {  	v19 =	vimm.s32 $0xCF;
	v20 =	vimm.s32 $0xDF;
	s4 =	sor.u32 s31, s4;
	s6 =	smax.u32 s28, $0x1;
	s3 =	sadd.s32 s3, s7;
	[tilespmem:$0x1FFD0] =	vst v0;
	v0 =	vsel vm0, $0x3F54029C, v62  }
0x21: {  	v21 =	vimm.s32 $0xEF;
	v22 =	vimm.s32 $0xFF;
	v5 =	vmul.u32 $0x101, v63;
	s5 =	sadd.s32 s5, s7;
	s7 =	sadd.s32 $0x8000, s3;
	s8 =	sadd.s32 $0x10000, s3;
	[tilespmem:$0x1FFF0] =	vst v0  }
.LBB2_13:
0x22: {  	[hbm4b:s5+s9] =	stream.strided.scatter [tilespmem:s1], [sflag:$0x1], $0x2000, s10, s9, $0x38;
	[tilespmem:$0x7200] =	vst v63  }
0x23: {  	s17 =	sadd.s32 $0x1, s17  }
0x24: {  	s18 =	sadd.s32 $0x8000, s5;
	p0 =	sne.s32 s17, s6  }
0x25: {  	[hbm4b:s18+s9] =	stream.strided.scatter [tilespmem:s11], [sflag:$0x1], $0x2000, s10, s9, $0x38;
	[tilespmem:$0x7200] =	vst v63  }
.Ltmp1:
0x26: {  	s31 =	sadd.s32 $0x10000, s5;
	(pc) =	sbr.rel @!p0 .LBB2_14-.Ltmp1, $4  }
0x27: {  	[hbm4b:s31+s9] =	stream.strided.scatter [tilespmem:s12], [sflag:$0x1], $0x2000, s10, s9, $0x38;
	[tilespmem:$0x7200] =	vst v63  }
0x28: {  	_ =	swait.ge [sflag:s13], $0x6000  }
0x29: {  	[sflag:s13] =	ssyncset.done $0x0  }
0x2a: {  	[sflag:s13] =	ssyncadd.s32 $0xFFFFA000  }
.LBB2_1:
0x2b: {  	v0 =	vld [tilespmem:$0x1FFC0]  }
0x2c: {  	v61 =	vld [tilespmem:$0x1FFD0]  }
0x2d: {  	v62 =	vld [tilespmem:$0x1FFE0]  }
0x2e: {  	v63 =	vld [tilespmem:$0x1FFF0];
	_ =	sdelay $0x1  }
0x2f: {  	[tilespmem:$0x7180] =	vst v0  }
0x30: {  	[tilespmem:$0x7190] =	vst v61  }
0x31: {  	[tilespmem:$0x71A0] =	vst v62  }
0x32: {  	s18 =	simm.s32 $0x6090;
	[tilespmem:$0x71B0] =	vst v63  }
0x33: {  	[tilespmem:s18+$0xFFFFFF80] =	vst v4  }
0x34: {  	[tilespmem:s18+$0xFFFFFF90] =	vst v4  }
0x35: {  	[tilespmem:s18+$0xFFFFFFA0] =	vst v4  }
0x36: {  	[tilespmem:s18+$0xFFFFFFB0] =	vst v4  }
0x37: {  	[tilespmem:s18+$0xFFFFFFC0] =	vst v4  }
0x38: {  	[tilespmem:s18+$0xFFFFFFD0] =	vst v4  }
0x39: {  	s19 =	simm.s32 $0x6080;
	s21 =	sand.u32 $0x3FFFFF80, s1;
	s20 =	simm.s32 $0x101;
	[tilespmem:s18+$0xFFFFFFE0] =	vst v4  }
.LBB2_2:
0x3a: {  	p0 =	sne.s32 s20, $0xF0F;
	s21 =	sadd.s32 s21, s19;
	[tilespmem:s18+$0xFFFFFF70] =	vst v4  }
0x3b: {  	[tilespmem:s21+$0x0] =	vst v4  }
0x3c: {  	[tilespmem:s18+$0x0] =	vst v4  }
0x3d: {  	[tilespmem:s18+$0x10] =	vst v4  }
0x3e: {  	[tilespmem:s18+$0x20] =	vst v4  }
0x3f: {  	[tilespmem:s18+$0x30] =	vst v4  }
0x40: {  	[tilespmem:s18+$0x40] =	vst v4  }
0x41: {  	[tilespmem:s18+$0x50] =	vst v4  }
0x42: {  	[tilespmem:s18+$0x60] =	vst v4;
	s18 =	sadd.s32 $0x101, s18  }
0x43: {  	[tilespmem:s18+$0xFFFFFF80] =	vst v4  }
0x44: {  	[tilespmem:s18+$0xFFFFFF90] =	vst v4  }
.Ltmp2:
0x45: {  	[tilespmem:s18+$0xFFFFFFA0] =	vst v4;
	(pc) =	sbr.rel @p0 .LBB2_2-.Ltmp2, $4  }
0x46: {  	[tilespmem:s18+$0xFFFFFFB0] =	vst v4  }
0x47: {  	[tilespmem:s18+$0xFFFFFFC0] =	vst v4  }
0x48: {  	[tilespmem:s18+$0xFFFFFFD0] =	vst v4  }
0x49: {  	s19 =	sadd.s32 $0x1, s19;
	s21 =	sand.u32 $0x3FFFFF80, s20;
	s20 =	sadd.s32 $0x101, s20;
	[tilespmem:s18+$0xFFFFFFE0] =	vst v4  }
0x4a: {  	s19 =	sadd.s32 s21, s19;
	[tilespmem:s18+$0xFFFFFF70] =	vst v4  }
0x4b: {  	[tilespmem:s19+$0x0] =	vst v4  }
0x4c: {  	[tilespmem:s18+$0x0] =	vst v4  }
0x4d: {  	[tilespmem:s18+$0x10] =	vst v4  }
0x4e: {  	[tilespmem:s18+$0x20] =	vst v4  }
0x4f: {  	[tilespmem:s18+$0x30] =	vst v4  }
0x50: {  	[tilespmem:s18+$0x40] =	vst v4  }
0x51: {  	[tilespmem:s18+$0x50] =	vst v4  }
0x52: {  	s19 =	simm.s32 $0x0;
	[tilespmem:s18+$0x60] =	vst v4  }
0x53: {  	[tilespmem:s19], [sflag:$0x1] =	stream.strided.gather [hbm4b:s3+s9], $0x2000, s10, s9, $0x38;
	[tilespmem:$0x7200] =	vst v63  }
0x54: {  	_ = 	snop  }
0x55: {  	[tilespmem:s11], [sflag:$0x1] =	stream.strided.gather [hbm4b:s7+s9], $0x2000, s10, s9, $0x38;
	[tilespmem:$0x7200] =	vst v63  }
.Ltmp3:
0x56: {  	_ = 	snop;
	(pc) =	sbr.rel .LBB2_4-.Ltmp3, $4  }
0x57: {  	[tilespmem:s12], [sflag:$0x1] =	stream.strided.gather [hbm4b:s8+s9], $0x2000, s10, s9, $0x38;
	[tilespmem:$0x7200] =	vst v63  }
0x58: {  	_ =	swait.ge [sflag:s13], $0x6000  }
0x59: {  	[sflag:s13] =	ssyncset.done $0x0  }
0x5a: {  	p1 =	por $0x1, $0x1;
	[sflag:s13] =	ssyncadd.s32 $0xFFFFA000  }
.LBB2_12:
.Ltmp4:
0x5b: {  	(pc) =	sbr.rel @!p0 .LBB2_13-.Ltmp4, $2  }
0x5c: {  	_ =	sdelay $0x2  }
0x5d: {  	s19 =	simm.s32 $0x1;
	p1 =	por $0x0, $0x0  }
.LBB2_4:
0x5e: {  	s18 =	sshll.u32 s19, $0x8  }
0x5f: {  	s18 =	sshra.s32 s18, $0x2  }
0x60: {  	v0 =	vld [tilespmem:s18+$0x4000]  }
0x61: {  	v1 =	vld [tilespmem:s18+$0x4010]  }
0x62: {  	v2 =	vld [tilespmem:s18+$0x4020]  }
0x63: {  	v3 =	vld [tilespmem:s18+$0x4030]  }
0x64: {  	v7 =	vld [tilespmem:s18+$0x0]  }
0x65: {  	v23 =	vld [tilespmem:s18+$0x2000]  }
0x66: {  	v24 =	vld [tilespmem:s18+$0x10]  }
0x67: {  	v25 =	vld [tilespmem:s18+$0x2010]  }
0x68: {  	v26 =	vld [tilespmem:s18+$0x20]  }
0x69: {  	v27 =	vld [tilespmem:s18+$0x2020]  }
0x6a: {  	v28 =	vld [tilespmem:s18+$0x30]  }
0x6b: {  	v29 =	vld [tilespmem:s18+$0x2030]  }
0x6c: {  	v30 =	vld [tilespmem:s18+$0x80]  }
0x6d: {  	v31 =	vld [tilespmem:s18+$0x2080]  }
0x6e: {  	v32 =	vld [tilespmem:s18+$0x90]  }
0x6f: {  	v33 =	vld [tilespmem:s18+$0x2090]  }
0x70: {  	v34 =	vld [tilespmem:s18+$0xA0]  }
0x71: {  	v35 =	vld [tilespmem:s18+$0x20A0]  }
0x72: {  	v36 =	vld [tilespmem:s18+$0xB0]  }
0x73: {  	v37 =	vld [tilespmem:s18+$0x20B0]  }
0x74: {  	v38 =	vld [tilespmem:s18+$0x4080];
	v7 =	vadd.f32 v23, v7;
	v23 =	vadd.f32 v25, v24  }
0x75: {  	v24 =	vld [tilespmem:s18+$0x4090];
	v25 =	vadd.f32 v27, v26;
	v26 =	vadd.f32 v29, v28  }
0x76: {  	v28 =	vld [tilespmem:s18+$0x40A0];
	v27 =	vadd.f32 v31, v30;
	v30 =	vadd.f32 v33, v32  }
0x77: {  	v29 =	vld [tilespmem:s18+$0x40B0];
	v31 =	vadd.f32 v35, v34;
	v0 =	vadd.f32 v0, v7  }
0x78: {  	v63 =	vimm.f32 $+Inf;
	v1 =	vadd.f32 v1, v23;
	v23 =	vadd.f32 v2, v25  }
0x79: {  	v62 =	vadd.f32 v37, v36;
	v7 =	vimm.f32 $-Inf;
	v3 =	vadd.f32 v3, v26  }
0x7a: {  	v2 =	vmul.f32 $3.333333430e-01, v0;
	v0 =	vadd.f32 v38, v27;
	v25 =	vmul.f32 $3.333333430e-01, v23  }
0x7b: {  	v27 =	vadd.f32 v24, v30;
	v24 =	vmul.f32 $3.333333430e-01, v1;
	v28 =	vadd.f32 v28, v31  }
0x7c: {  	v26 =	vadd.f32 v29, v62;
	v1 =	vmin.f32 v63, v2;
	v7 =	vmax.f32 v7, v2  }
0x7d: {  	v23 =	vmin.f32 v1, v24;
	v29 =	vmax.f32 v7, v24;
	v1 =	vmul.f32 $3.333333430e-01, v3  }
0x7e: {  	p0 =	por p1, p1;
	s21 =	simm.s32 $0x0;
	s22 =	sadd.s32 $0x100, s18;
	v0 =	vmul.f32 $3.333333430e-01, v0;
	v7 =	vmin.f32 v23, v25;
	v3 =	vmax.f32 v29, v25  }
.LBB2_5:
0x7f: {  	v23 =	vld [tilespmem:s22+$0x4000];
	v7 =	vmin.f32 v7, v1;
	v3 =	vmax.f32 v3, v1;
	v27 =	vmul.f32 $3.333333430e-01, v27  }
0x80: {  	v28 =	vmul.f32 $3.333333430e-01, v28;
	v29 =	vld [tilespmem:s22+$0x4010];
	v7 =	vmin.f32 v7, v0;
	v3 =	vmax.f32 v3, v0  }
0x81: {  	v26 =	vmul.f32 $3.333333430e-01, v26;
	v30 =	vld [tilespmem:s22+$0x4020];
	v7 =	vmin.f32 v7, v27;
	v3 =	vmax.f32 v3, v27  }
0x82: {  	v2 =	vmul.f32 $2.560000000e+02, v2;
	v31 =	vld [tilespmem:s22+$0x4030];
	v7 =	vmin.f32 v7, v28;
	v3 =	vmax.f32 v3, v28  }
0x83: {  	v24 =	vmul.f32 $2.560000000e+02, v24;
	s20 =	simm.s32 $0x6101;
	v32 =	vld [tilespmem:s22+$0x0];
	v7 =	vmin.f32 v7, v26;
	v3 =	vmax.f32 v3, v26  }
0x84: {  	v25 =	vmul.f32 $2.560000000e+02, v25;
	v1 =	vmul.f32 $2.560000000e+02, v1;
	v2 =	vmin.f32 v2, $2.550000000e+02;
	v33 =	vld [tilespmem:s22+$0x2000]  }
0x85: {  	v0 =	vmul.f32 $2.560000000e+02, v0;
	v24 =	vmin.f32 v24, $2.550000000e+02;
	v27 =	vmul.f32 $2.560000000e+02, v27;
	v34 =	vld [tilespmem:s22+$0x10]  }
0x86: {  	v25 =	vmin.f32 v25, $2.550000000e+02;
	v28 =	vmul.f32 $2.560000000e+02, v28;
	v26 =	vmul.f32 $2.560000000e+02, v26;
	v35 =	vld [tilespmem:s22+$0x2010]  }
0x87: {  	v1 =	vmin.f32 v1, $2.550000000e+02;
	v0 =	vmin.f32 v0, $2.550000000e+02;
	v27 =	vmin.f32 v27, $2.550000000e+02;
	v36 =	vld [tilespmem:s22+$0x20]  }
0x88: {  	v2 =	vtrunc.f32 v2;
	v28 =	vmin.f32 v28, $2.550000000e+02;
	v26 =	vmin.f32 v26, $2.550000000e+02;
	v37 =	vld [tilespmem:s22+$0x2020]  }
0x89: {  	v24 =	vtrunc.f32 v24;
	v25 =	vtrunc.f32 v25;
	v38 =	vld [tilespmem:s22+$0x30]  }
0x8a: {  	v1 =	vtrunc.f32 v1;
	v0 =	vtrunc.f32 v0;
	v39 =	vld [tilespmem:s22+$0x2030]  }
0x8b: {  	v27 =	vtrunc.f32 v27;
	v28 =	vtrunc.f32 v28;
	v40 =	vld [tilespmem:s22+$0x80]  }
0x8c: {  	v2 =	vcvt.f32.s32 v2;
	v26 =	vtrunc.f32 v26;
	v41 =	vld [tilespmem:s22+$0x2080]  }
0x8d: {  	s21 =	sadd.s32 $0x2, s21;
	v24 =	vcvt.f32.s32 v24;
	v25 =	vcvt.f32.s32 v25;
	v42 =	vld [tilespmem:s22+$0x90]  }
0x8e: {  	p1 =	slt.u32 s21, $0x3E;
	v1 =	vcvt.f32.s32 v1;
	v0 =	vcvt.f32.s32 v0;
	v2 =	vadd.s32 v5, v2;
	v43 =	vld [tilespmem:s22+$0x2090]  }
0x8f: {  	v24 =	vadd.s32 v5, v24;
	v27 =	vcvt.f32.s32 v27;
	v28 =	vcvt.f32.s32 v28;
	v44 =	vld [tilespmem:s22+$0xA0]  }
0x90: {  	v25 =	vadd.s32 v5, v25;
	v1 =	vadd.s32 v5, v1;
	v26 =	vcvt.f32.s32 v26;
	v45 =	vld [tilespmem:s22+$0x20A0]  }
0x91: {  	v0 =	vadd.s32 v5, v0;
	v47 =	vadd.s32 v5, v27;
	v48 =	vadd.s32 v5, v28;
	v46 =	vld [tilespmem:s22+$0xB0]  }
0x92: {  	v49 =	vadd.s32 v5, v26;
	v27 =	vld [tilespmem:s22+$0x20B0]  }
0x93: {  	v26 =	vld [tilespmem:s22+$0x4080]  }
0x94: {  	v28 =	vadd.f32 v33, v32;
	v32 =	vadd.f32 v35, v34;
	v33 =	vld [tilespmem:s22+$0x4090]  }
0x95: {  	v34 =	vadd.f32 v37, v36;
	v35 =	vadd.f32 v39, v38;
	v36 =	vld [tilespmem:s22+$0x40A0]  }
0x96: {  	v38 =	vadd.f32 v41, v40;
	v39 =	vadd.f32 v43, v42;
	v37 =	vld [tilespmem:s22+$0x40B0]  }
0x97: {  	v40 =	vadd.f32 v45, v44;
	v41 =	vadd.f32 v27, v46;
	[tilespmem:v2+s14+$0x0] =	vst.idx.add.f32.msk $0xffff, v6  }
0x98: {  	v2 =	vadd.f32 v23, v28;
	v28 =	vadd.f32 v29, v32;
	[tilespmem:v24+s14+$0x0] =	vst.idx.add.f32.msk $0xffff, v6  }
0x99: {  	v29 =	vadd.f32 v30, v34;
	v30 =	vadd.f32 v31, v35;
	v23 =	vimm.f32 $0.0e+00;
	[tilespmem:v25+s14+$0x0] =	vst.idx.add.f32.msk $0xffff, v6  }
.Ltmp5:
0x9a: {  	v31 =	vadd.f32 v26, v38;
	v2 =	vmul.f32 $3.333333430e-01, v2;
	v27 =	vadd.f32 v33, v39;
	[tilespmem:v1+s14+$0x0] =	vst.idx.add.f32.msk $0xffff, v6;
	(pc) =	sbr.rel @p1 .LBB2_5-.Ltmp5, $4  }
0x9b: {  	v24 =	vmul.f32 $3.333333430e-01, v28;
	v28 =	vadd.f32 v36, v40;
	v26 =	vadd.f32 v37, v41;
	[tilespmem:v0+s14+$0x0] =	vst.idx.add.f32.msk $0xffff, v6  }
0x9c: {  	v25 =	vmul.f32 $3.333333430e-01, v29;
	v0 =	vmin.f32 v7, v2;
	v1 =	vmax.f32 v3, v2;
	[tilespmem:v47+s14+$0x0] =	vst.idx.add.f32.msk $0xffff, v6  }
0x9d: {  	v0 =	vmin.f32 v0, v24;
	v3 =	vmax.f32 v1, v24;
	v1 =	vmul.f32 $3.333333430e-01, v30;
	[tilespmem:v48+s14+$0x0] =	vst.idx.add.f32.msk $0xffff, v6  }
0x9e: {  	s22 =	sadd.s32 $0x100, s22;
	v7 =	vmin.f32 v0, v25;
	v3 =	vmax.f32 v3, v25;
	v0 =	vmul.f32 $3.333333430e-01, v31;
	[tilespmem:v49+s14+$0x0] =	vst.idx.add.f32.msk $0xffff, v6  }
0x9f: {  	v27 =	vmul.f32 $3.333333430e-01, v27;
	v34 =	vmul.f32 $3.333333430e-01, v28  }
0xa0: {  	v28 =	vmul.f32 $2.560000000e+02, v2;
	v24 =	vmul.f32 $2.560000000e+02, v24  }
0xa1: {  	v2 =	vmul.f32 $3.333333430e-01, v26;
	v25 =	vmul.f32 $2.560000000e+02, v25  }
0xa2: {  	v29 =	vmul.f32 $2.560000000e+02, v0;
	v26 =	vmin.f32 v28, $2.550000000e+02;
	v28 =	vmul.f32 $2.560000000e+02, v1  }
0xa3: {  	v24 =	vmin.f32 v24, $2.550000000e+02;
	v30 =	vmul.f32 $2.560000000e+02, v27;
	v31 =	vmul.f32 $2.560000000e+02, v34  }
0xa4: {  	v25 =	vmin.f32 v25, $2.550000000e+02;
	v32 =	vmul.f32 $2.560000000e+02, v2;
	v26 =	vtrunc.f32 v26  }
0xa5: {  	v29 =	vmin.f32 v29, $2.550000000e+02;
	v24 =	vtrunc.f32 v24;
	v25 =	vtrunc.f32 v25  }
0xa6: {  	v28 =	vmin.f32 v28, $2.550000000e+02;
	v30 =	vmin.f32 v30, $2.550000000e+02;
	v26 =	vcvt.f32.s32 v26  }
0xa7: {  	v31 =	vmin.f32 v31, $2.550000000e+02;
	v24 =	vcvt.f32.s32 v24;
	v29 =	vtrunc.f32 v29  }
0xa8: {  	v32 =	vmin.f32 v32, $2.550000000e+02;
	v29 =	vcvt.f32.s32 v29;
	v26 =	vadd.s32 v5, v26  }
0xa9: {  	v25 =	vcvt.f32.s32 v25;
	v30 =	vtrunc.f32 v30;
	v24 =	vadd.s32 v5, v24  }
0xaa: {  	v28 =	vtrunc.f32 v28;
	v30 =	vcvt.f32.s32 v30;
	v29 =	vadd.s32 v5, v29  }
0xab: {  	v31 =	vtrunc.f32 v31;
	v28 =	vcvt.f32.s32 v28;
	v25 =	vadd.s32 v5, v25  }
0xac: {  	v32 =	vtrunc.f32 v32;
	v31 =	vcvt.f32.s32 v31;
	v30 =	vadd.s32 v5, v30  }
0xad: {  	v32 =	vcvt.f32.s32 v32;
	v28 =	vadd.s32 v5, v28;
	[tilespmem:v26+s14+$0x0] =	vst.idx.add.f32.msk $0xffff, v6  }
0xae: {  	v26 =	vadd.s32 v5, v31;
	[tilespmem:v24+s14+$0x0] =	vst.idx.add.f32.msk $0xffff, v6  }
0xaf: {  	v24 =	vadd.s32 v5, v32;
	[tilespmem:v29+s14+$0x0] =	vst.idx.add.f32.msk $0xffff, v6  }
0xb0: {  	[tilespmem:v25+s14+$0x0] =	vst.idx.add.f32.msk $0xffff, v6  }
0xb1: {  	[tilespmem:v30+s14+$0x0] =	vst.idx.add.f32.msk $0xffff, v6  }
0xb2: {  	[tilespmem:v28+s14+$0x0] =	vst.idx.add.f32.msk $0xffff, v6  }
0xb3: {  	[tilespmem:v26+s14+$0x0] =	vst.idx.add.f32.msk $0xffff, v6  }
0xb4: {  	[tilespmem:v24+s14+$0x0] =	vst.idx.add.f32.msk $0xffff, v6  }
0xb5: {  	v24 =	vld [tilespmem:s20+$0x0]  }
0xb6: {  	v25 =	vld [tilespmem:s20+$0x10]  }
0xb7: {  	v26 =	vld [tilespmem:s20+$0x20]  }
0xb8: {  	v28 =	vld [tilespmem:s20+$0x30]  }
0xb9: {  	v30 =	vld [tilespmem:s20+$0x40]  }
0xba: {  	v35 =	vld [tilespmem:s20+$0x50]  }
0xbb: {  	v40 =	vld [tilespmem:s20+$0x60]  }
0xbc: {  	v41 =	vld [tilespmem:s20+$0x70]  }
0xbd: {  	v45 =	vld [tilespmem:s20+$0x80]  }
0xbe: {  	v47 =	vld [tilespmem:s20+$0x90]  }
0xbf: {  	[tilespmem:s20+$0x0] =	vst v4;
	v29 =	vld [tilespmem:s20+$0xFFFFFEFF]  }
0xc0: {  	[tilespmem:s20+$0x10] =	vst v4;
	v31 =	vld [tilespmem:s20+$0xFFFFFF0F]  }
0xc1: {  	[tilespmem:s20+$0x20] =	vst v4;
	v61 =	vld [tilespmem:s20+$0xFFFFFF1F]  }
0xc2: {  	[tilespmem:s20+$0x30] =	vst v4;
	v33 =	vld [tilespmem:s20+$0xFFFFFF2F]  }
0xc3: {  	[tilespmem:s20+$0x40] =	vst v4;
	v42 =	vld [tilespmem:s20+$0xFFFFFF3F]  }
0xc4: {  	[tilespmem:s20+$0x50] =	vst v4;
	v46 =	vld [tilespmem:s20+$0xFFFFFF6F]  }
0xc5: {  	s21 =	simm.s32 $0x0;
	[tilespmem:s20+$0x60] =	vst v4;
	v48 =	vld [tilespmem:s20+$0xFFFFFF8F]  }
0xc6: {  	v7 =	vmin.f32 v7, v1;
	s22 =	sand.u32 $0x3FFFFF80, s21;
	[tilespmem:s20+$0x70] =	vst v4;
	v49 =	vld [tilespmem:s20+$0xFFFFFF9F]  }
0xc7: {  	v3 =	vmax.f32 v3, v1;
	v7 =	vmin.f32 v7, v0;
	s25 =	sadd.s32 $0x6080, s22;
	[tilespmem:s20+$0x80] =	vst v4;
	v51 =	vld [tilespmem:s20+$0xFFFFFFAF]  }
0xc8: {  	v0 =	vmax.f32 v3, v0;
	v7 =	vmin.f32 v7, v27;
	v50 =	vld [tilespmem:s25+$0x0];
	[tilespmem:s20+$0xFFFFFEFF] =	vst v4  }
0xc9: {  	v0 =	vmax.f32 v0, v27;
	v43 =	vld [tilespmem:s20+$0xFFFFFF4F];
	[tilespmem:s20+$0x90] =	vst v4;
	v29 =	vadd.f32 v29, v23;
	v31 =	vadd.f32 v31, v23  }
0xca: {  	v7 =	vmin.f32 v7, v34;
	v44 =	vld [tilespmem:s20+$0xFFFFFF5F];
	[tilespmem:s20+$0xFFFFFF0F] =	vst v4;
	v52 =	vadd.f32 v61, v23;
	v53 =	vadd.f32 v33, v23  }
0xcb: {  	v0 =	vmax.f32 v0, v34;
	v38 =	vld [tilespmem:s20+$0xA0];
	[tilespmem:s20+$0xA0] =	vst v4;
	v62 =	vadd.f32 v46, v23;
	v63 =	vadd.f32 v48, v23  }
0xcc: {  	v34 =	vmin.f32 v7, v2;
	v39 =	vld [tilespmem:s20+$0xB0];
	[tilespmem:s20+$0xFFFFFF1F] =	vst v4;
	v7 =	vadd.f32 v49, v23;
	v46 =	vadd.f32 v51, v23  }
0xcd: {  	v36 =	vld [tilespmem:s20+$0xC0];
	[tilespmem:s20+$0xB0] =	vst v4;
	v33 =	vadd.f32 v24, v29;
	v32 =	vadd.f32 v25, v31  }
0xce: {  	v37 =	vld [tilespmem:s20+$0xD0];
	[tilespmem:s20+$0xFFFFFF2F] =	vst v4;
	v31 =	vadd.f32 v26, v52;
	v24 =	vadd.f32 v42, v23  }
0xcf: {  	v1 =	vld [tilespmem:s20+$0xFFFFFFBF];
	[tilespmem:s20+$0xC0] =	vst v4;
	v25 =	vadd.f32 v43, v23;
	v26 =	vadd.f32 v44, v23  }
0xd0: {  	v3 =	vld [tilespmem:s20+$0xFFFFFFCF];
	[tilespmem:s20+$0xFFFFFF3F] =	vst v4;
	v29 =	vadd.f32 v28, v53;
	v30 =	vadd.f32 v30, v24  }
0xd1: {  	[tilespmem:s20+$0xD0] =	vst v4;
	v42 =	vld [tilespmem:s20+$0xFFFFFFDF];
	v28 =	vadd.f32 v35, v25;
	v27 =	vadd.f32 v40, v26  }
0xd2: {  	[tilespmem:s20+$0xFFFFFF4F] =	vst v4;
	v43 =	vld [tilespmem:s20+$0xFFFFFFEF];
	v25 =	vadd.f32 v41, v62;
	v24 =	vadd.f32 v50, v23  }
0xd3: {  	[tilespmem:s20+$0xFFFFFF5F] =	vst v4;
	v44 =	vld [tilespmem:s20+$0xE0];
	v35 =	vmax.f32 v0, v2;
	v0 =	vimm.f32 $0.0e+00;
	v40 =	vimm.f32 $0.0e+00  }
0xd4: {  	s23 =	simm.s32 $0x0;
	s24 =	simm.s32 $0x6303;
	s22 =	simm.s32 $0x6080;
	[tilespmem:s20+$0xFFFFFF6F] =	vst v4;
	v41 =	vimm.f32 $0.0e+00;
	v26 =	vadd.f32 v45, v24;
	v24 =	vadd.f32 v47, v63;
	v45 =	vld [tilespmem:s20+$0xF0]  }
.LBB2_7:
0xd5: {  	v2 =	vld [tilespmem:s24+$0x0];
	[tilespmem:s25+$0x0] =	vst v4;
	v7 =	vadd.f32 v38, v7;
	v46 =	vadd.f32 v39, v46  }
0xd6: {  	v1 =	vadd.f32 v1, v23;
	v0 =	vadd.f32 v3, v0;
	v47 =	vld [tilespmem:s24+$0x10];
	[tilespmem:s20+$0xFFFFFF8F] =	vst v4  }
0xd7: {  	v38 =	vadd.f32 v42, v40;
	v3 =	vld [tilespmem:s24+$0x20];
	[tilespmem:s20+$0xFFFFFF9F] =	vst v4;
	v39 =	vadd.f32 v43, v41  }
0xd8: {  	v23 =	vadd.f32 v36, v1;
	v0 =	vadd.f32 v37, v0;
	v42 =	vld [tilespmem:s24+$0x30];
	[tilespmem:s20+$0xFFFFFFAF] =	vst v4  }
0xd9: {  	v40 =	vadd.f32 v44, v38;
	v43 =	vld [tilespmem:s24+$0x40];
	[tilespmem:s20+$0xFFFFFFBF] =	vst v4;
	v41 =	vadd.f32 v45, v39  }
0xda: {  	v44 =	vld [tilespmem:s24+$0x50];
	[tilespmem:s20+$0xFFFFFFCF] =	vst v4  }
0xdb: {  	v45 =	vld [tilespmem:s24+$0x60];
	[tilespmem:s20+$0xFFFFFFDF] =	vst v4  }
0xdc: {  	v48 =	vld [tilespmem:s24+$0x70];
	[tilespmem:s20+$0xFFFFFFEF] =	vst v4  }
0xdd: {  	v49 =	vld [tilespmem:s24+$0x80];
	[tilespmem:s24+$0x0] =	vst v4  }
0xde: {  	v50 =	vld [tilespmem:s24+$0x90];
	[tilespmem:s24+$0x10] =	vst v4  }
0xdf: {  	v38 =	vld [tilespmem:s24+$0xA0];
	[tilespmem:s24+$0x20] =	vst v4  }
0xe0: {  	v39 =	vld [tilespmem:s24+$0xB0];
	[tilespmem:s24+$0x30] =	vst v4  }
0xe1: {  	v36 =	vld [tilespmem:s24+$0xC0];
	[tilespmem:s24+$0x40] =	vst v4  }
0xe2: {  	v37 =	vld [tilespmem:s24+$0xD0];
	[tilespmem:s24+$0x50] =	vst v4  }
0xe3: {  	v1 =	vld [tilespmem:s24+$0xFFFFFEFF];
	[tilespmem:s24+$0x60] =	vst v4  }
0xe4: {  	v51 =	vld [tilespmem:s24+$0xFFFFFF0F];
	[tilespmem:s24+$0x70] =	vst v4  }
0xe5: {  	v52 =	vld [tilespmem:s24+$0xFFFFFF1F];
	[tilespmem:s24+$0x80] =	vst v4  }
0xe6: {  	v53 =	vld [tilespmem:s24+$0xFFFFFF2F];
	[tilespmem:s24+$0x90] =	vst v4  }
0xe7: {  	v54 =	vld [tilespmem:s24+$0xFFFFFF3F];
	[tilespmem:s24+$0xA0] =	vst v4  }
0xe8: {  	v55 =	vld [tilespmem:s24+$0xFFFFFF4F];
	[tilespmem:s24+$0xB0] =	vst v4  }
0xe9: {  	v56 =	vld [tilespmem:s24+$0xFFFFFF5F];
	[tilespmem:s24+$0xC0] =	vst v4  }
0xea: {  	s21 =	sadd.s32 $0x202, s21;
	v1 =	vadd.f32 v1, v33;
	v32 =	vadd.f32 v51, v32;
	v57 =	vld [tilespmem:s24+$0xFFFFFF6F];
	[tilespmem:s24+$0xD0] =	vst v4  }
0xeb: {  	s22 =	sadd.s32 $0x2, s22;
	s25 =	sand.u32 $0x3FFFFF80, s21;
	v31 =	vadd.f32 v52, v31;
	v51 =	vld [tilespmem:s24+$0xFFFFFF8F];
	v29 =	vadd.f32 v53, v29;
	[tilespmem:s20+$0xE0] =	vst v4  }
0xec: {  	s25 =	sadd.s32 s25, s22;
	v33 =	vadd.f32 v2, v1;
	v32 =	vadd.f32 v47, v32;
	v52 =	vld [tilespmem:s24+$0xFFFFFF9F];
	[tilespmem:s20+$0xF0] =	vst v4;
	s20 =	smov.u32 s24  }
0xed: {  	v31 =	vadd.f32 v3, v31;
	v2 =	vld [tilespmem:s25+$0x0];
	[tilespmem:s24+$0xFFFFFEFF] =	vst v4;
	v29 =	vadd.f32 v42, v29  }
0xee: {  	s23 =	sadd.s32 $0x2, s23;
	v30 =	vadd.f32 v54, v30;
	v28 =	vadd.f32 v55, v28;
	v47 =	vld [tilespmem:s24+$0xFFFFFFAF];
	[tilespmem:s24+$0xFFFFFF0F] =	vst v4  }
0xef: {  	p1 =	slt.u32 s23, $0xE;
	v27 =	vadd.f32 v56, v27;
	v1 =	vld [tilespmem:s24+$0xFFFFFFBF];
	[tilespmem:s24+$0xFFFFFF1F] =	vst v4;
	v25 =	vadd.f32 v57, v25  }
.Ltmp6:
0xf0: {  	v30 =	vadd.f32 v43, v30;
	v28 =	vadd.f32 v44, v28;
	v3 =	vld [tilespmem:s24+$0xFFFFFFCF];
	[tilespmem:s24+$0xFFFFFF2F] =	vst v4;
	(pc) =	sbr.rel @p1 .LBB2_7-.Ltmp6, $4  }
0xf1: {  	v27 =	vadd.f32 v45, v27;
	v42 =	vld [tilespmem:s24+$0xFFFFFFDF];
	[tilespmem:s24+$0xFFFFFF3F] =	vst v4;
	v25 =	vadd.f32 v48, v25  }
0xf2: {  	v24 =	vadd.f32 v51, v24;
	v43 =	vld [tilespmem:s24+$0xFFFFFFEF];
	[tilespmem:s24+$0xFFFFFF4F] =	vst v4;
	v2 =	vadd.f32 v2, v26  }
0xf3: {  	v7 =	vadd.f32 v52, v7;
	[tilespmem:s24+$0xFFFFFF5F] =	vst v4;
	v46 =	vadd.f32 v47, v46;
	v44 =	vld [tilespmem:s24+$0xE0]  }
0xf4: {  	v24 =	vadd.f32 v50, v24;
	s24 =	sadd.s32 $0x202, s24;
	[tilespmem:s20+$0xFFFFFF6F] =	vst v4;
	v45 =	vld [tilespmem:s20+$0xF0];
	v26 =	vadd.f32 v49, v2  }
0xf5: {  	(xrf0) =	vmin.scan.msk.f32 $0xffff, v34  }
0xf6: {  	(xrf0) =	vmax.scan.msk.f32 $0xffff, v35;
	_ =	sdelay $0x4  }
0xf7: {  	v34, _, _ =	vpop (xrf0)  }
0xf8: {  	(v2sf) =	vpush v34, $0xF;
	v35, _, _ =	vpop (xrf0)  }
0xf9: {  	(v2sf) =	vpush v35, $0xF;
	_ =	sdelay $0xb  }
0xfa: {  	[tilespmem:s25+$0x0] =	vst v4  }
0xfb: {  	[tilespmem:s20+$0xE0] =	vst v4  }
0xfc: {  	[tilespmem:s20+$0xF0] =	vst v4;
	s21 =	spop (v2sf)  }
0xfd: {  	[tilespmem:s20+$0xFFFFFF8F] =	vst v4;
	s22 =	spop (v2sf)  }
0xfe: {  	[tilespmem:s20+$0xFFFFFF9F] =	vst v4;
	p1 =	sgt.f32 s22, s21  }
.Ltmp7:
0xff: {  	v7 =	vadd.f32 v38, v7;
	v2 =	vadd.f32 v39, v46;
	[tilespmem:s20+$0xFFFFFFAF] =	vst v4;
	(pc) =	sbr.rel @!p1 .LBB2_12-.Ltmp7, $4  }
0x100: {  	v1 =	vadd.f32 v1, v23;
	v0 =	vadd.f32 v3, v0;
	[tilespmem:s20+$0xFFFFFFBF] =	vst v4  }
0x101: {  	[tilespmem:s20+$0xFFFFFFCF] =	vst v4;
	v23 =	vadd.f32 v42, v40;
	v63 =	vadd.f32 v43, v41  }
0x102: {  	[tilespmem:s20+$0xFFFFFFDF] =	vst v4;
	v3 =	vadd.f32 v36, v1;
	v1 =	vadd.f32 v37, v0  }
0x103: {  	[tilespmem:s20+$0xFFFFFFEF] =	vst v4;
	v0 =	vadd.f32 v44, v23;
	v23 =	vadd.f32 v45, v63  }
0x104: {  	v36 =	vadd.f32 $-6.400000000e+01, v33;
	v37 =	vadd.f32 $-6.400000000e+01, v32;
	_ =	sdelay $0x1  }
0x105: {  	v38 =	vadd.f32 $-6.400000000e+01, v31;
	v36 =	vmax.f32 v36, $0.0e+00;
	v37 =	vmax.f32 v37, $0.0e+00  }
0x106: {  	v36 =	vadd.f32 v37, v36  }
0x107: {  	v49 =	vadd.f32 $-6.400000000e+01, v29;
	v48 =	vmax.f32 v38, $0.0e+00  }
0x108: {  	v36 =	vadd.f32 v48, v36  }
0x109: {  	v51 =	vadd.f32 $-6.400000000e+01, v30;
	v50 =	vmax.f32 v49, $0.0e+00  }
0x10a: {  	v36 =	vadd.f32 v50, v36  }
0x10b: {  	v53 =	vadd.f32 $-6.400000000e+01, v28;
	v52 =	vmax.f32 v51, $0.0e+00  }
0x10c: {  	v36 =	vadd.f32 v52, v36  }
0x10d: {  	v55 =	vadd.f32 $-6.400000000e+01, v27;
	v54 =	vmax.f32 v53, $0.0e+00  }
0x10e: {  	v36 =	vadd.f32 v54, v36  }
0x10f: {  	v57 =	vadd.f32 $-6.400000000e+01, v25;
	v56 =	vmax.f32 v55, $0.0e+00  }
0x110: {  	v36 =	vadd.f32 v56, v36  }
0x111: {  	v59 =	vadd.f32 $-6.400000000e+01, v26;
	v58 =	vmax.f32 v57, $0.0e+00  }
0x112: {  	v36 =	vadd.f32 v58, v36  }
0x113: {  	v61 =	vadd.f32 $-6.400000000e+01, v24;
	v60 =	vmax.f32 v59, $0.0e+00  }
0x114: {  	v36 =	vadd.f32 v60, v36  }
0x115: {  	v63 =	vadd.f32 $-6.400000000e+01, v7;
	v62 =	vmax.f32 v61, $0.0e+00  }
0x116: {  	v36 =	vadd.f32 v62, v36  }
0x117: {  	v10 =	vadd.f32 $-6.400000000e+01, v2;
	v9 =	vmax.f32 v63, $0.0e+00  }
0x118: {  	v36 =	vadd.f32 v9, v36  }
0x119: {  	v12 =	vadd.f32 $-6.400000000e+01, v3;
	v11 =	vmax.f32 v10, $0.0e+00  }
0x11a: {  	v36 =	vadd.f32 v11, v36  }
0x11b: {  	v14 =	vadd.f32 $-6.400000000e+01, v1;
	v13 =	vmax.f32 v12, $0.0e+00  }
0x11c: {  	v36 =	vadd.f32 v13, v36  }
0x11d: {  	v41 =	vadd.f32 $-6.400000000e+01, v0;
	v40 =	vmax.f32 v14, $0.0e+00  }
0x11e: {  	v36 =	vadd.f32 v40, v36  }
0x11f: {  	v43 =	vadd.f32 $-6.400000000e+01, v23;
	v42 =	vmax.f32 v41, $0.0e+00  }
0x120: {  	v36 =	vadd.f32 v42, v36  }
0x121: {  	v44 =	vmax.f32 v43, $0.0e+00  }
0x122: {  	v36 =	vadd.f32 v44, v36;
	_ =	sdelay $0x1  }
0x123: {  	(xrf2) =	vadd.scan.msk.f32 $0xffff, v36;
	_ =	sdelay $0x9  }
0x124: {  	v36, _, _ =	vpop (xrf2)  }
0x125: {  	v36 =	vmul.f32 $3.906250000e-03, v36;
	_ =	sdelay $0x1  }
0x126: {  	v36 =	vbroadcast v36, $0xF  }
0x127: {  	v45 =	vmin.f32 v33, $6.400000000e+01  }
0x128: {  	v33 =	vadd.f32 v36, v45;
	_ =	sdelay $0x1  }
0x129: {  	(xrf2) =	vadd.scan.msk.f32 $0xffff, v33;
	_ =	sdelay $0x4  }
0x12a: {  	v46 =	vmin.f32 v32, $6.400000000e+01  }
0x12b: {  	v32 =	vadd.f32 v36, v46;
	_ =	sdelay $0x1  }
0x12c: {  	(xrf2) =	vadd.scan.msk.f32 $0xffff, v32  }
0x12d: {  	v8 =	vimm.s32 $0xF  }
0x12e: {  	v47, _, _ =	vpop (xrf2)  }
0x12f: {  	v32 =	vadd.f32 $0.0e+00, v47;
	_ =	sdelay $0x1  }
0x130: {  	v31 =	vmin.f32 v31, $6.400000000e+01;
	[tilespmem:$0x7080] =	vst v32  }
0x131: {  	v31 =	vadd.f32 v36, v31;
	v48 =	vld.idx.msk [tilespmem:v8+s15+$0x0], $0xffff;
	_ =	sdelay $0x1  }
0x132: {  	(xrf2) =	vadd.scan.msk.f32 $0xffff, v31  }
0x133: {  	v8 =	vimm.s32 $0x1F  }
0x134: {  	v31, _, _ =	vpop (xrf2)  }
0x135: {  	v31 =	vadd.f32 v48, v31;
	_ =	sdelay $0x1  }
0x136: {  	v29 =	vmin.f32 v29, $6.400000000e+01;
	[tilespmem:$0x7090] =	vst v31  }
0x137: {  	v29 =	vadd.f32 v36, v29;
	v49 =	vld.idx.msk [tilespmem:v8+s15+$0x0], $0xffff;
	_ =	sdelay $0x1  }
0x138: {  	(xrf2) =	vadd.scan.msk.f32 $0xffff, v29  }
0x139: {  	v8 =	vimm.s32 $0x2F  }
0x13a: {  	v29, _, _ =	vpop (xrf2)  }
0x13b: {  	v29 =	vadd.f32 v49, v29;
	_ =	sdelay $0x1  }
0x13c: {  	v30 =	vmin.f32 v30, $6.400000000e+01;
	[tilespmem:$0x70A0] =	vst v29  }
0x13d: {  	v30 =	vadd.f32 v36, v30;
	v50 =	vld.idx.msk [tilespmem:v8+s15+$0x0], $0xffff;
	_ =	sdelay $0x1  }
0x13e: {  	(xrf2) =	vadd.scan.msk.f32 $0xffff, v30  }
0x13f: {  	v8 =	vimm.s32 $0x3F  }
0x140: {  	v30, _, _ =	vpop (xrf2)  }
0x141: {  	v30 =	vadd.f32 v50, v30;
	_ =	sdelay $0x1  }
0x142: {  	v28 =	vmin.f32 v28, $6.400000000e+01;
	[tilespmem:$0x70B0] =	vst v30  }
0x143: {  	v28 =	vadd.f32 v36, v28;
	v51 =	vld.idx.msk [tilespmem:v8+s15+$0x0], $0xffff;
	_ =	sdelay $0x1  }
0x144: {  	(xrf2) =	vadd.scan.msk.f32 $0xffff, v28  }
0x145: {  	v8 =	vimm.s32 $0x4F  }
0x146: {  	v28, _, _ =	vpop (xrf2)  }
0x147: {  	v28 =	vadd.f32 v51, v28;
	_ =	sdelay $0x1  }
0x148: {  	v27 =	vmin.f32 v27, $6.400000000e+01;
	[tilespmem:$0x70C0] =	vst v28  }
0x149: {  	v27 =	vadd.f32 v36, v27;
	v52 =	vld.idx.msk [tilespmem:v8+s15+$0x0], $0xffff;
	_ =	sdelay $0x1  }
0x14a: {  	(xrf2) =	vadd.scan.msk.f32 $0xffff, v27  }
0x14b: {  	v8 =	vimm.s32 $0x5F  }
0x14c: {  	v27, _, _ =	vpop (xrf2)  }
0x14d: {  	v27 =	vadd.f32 v52, v27;
	_ =	sdelay $0x1  }
0x14e: {  	v25 =	vmin.f32 v25, $6.400000000e+01;
	[tilespmem:$0x70D0] =	vst v27  }
0x14f: {  	v25 =	vadd.f32 v36, v25;
	v53 =	vld.idx.msk [tilespmem:v8+s15+$0x0], $0xffff;
	_ =	sdelay $0x1  }
0x150: {  	(xrf2) =	vadd.scan.msk.f32 $0xffff, v25  }
0x151: {  	v8 =	vimm.s32 $0x6F  }
0x152: {  	v25, _, _ =	vpop (xrf2)  }
0x153: {  	v25 =	vadd.f32 v53, v25;
	_ =	sdelay $0x1  }
0x154: {  	v26 =	vmin.f32 v26, $6.400000000e+01;
	[tilespmem:$0x70E0] =	vst v25  }
0x155: {  	v26 =	vadd.f32 v36, v26;
	v54 =	vld.idx.msk [tilespmem:v8+s15+$0x0], $0xffff;
	_ =	sdelay $0x1  }
0x156: {  	(xrf2) =	vadd.scan.msk.f32 $0xffff, v26  }
0x157: {  	v8 =	vimm.s32 $0x7F  }
0x158: {  	v26, _, _ =	vpop (xrf2)  }
0x159: {  	v26 =	vadd.f32 v54, v26;
	_ =	sdelay $0x1  }
0x15a: {  	v24 =	vmin.f32 v24, $6.400000000e+01;
	[tilespmem:$0x70F0] =	vst v26  }
0x15b: {  	v24 =	vadd.f32 v36, v24;
	v55 =	vld.idx.msk [tilespmem:v8+s15+$0x0], $0xffff;
	_ =	sdelay $0x1  }
0x15c: {  	(xrf2) =	vadd.scan.msk.f32 $0xffff, v24  }
0x15d: {  	v8 =	vimm.s32 $0x8F  }
0x15e: {  	v24, _, _ =	vpop (xrf2)  }
0x15f: {  	v24 =	vadd.f32 v55, v24;
	_ =	sdelay $0x1  }
0x160: {  	v7 =	vmin.f32 v7, $6.400000000e+01;
	[tilespmem:$0x7100] =	vst v24  }
0x161: {  	v7 =	vadd.f32 v36, v7;
	v56 =	vld.idx.msk [tilespmem:v8+s15+$0x0], $0xffff;
	_ =	sdelay $0x1  }
0x162: {  	(xrf2) =	vadd.scan.msk.f32 $0xffff, v7  }
0x163: {  	v8 =	vimm.s32 $0x9F  }
0x164: {  	v7, _, _ =	vpop (xrf2)  }
0x165: {  	v7 =	vadd.f32 v56, v7;
	_ =	sdelay $0x1  }
0x166: {  	v2 =	vmin.f32 v2, $6.400000000e+01;
	[tilespmem:$0x7110] =	vst v7  }
0x167: {  	v2 =	vadd.f32 v36, v2;
	v57 =	vld.idx.msk [tilespmem:v8+s15+$0x0], $0xffff;
	_ =	sdelay $0x1  }
0x168: {  	(xrf2) =	vadd.scan.msk.f32 $0xffff, v2;
	_ =	sdelay $0x1  }
0x169: {  	v2, _, _ =	vpop (xrf2)  }
0x16a: {  	v2 =	vadd.f32 v57, v2;
	_ =	sdelay $0x1  }
0x16b: {  	v3 =	vmin.f32 v3, $6.400000000e+01;
	[tilespmem:$0x7120] =	vst v2  }
0x16c: {  	v3 =	vadd.f32 v36, v3;
	v58 =	vld.idx.msk [tilespmem:v17+s15+$0x0], $0xffff;
	_ =	sdelay $0x1  }
0x16d: {  	(xrf2) =	vadd.scan.msk.f32 $0xffff, v3;
	_ =	sdelay $0x1  }
0x16e: {  	v3, _, _ =	vpop (xrf2)  }
0x16f: {  	v3 =	vadd.f32 v58, v3;
	_ =	sdelay $0x1  }
0x170: {  	v1 =	vmin.f32 v1, $6.400000000e+01;
	[tilespmem:$0x7130] =	vst v3  }
0x171: {  	v1 =	vadd.f32 v36, v1;
	v59 =	vld.idx.msk [tilespmem:v18+s15+$0x0], $0xffff;
	_ =	sdelay $0x1  }
0x172: {  	(xrf2) =	vadd.scan.msk.f32 $0xffff, v1;
	_ =	sdelay $0x1  }
0x173: {  	v1, _, _ =	vpop (xrf2)  }
0x174: {  	v1 =	vadd.f32 v59, v1;
	_ =	sdelay $0x1  }
0x175: {  	v0 =	vmin.f32 v0, $6.400000000e+01;
	[tilespmem:$0x7140] =	vst v1  }
0x176: {  	v0 =	vadd.f32 v36, v0;
	v60 =	vld.idx.msk [tilespmem:v19+s15+$0x0], $0xffff;
	_ =	sdelay $0x1  }
0x177: {  	(xrf2) =	vadd.scan.msk.f32 $0xffff, v0;
	_ =	sdelay $0x1  }
0x178: {  	v0, _, _ =	vpop (xrf2)  }
0x179: {  	v0 =	vadd.f32 v60, v0;
	_ =	sdelay $0x1  }
0x17a: {  	v23 =	vmin.f32 v23, $6.400000000e+01;
	[tilespmem:$0x7150] =	vst v0  }
0x17b: {  	v23 =	vadd.f32 v36, v23;
	v61 =	vld.idx.msk [tilespmem:v20+s15+$0x0], $0xffff;
	_ =	sdelay $0x1  }
0x17c: {  	(xrf2) =	vadd.scan.msk.f32 $0xffff, v23;
	_ =	sdelay $0x1  }
0x17d: {  	v23, _, _ =	vpop (xrf2)  }
0x17e: {  	v23 =	vadd.f32 v61, v23;
	_ =	sdelay $0x1  }
0x17f: {  	[tilespmem:$0x7160] =	vst v23  }
0x180: {  	v62 =	vld.idx.msk [tilespmem:v21+s15+$0x0], $0xffff;
	_ =	sdelay $0x3  }
0x181: {  	v63, _, _ =	vpop (xrf2)  }
0x182: {  	v33 =	vadd.f32 v62, v63;
	_ =	sdelay $0x1  }
0x183: {  	[tilespmem:$0x7170] =	vst v33  }
0x184: {  	v9 =	vld.idx.msk [tilespmem:v22+s15+$0x0], $0xffff;
	_ =	sdelay $0x4  }
0x185: {  	(erf) = vrcp.f32 v9;
	_ =	sdelay $0x8  }
0x186: {  	v36 =	vpop (erf)  }
0x187: {  	v32 =	vmul.f32 v36, v32  }
0x188: {  	v31 =	vmul.f32 v36, v31  }
0x189: {  	v29 =	vmul.f32 v36, v29;
	[tilespmem:$0x7080] =	vst v32  }
0x18a: {  	v30 =	vmul.f32 v36, v30;
	[tilespmem:$0x7090] =	vst v31  }
0x18b: {  	v28 =	vmul.f32 v36, v28;
	[tilespmem:$0x70A0] =	vst v29  }
0x18c: {  	v27 =	vmul.f32 v36, v27;
	[tilespmem:$0x70B0] =	vst v30  }
0x18d: {  	v25 =	vmul.f32 v36, v25;
	[tilespmem:$0x70C0] =	vst v28  }
0x18e: {  	v26 =	vmul.f32 v36, v26;
	[tilespmem:$0x70D0] =	vst v27  }
0x18f: {  	v24 =	vmul.f32 v36, v24;
	[tilespmem:$0x70E0] =	vst v25  }
0x190: {  	v7 =	vmul.f32 v36, v7;
	[tilespmem:$0x70F0] =	vst v26  }
0x191: {  	v2 =	vmul.f32 v36, v2;
	[tilespmem:$0x7100] =	vst v24  }
0x192: {  	v3 =	vmul.f32 v36, v3;
	[tilespmem:$0x7110] =	vst v7  }
0x193: {  	v1 =	vmul.f32 v36, v1;
	[tilespmem:$0x7120] =	vst v2  }
0x194: {  	v0 =	vmul.f32 v36, v0;
	[tilespmem:$0x7130] =	vst v3  }
0x195: {  	[tilespmem:$0x7140] =	vst v1;
	v1 =	vmul.f32 v36, v23  }
0x196: {  	[tilespmem:$0x7150] =	vst v0;
	v0 =	vmul.f32 v36, v33  }
0x197: {  	[tilespmem:$0x7160] =	vst v1  }
0x198: {  	[tilespmem:$0x7170] =	vst v0  }
0x199: {  	v3 =	vld [tilespmem:s18+$0xB0]  }
0x19a: {  	v2 =	vld [tilespmem:s18+$0x20B0]  }
0x19b: {  	v28 =	vld [tilespmem:s18+$0x2000]  }
0x19c: {  	v0 =	vsub.f32 v35, v34;
	v7 =	vld [tilespmem:s18+$0x40B0]  }
0x19d: {  	v31 =	vld [tilespmem:s18+$0x10]  }
0x19e: {  	v30 =	vld [tilespmem:s18+$0x2010];
	v0 =	vbroadcast v0, $0xF  }
0x19f: {  	v26 =	vld [tilespmem:s18+$0x20]  }
0x1a0: {  	v27 =	vld [tilespmem:s18+$0x2020];
	(erf) = vrcp.f32 v0  }
0x1a1: {  	v24 =	vld [tilespmem:s18+$0x30]  }
0x1a2: {  	v23 =	vld [tilespmem:s18+$0x2030]  }
0x1a3: {  	v41 =	vld [tilespmem:s18+$0x0];
	v0 =	vadd.f32 v2, v3  }
0x1a4: {  	v39 =	vld [tilespmem:s18+$0x4000]  }
0x1a5: {  	v36 =	vbroadcast v34, $0xF;
	v34 =	vld [tilespmem:s18+$0x90];
	v0 =	vadd.f32 v7, v0  }
0x1a6: {  	v33 =	vld [tilespmem:s18+$0x2090]  }
0x1a7: {  	v25 =	vld [tilespmem:s18+$0x4080]  }
0x1a8: {  	s19 =	sor.u32 s4, s19;
	v38 =	vld [tilespmem:s18+$0x4090];
	v45 =	vmul.f32 $3.333333430e-01, v0  }
0x1a9: {  	v48 =	vmov s19;
	v43 =	vld [tilespmem:s18+$0x4020];
	v0 =	vpop (erf)  }
0x1aa: {  	v42 =	vld [tilespmem:s18+$0x4030];
	v10 =	vadd.f32 v28, v41;
	v29 =	vsub.f32 v45, v36;
	v37 =	vmul.f32 $2.550000000e+02, v0  }
0x1ab: {  	v1 =	vld [tilespmem:s18+$0x80];
	v52 =	vadd.f32 v33, v34  }
0x1ac: {  	v32 =	vld [tilespmem:s18+$0x20A0];
	v47 =	vadd.f32 v27, v26;
	v40 =	vadd.f32 v39, v10;
	v29 =	vmul.f32 v29, v37  }
0x1ad: {  	v54 =	vadd.f32 v23, v24;
	v52 =	vadd.f32 v38, v52;
	v0 =	vld [tilespmem:s18+$0x2080]  }
0x1ae: {  	v47 =	vadd.f32 v43, v47;
	v49 =	vmul.f32 $3.333333430e-01, v40;
	v11 =	vmin.f32 v29, $2.550000000e+02;
	v29 =	vld [tilespmem:s18+$0xA0]  }
0x1af: {  	v54 =	vadd.f32 v42, v54;
	v40 =	vld.idx.msk [tilespmem:v48+s16+$0x0], $0xffff;
	v48 =	vmul.f32 $3.333333430e-01, v52;
	v35 =	vtrunc.f32 v11  }
0x1b0: {  	v12 =	vadd.f32 v30, v31;
	v59 =	vmul.f32 $3.333333430e-01, v47;
	v46 =	vcvt.f32.s32 v35;
	v35 =	vld [tilespmem:s18+$0x40A0]  }
0x1b1: {  	v44 =	vld [tilespmem:s18+$0x4010];
	v60 =	vmul.f32 $3.333333430e-01, v54;
	v50 =	vsub.f32 v49, v36;
	v14 =	vsub.f32 v48, v36  }
0x1b2: {  	v57 =	vsub.f32 v59, v36;
	v51 =	vadd.f32 v0, v1  }
0x1b3: {  	(erf) = vrcp.f32 v49;
	v62 =	vsub.f32 v60, v36;
	v53 =	vadd.f32 v32, v29  }
0x1b4: {  	(erf) = vrcp.f32 v45;
	v50 =	vmul.f32 v50, v37;
	v51 =	vadd.f32 v25, v51  }
0x1b5: {  	v47 =	vmul.f32 v14, v37;
	v57 =	vmul.f32 v57, v37;
	v53 =	vadd.f32 v35, v53  }
0x1b6: {  	v55 =	vadd.f32 v44, v12;
	v62 =	vmul.f32 v62, v37;
	v51 =	vmul.f32 $3.333333430e-01, v51  }
0x1b7: {  	v47 =	vmin.f32 v47, $2.550000000e+02;
	v50 =	vmin.f32 v50, $2.550000000e+02;
	v52 =	vmul.f32 $3.333333430e-01, v53  }
0x1b8: {  	v62 =	vmin.f32 v62, $2.550000000e+02;
	v47 =	vtrunc.f32 v47;
	v13 =	vsub.f32 v51, v36  }
0x1b9: {  	v50 =	vtrunc.f32 v50;
	v62 =	vtrunc.f32 v62;
	v56 =	vsub.f32 v52, v36  }
0x1ba: {  	v47 =	vcvt.f32.s32 v47;
	v63 =	vmul.f32 v13, v37  }
0x1bb: {  	v53 =	vmul.f32 $3.333333430e-01, v55;
	v9 =	vmul.f32 v56, v37  }
0x1bc: {  	v50 =	vcvt.f32.s32 v50;
	v62 =	vcvt.f32.s32 v62;
	v46 =	vld.idx.msk [tilespmem:v46+s15+$0x0], $0xffff;
	v54 =	vmin.f32 v63, $2.550000000e+02  }
0x1bd: {  	v10 =	vsub.f32 v53, v36;
	v54 =	vtrunc.f32 v54;
	v55 =	vmin.f32 v9, $2.550000000e+02  }
0x1be: {  	v54 =	vcvt.f32.s32 v54;
	v55 =	vtrunc.f32 v55  }
0x1bf: {  	v56 =	vmul.f32 v10, v37;
	v55 =	vcvt.f32.s32 v55  }
0x1c0: {  	vm0 =	vgt.f32 v49, $9.999999740e-06  }
0x1c1: {  	v57 =	vmin.f32 v57, $2.550000000e+02;
	v47 =	vld.idx.msk [tilespmem:v47+s15+$0x0], $0xffff;
	v46 =	vsub.f32 v46, v45;
	v56 =	vmin.f32 v56, $2.550000000e+02  }
0x1c2: {  	vm5 =	vgt.f32 v59, $9.999999740e-06;
	v57 =	vtrunc.f32 v57;
	v50 =	vld.idx.msk [tilespmem:v50+s15+$0x0], $0xffff;
	v56 =	vtrunc.f32 v56  }
0x1c3: {  	vm7 =	vgt.f32 v45, $9.999999740e-06;
	v14 =	vld.idx.msk [tilespmem:v62+s15+$0x0], $0xffff;
	v46 =	vmul.f32 v46, v40;
	v56 =	vcvt.f32.s32 v56  }
0x1c4: {  	vm3 =	vgt.f32 v60, $9.999999740e-06;
	v57 =	vcvt.f32.s32 v57;
	v58 =	vpop (erf);
	(erf) = vrcp.f32 v53;
	v54 =	vld.idx.msk [tilespmem:v54+s15+$0x0], $0xffff  }
0x1c5: {  	vm2 =	vgt.f32 v48, $9.999999740e-06;
	v61 =	vpop (erf);
	(erf) = vrcp.f32 v59;
	v46 =	vadd.f32 v46, v45;
	v55 =	vld.idx.msk [tilespmem:v55+s15+$0x0], $0xffff  }
0x1c6: {  	vm4 =	vgt.f32 v51, $9.999999740e-06;
	vm1 =	vgt.f32 v52, $9.999999740e-06;
	(erf) = vrcp.f32 v60  }
0x1c7: {  	v47 =	vsub.f32 v47, v48;
	(erf) = vrcp.f32 v51;
	v61 =	vmul.f32 v46, v61  }
0x1c8: {  	v50 =	vsub.f32 v50, v49;
	v63 =	vsub.f32 v14, v60;
	(erf) = vrcp.f32 v48  }
0x1c9: {  	(erf) = vrcp.f32 v52;
	v7 =	vmul.f32 v61, v7;
	v12 =	vld.idx.msk [tilespmem:v56+s15+$0x0], $0xffff;
	v11 =	vsub.f32 v54, v51  }
0x1ca: {  	v13 =	vld.idx.msk [tilespmem:v57+s15+$0x0], $0xffff;
	v3 =	vmul.f32 v61, v3;
	v2 =	vmul.f32 v61, v2;
	v55 =	vsub.f32 v55, v52  }
0x1cb: {  	v47 =	vmul.f32 v47, v40;
	v7 =	vsel vm7, v7, v46;
	v45 =	vmul.f32 v11, v40  }
0x1cc: {  	v3 =	vsel vm7, v3, v46;
	v2 =	vsel vm7, v2, v46;
	v55 =	vmul.f32 v55, v40  }
0x1cd: {  	v61 =	vpop (erf);
	v9 =	vmin.f32 v2, $1.000000000e+00;
	v2 =	vmul.f32 v50, v40;
	v51 =	vadd.f32 v45, v51  }
0x1ce: {  	v46 =	vpop (erf);
	v45 =	vadd.f32 v55, v52;
	v52 =	vmin.f32 v3, $1.000000000e+00;
	v3 =	vsub.f32 v12, v53  }
0x1cf: {  	vm6 =	vgt.f32 v53, $9.999999740e-06;
	v10 =	vsub.f32 v13, v59;
	v47 =	vadd.f32 v47, v48;
	v48 =	vpop (erf)  }
0x1d0: {  	v63 =	vmul.f32 v63, v40;
	v57 =	vadd.f32 v2, v49;
	v11 =	vpop (erf);
	v12 =	vmul.f32 v3, v40  }
0x1d1: {  	v7 =	vmin.f32 v7, $1.000000000e+00;
	v2 =	vmul.f32 v10, v40;
	v13 =	vpop (erf);
	v3 =	vmul.f32 v51, v11  }
0x1d2: {  	[tilespmem:s18+$0x40B0] =	vst v7;
	v58 =	vmul.f32 v57, v58;
	v14 =	vpop (erf);
	v55 =	vmul.f32 v47, v13;
	v56 =	vadd.f32 v12, v53  }
0x1d3: {  	[tilespmem:s18+$0x20B0] =	vst v9;
	v2 =	vadd.f32 v2, v59;
	v54 =	vmul.f32 v45, v14;
	v7 =	vmul.f32 v3, v1  }
0x1d4: {  	s20 =	sadd.s32 $0x100, s18;
	s19 =	simm.s32 $0x0;
	[tilespmem:s18+$0xB0] =	vst v52;
	v1 =	vadd.f32 v63, v60;
	v0 =	vmul.f32 v3, v0;
	v49 =	vmul.f32 v56, v61  }
.LBB2_10:
0x1d5: {  	v52 =	vld [tilespmem:s20+$0xB0];
	v41 =	vmul.f32 v58, v41;
	v50 =	vmul.f32 v2, v46;
	v46 =	vsel vm4, v7, v51  }
0x1d6: {  	s19 =	sadd.s32 $0x2, s19;
	v7 =	vmul.f32 v58, v28;
	v53 =	vld [tilespmem:s20+$0x20B0];
	v59 =	vmul.f32 v1, v48;
	v48 =	vsel vm4, v0, v51  }
0x1d7: {  	v39 =	vmul.f32 v58, v39;
	p1 =	slt.u32 s19, $0x3E;
	v28 =	vld [tilespmem:s20+$0x2000];
	v0 =	vsel vm0, v41, v57;
	v41 =	vmul.f32 v49, v31  }
0x1d8: {  	v58 =	vmul.f32 v49, v30;
	v44 =	vmul.f32 v49, v44;
	v7 =	vsel vm0, v7, v57;
	v62 =	vld [tilespmem:s20+$0x40B0]  }
0x1d9: {  	v8 =	vsel vm0, v39, v57;
	v49 =	vmul.f32 v50, v26;
	v57 =	vmul.f32 v50, v27;
	v31 =	vld [tilespmem:s20+$0x10]  }
0x1da: {  	v43 =	vmul.f32 v50, v43;
	v50 =	vmul.f32 v59, v24;
	v9 =	vsel vm6, v41, v56;
	v30 =	vld [tilespmem:s20+$0x2010]  }
0x1db: {  	v60 =	vmul.f32 v59, v23;
	v42 =	vmul.f32 v59, v42;
	v26 =	vld [tilespmem:s20+$0x20];
	v39 =	vadd.f32 v53, v52  }
0x1dc: {  	v34 =	vmul.f32 v55, v34;
	v10 =	vsel vm6, v58, v56;
	v58 =	vmul.f32 v3, v25;
	v27 =	vld [tilespmem:s20+$0x2020]  }
0x1dd: {  	v33 =	vmul.f32 v55, v33;
	v38 =	vmul.f32 v55, v38;
	v24 =	vld [tilespmem:s20+$0x30];
	v3 =	vadd.f32 v62, v39  }
0x1de: {  	v29 =	vmul.f32 v54, v29;
	v32 =	vmul.f32 v54, v32;
	v44 =	vsel vm6, v44, v56;
	v23 =	vld [tilespmem:s20+$0x2030]  }
0x1df: {  	v35 =	vmul.f32 v54, v35;
	v41 =	vld [tilespmem:s20+$0x0];
	v11 =	vadd.f32 v30, v31;
	v3 =	vmul.f32 $3.333333430e-01, v3  }
0x1e0: {  	v12 =	vsel vm5, v49, v2;
	v13 =	vsel vm5, v57, v2;
	v2 =	vsel vm5, v43, v2;
	v39 =	vld [tilespmem:s20+$0x4000]  }
0x1e1: {  	v15 =	vsel vm3, v50, v1;
	v14 =	vadd.f32 v27, v26;
	v25 =	vld [tilespmem:s20+$0x4080];
	v43 =	vsub.f32 v3, v36  }
0x1e2: {  	v16 =	vsel vm3, v60, v1;
	v63 =	vsel vm3, v42, v1;
	v55 =	vsel vm4, v58, v51;
	v49 =	vld [tilespmem:s20+$0x80]  }
0x1e3: {  	v56 =	vsel vm2, v34, v47;
	v1 =	vadd.f32 v23, v24;
	v50 =	vld [tilespmem:s20+$0x2080];
	v42 =	vmul.f32 v43, v37  }
0x1e4: {  	v59 =	vsel vm2, v33, v47;
	v57 =	vsel vm2, v38, v47;
	v43 =	vadd.f32 v28, v41;
	v34 =	vld [tilespmem:s20+$0x90]  }
0x1e5: {  	v61 =	vsel vm1, v32, v45;
	v60 =	vsel vm1, v29, v45;
	v33 =	vld [tilespmem:s20+$0x2090];
	v38 =	vmin.f32 v42, $2.550000000e+02  }
0x1e6: {  	v58 =	vsel vm1, v35, v45;
	v42 =	vadd.f32 v39, v43;
	v29 =	vld [tilespmem:s20+$0xA0];
	v38 =	vtrunc.f32 v38  }
0x1e7: {  	v0 =	vmin.f32 v0, $1.000000000e+00;
	v7 =	vmin.f32 v7, $1.000000000e+00;
	v32 =	vld [tilespmem:s20+$0x20A0];
	v45 =	vcvt.f32.s32 v38  }
0x1e8: {  	v8 =	vmin.f32 v8, $1.000000000e+00;
	v9 =	vmin.f32 v9, $1.000000000e+00;
	v54 =	vmul.f32 $3.333333430e-01, v42;
	v38 =	vld [tilespmem:s20+$0x4090];
	[tilespmem:s18+$0x0] =	vst v0  }
0x1e9: {  	v12 =	vmin.f32 v12, $1.000000000e+00;
	v0 =	vmin.f32 v10, $1.000000000e+00;
	v10 =	vmin.f32 v44, $1.000000000e+00;
	v35 =	vld [tilespmem:s20+$0x40A0];
	[tilespmem:s18+$0x2000] =	vst v7  }
0x1ea: {  	v44 =	vld [tilespmem:s20+$0x4010];
	v7 =	vsub.f32 v54, v36;
	vm0 =	vgt.f32 v54, $9.999999740e-06;
	(erf) = vrcp.f32 v54;
	[tilespmem:s18+$0x4000] =	vst v8  }
0x1eb: {  	v13 =	vmin.f32 v13, $1.000000000e+00;
	v2 =	vmin.f32 v2, $1.000000000e+00;
	v8 =	vadd.f32 v50, v49;
	v43 =	vld [tilespmem:s20+$0x4020];
	[tilespmem:s18+$0x10] =	vst v9  }
0x1ec: {  	v9 =	vadd.f32 v33, v34;
	v42 =	vld [tilespmem:s20+$0x4030];
	v7 =	vmul.f32 v7, v37;
	v47 =	vadd.f32 v32, v29;
	[tilespmem:s18+$0x2010] =	vst v0  }
0x1ed: {  	v15 =	vmin.f32 v15, $1.000000000e+00;
	v16 =	vmin.f32 v16, $1.000000000e+00;
	v0 =	vadd.f32 v25, v8;
	v8 =	vld.idx.msk [tilespmem:v45+s15+$0x0], $0xffff;
	[tilespmem:s18+$0x4010] =	vst v10  }
0x1ee: {  	v10 =	vmin.f32 v7, $2.550000000e+02;
	v7 =	vadd.f32 v38, v9;
	v9 =	vadd.f32 v35, v47;
	[tilespmem:s18+$0x20] =	vst v12  }
0x1ef: {  	v12 =	vmul.f32 $3.333333430e-01, v0;
	v11 =	vadd.f32 v44, v11;
	(erf) = vrcp.f32 v3;
	[tilespmem:s18+$0x2020] =	vst v13  }
0x1f0: {  	v0 =	vadd.f32 v43, v14;
	v13 =	vmul.f32 $3.333333430e-01, v7;
	v9 =	vmul.f32 $3.333333430e-01, v9;
	[tilespmem:s18+$0x4020] =	vst v2  }
0x1f1: {  	v45 =	vsub.f32 v12, v36;
	v2 =	vmul.f32 $3.333333430e-01, v11;
	v1 =	vadd.f32 v42, v1;
	[tilespmem:s18+$0x30] =	vst v15  }
0x1f2: {  	v0 =	vmul.f32 $3.333333430e-01, v0;
	v11 =	vsub.f32 v13, v36;
	v14 =	vsub.f32 v9, v36;
	[tilespmem:s18+$0x2030] =	vst v16  }
0x1f3: {  	v15 =	vmul.f32 v45, v37;
	v8 =	vsub.f32 v8, v3;
	v1 =	vmul.f32 $3.333333430e-01, v1;
	v7 =	vpop (erf)  }
0x1f4: {  	v16 =	vsub.f32 v2, v36;
	v11 =	vmul.f32 v11, v37;
	v14 =	vmul.f32 v14, v37  }
0x1f5: {  	v45 =	vsub.f32 v0, v36;
	v15 =	vmin.f32 v15, $2.550000000e+02;
	v8 =	vmul.f32 v8, v40  }
0x1f6: {  	v15 =	vtrunc.f32 v15;
	v11 =	vmin.f32 v11, $2.550000000e+02;
	v14 =	vmin.f32 v14, $2.550000000e+02  }
0x1f7: {  	v15 =	vcvt.f32.s32 v15;
	v8 =	vadd.f32 v8, v3;
	v11 =	vtrunc.f32 v11  }
0x1f8: {  	v47 =	vsub.f32 v1, v36;
	v14 =	vtrunc.f32 v14;
	v11 =	vcvt.f32.s32 v11;
	v51 =	vpop (erf)  }
0x1f9: {  	vm6 =	vgt.f32 v2, $9.999999740e-06;
	v14 =	vcvt.f32.s32 v14;
	v51 =	vmul.f32 v8, v51  }
0x1fa: {  	vm5 =	vgt.f32 v0, $9.999999740e-06;
	v16 =	vmul.f32 v16, v37;
	v45 =	vmul.f32 v45, v37  }
0x1fb: {  	vm3 =	vgt.f32 v1, $9.999999740e-06;
	v47 =	vmul.f32 v47, v37;
	v62 =	vmul.f32 v51, v62  }
0x1fc: {  	vm7 =	vgt.f32 v3, $9.999999740e-06;
	v16 =	vmin.f32 v16, $2.550000000e+02;
	v45 =	vmin.f32 v45, $2.550000000e+02  }
0x1fd: {  	v3 =	vtrunc.f32 v10;
	v10 =	vmin.f32 v47, $2.550000000e+02;
	v15 =	vld.idx.msk [tilespmem:v15+s15+$0x0], $0xffff;
	v47 =	vsel vm7, v62, v8  }
0x1fe: {  	v16 =	vtrunc.f32 v16;
	v45 =	vtrunc.f32 v45;
	v11 =	vld.idx.msk [tilespmem:v11+s15+$0x0], $0xffff;
	v47 =	vmin.f32 v47, $1.000000000e+00  }
0x1ff: {  	vm4 =	vgt.f32 v12, $9.999999740e-06;
	v3 =	vcvt.f32.s32 v3;
	v10 =	vtrunc.f32 v10;
	v14 =	vld.idx.msk [tilespmem:v14+s15+$0x0], $0xffff;
	[tilespmem:s20+$0x40B0] =	vst v47  }
0x200: {  	vm2 =	vgt.f32 v13, $9.999999740e-06;
	v16 =	vcvt.f32.s32 v16;
	v45 =	vcvt.f32.s32 v45  }
0x201: {  	vm1 =	vgt.f32 v9, $9.999999740e-06;
	v10 =	vcvt.f32.s32 v10;
	(erf) = vrcp.f32 v2  }
0x202: {  	v47 =	vmul.f32 v51, v52;
	v52 =	vmin.f32 v63, $1.000000000e+00;
	(erf) = vrcp.f32 v0  }
0x203: {  	v51 =	vmul.f32 v51, v53;
	v15 =	vsub.f32 v15, v12;
	(erf) = vrcp.f32 v1;
	[tilespmem:s18+$0x4030] =	vst v52  }
0x204: {  	v11 =	vsub.f32 v11, v13;
	v52 =	vsel vm7, v47, v8;
	(erf) = vrcp.f32 v12  }
0x205: {  	v15 =	vmul.f32 v15, v40;
	v14 =	vsub.f32 v14, v9;
	v3 =	vld.idx.msk [tilespmem:v3+s15+$0x0], $0xffff;
	(erf) = vrcp.f32 v13  }
0x206: {  	v8 =	vsel vm7, v51, v8;
	v11 =	vmul.f32 v11, v40;
	v16 =	vld.idx.msk [tilespmem:v16+s15+$0x0], $0xffff;
	(erf) = vrcp.f32 v9  }
0x207: {  	v51 =	vadd.f32 v15, v12;
	v12 =	vmul.f32 v14, v40;
	v14 =	vmin.f32 v46, $1.000000000e+00;
	v53 =	vld.idx.msk [tilespmem:v45+s15+$0x0], $0xffff  }
0x208: {  	v15 =	vmin.f32 v48, $1.000000000e+00;
	v47 =	vadd.f32 v11, v13;
	v13 =	vmin.f32 v55, $1.000000000e+00;
	v10 =	vld.idx.msk [tilespmem:v10+s15+$0x0], $0xffff;
	[tilespmem:s18+$0x80] =	vst v14  }
0x209: {  	v45 =	vadd.f32 v12, v9;
	v9 =	vmin.f32 v56, $1.000000000e+00;
	v12 =	vmin.f32 v59, $1.000000000e+00;
	[tilespmem:s18+$0x2080] =	vst v15  }
0x20a: {  	v14 =	vmin.f32 v57, $1.000000000e+00;
	v56 =	vmin.f32 v61, $1.000000000e+00;
	v15 =	vmin.f32 v60, $1.000000000e+00;
	v11 =	vpop (erf);
	[tilespmem:s18+$0x4080] =	vst v13  }
0x20b: {  	v55 =	vsub.f32 v3, v54;
	v13 =	vmin.f32 v52, $1.000000000e+00;
	v52 =	vmin.f32 v58, $1.000000000e+00;
	v46 =	vpop (erf);
	[tilespmem:s18+$0x90] =	vst v9  }
0x20c: {  	v8 =	vmin.f32 v8, $1.000000000e+00;
	v9 =	vsub.f32 v16, v2;
	v48 =	vpop (erf);
	[tilespmem:s18+$0x2090] =	vst v12  }
0x20d: {  	v12 =	vmul.f32 v55, v40;
	v16 =	vsub.f32 v53, v0;
	v3 =	vpop (erf);
	[tilespmem:s18+$0x4090] =	vst v14  }
.Ltmp8:
0x20e: {  	v9 =	vmul.f32 v9, v40;
	v10 =	vsub.f32 v10, v1;
	v3 =	vmul.f32 v51, v3;
	v14 =	vpop (erf);
	[tilespmem:s18+$0xA0] =	vst v15;
	(pc) =	sbr.rel @p1 .LBB2_10-.Ltmp8, $4  }
0x20f: {  	v57 =	vadd.f32 v12, v54;
	v12 =	vmul.f32 v16, v40;
	v55 =	vmul.f32 v47, v14;
	v14 =	vpop (erf);
	[tilespmem:s18+$0x20A0] =	vst v56  }
0x210: {  	v56 =	vadd.f32 v9, v2;
	v9 =	vmul.f32 v10, v40;
	v54 =	vmul.f32 v45, v14;
	[tilespmem:s18+$0x40A0] =	vst v52;
	s18 =	smov.u32 s20  }
0x211: {  	v58 =	vmul.f32 v57, v7;
	v2 =	vadd.f32 v12, v0;
	v7 =	vmul.f32 v3, v49;
	[tilespmem:s20+$0xB0] =	vst v13  }
0x212: {  	v0 =	vmul.f32 v3, v50;
	v49 =	vmul.f32 v56, v11;
	v1 =	vadd.f32 v9, v1;
	s20 =	sadd.s32 $0x100, s20;
	[tilespmem:s18+$0x20B0] =	vst v8  }
0x213: {  	v8 =	vmul.f32 v58, v41  }
0x214: {  	v10 =	vmul.f32 v58, v28;
	v12 =	vmul.f32 v58, v39  }
0x215: {  	v7 =	vsel vm4, v7, v51;
	v0 =	vsel vm4, v0, v51;
	v8 =	vsel vm0, v8, v57  }
0x216: {  	v10 =	vsel vm0, v10, v57;
	v12 =	vsel vm0, v12, v57;
	v57 =	vmin.f32 v7, $1.000000000e+00  }
0x217: {  	v9 =	vmul.f32 v2, v46;
	v0 =	vmin.f32 v0, $1.000000000e+00;
	[tilespmem:s18+$0x80] =	vst v57  }
0x218: {  	v3 =	vmul.f32 v3, v25;
	v59 =	vmul.f32 v54, v29;
	v8 =	vmin.f32 v8, $1.000000000e+00;
	[tilespmem:s18+$0x2080] =	vst v0  }
0x219: {  	v60 =	vmul.f32 v54, v35;
	v11 =	vmul.f32 v1, v48;
	v10 =	vmin.f32 v10, $1.000000000e+00;
	[tilespmem:s18+$0x0] =	vst v8  }
0x21a: {  	v13 =	vmul.f32 v49, v31;
	v3 =	vsel vm4, v3, v51;
	v12 =	vmin.f32 v12, $1.000000000e+00;
	[tilespmem:s18+$0x2000] =	vst v10  }
0x21b: {  	v14 =	vmul.f32 v49, v30;
	v61 =	vsel vm1, v60, v45;
	v3 =	vmin.f32 v3, $1.000000000e+00;
	[tilespmem:s18+$0x4000] =	vst v12  }
0x21c: {  	v40 =	vmul.f32 v9, v26;
	v13 =	vsel vm6, v13, v56;
	v63 =	vmin.f32 v61, $1.000000000e+00;
	[tilespmem:s18+$0x4080] =	vst v3  }
0x21d: {  	v41 =	vmul.f32 v9, v27;
	v14 =	vsel vm6, v14, v56;
	v13 =	vmin.f32 v13, $1.000000000e+00;
	[tilespmem:s18+$0x40A0] =	vst v63  }
0x21e: {  	v9 =	vmul.f32 v9, v43;
	v0 =	vsel vm1, v59, v45;
	v14 =	vmin.f32 v14, $1.000000000e+00;
	[tilespmem:s18+$0x10] =	vst v13  }
0x21f: {  	v7 =	vmul.f32 v55, v33;
	v10 =	vsel vm5, v40, v2;
	v0 =	vmin.f32 v0, $1.000000000e+00;
	[tilespmem:s18+$0x2010] =	vst v14  }
0x220: {  	v43 =	vmul.f32 v11, v24;
	v12 =	vsel vm5, v41, v2;
	v10 =	vmin.f32 v10, $1.000000000e+00;
	[tilespmem:s18+$0xA0] =	vst v0  }
0x221: {  	v8 =	vmul.f32 v49, v44;
	v44 =	vsel vm5, v9, v2;
	v46 =	vmin.f32 v12, $1.000000000e+00;
	[tilespmem:s18+$0x20] =	vst v10  }
0x222: {  	v7 =	vsel vm2, v7, v47;
	v2 =	vmin.f32 v44, $1.000000000e+00;
	[tilespmem:s18+$0x2020] =	vst v46  }
0x223: {  	v3 =	vmul.f32 v54, v32;
	v49 =	vsel vm3, v43, v1;
	v7 =	vmin.f32 v7, $1.000000000e+00;
	[tilespmem:s18+$0x4020] =	vst v2  }
0x224: {  	v8 =	vsel vm6, v8, v56;
	v50 =	vmin.f32 v49, $1.000000000e+00;
	v56 =	vmul.f32 v55, v34;
	[tilespmem:s18+$0x2090] =	vst v7  }
0x225: {  	v48 =	vmul.f32 v11, v42;
	v3 =	vsel vm1, v3, v45;
	v8 =	vmin.f32 v8, $1.000000000e+00;
	[tilespmem:s18+$0x30] =	vst v50  }
0x226: {  	v62 =	vmin.f32 v3, $1.000000000e+00;
	[tilespmem:s18+$0x4010] =	vst v8;
	v8 =	vmul.f32 v11, v23;
	v2 =	vsel vm2, v56, v47  }
.Ltmp9:
0x227: {  	v58 =	vmul.f32 v55, v38;
	v52 =	vsel vm3, v48, v1;
	[tilespmem:s18+$0x20A0] =	vst v62;
	v2 =	vmin.f32 v2, $1.000000000e+00;
	(pc) =	sbr.rel .LBB2_12-.Ltmp9, $4  }
0x228: {  	v8 =	vsel vm3, v8, v1;
	v1 =	vmin.f32 v52, $1.000000000e+00;
	[tilespmem:s18+$0x90] =	vst v2  }
0x229: {  	v53 =	vmin.f32 v8, $1.000000000e+00;
	[tilespmem:s18+$0x4030] =	vst v1;
	v1 =	vsel vm2, v58, v47  }
0x22a: {  	[tilespmem:s18+$0x2030] =	vst v53;
	v1 =	vmin.f32 v1, $1.000000000e+00  }
0x22b: {  	[tilespmem:s18+$0x4090] =	vst v1  }
.LBB2_14:
0x22c: {  	_ =	sfence.sel $0x180000  }
0x22d: {  	[bflag:$0x0] =	sbarrier.arrive $0xFFFF  }
0x22e: {  	p0 =	sne.s32 s2, $0x0;
	_ =	strace $0x90000047  }
0x22f: {  	s0 =	sadd.s32 @!p0 $0x100000, s0;
	[bflag:$0x2] =	sbarrier.arrive $0xFFFF  }
0x230: {  	[sflag:s0] =	ssyncadd.tile.s32 @!p0 $0x1;
	_ =	shalt  }
.Lfunc_end2:
_tile_overlayer_lowered:
.L_overlay_start_2:
0x231: {  	(tag) =	ssettag $0x2  }
0x232: {  	s0 =	rddreg [dreg:$0x0];
	s2 =	stileid.u32  }
0x233: {  	s1 =	rddreg [dreg:$0x1];
	p0 =	sne.s32 s2, $0x0  }
0x234: {  	s3 =	rddreg [dreg:$0x2];
	[bflag:$0x3] =	sbarrier.arrive $0xFFFF;
	s2 =	simm.s32 @!p0 $0x1C01  }
0x235: {  	[timem:s3], [sflag:s2] =	dma.local @!p0 [hbm:s0], s1  }
0x236: {  	s0 =	simm.s32 @!p0 $0x1  }
0x237: {  	_ =	swait.ge @!p0 [sflag:s0], s1  }
0x238: {  	s1 =	ssub.s32 @!p0 $0x0, s1;
	[sflag:s0] =	ssyncset.done @!p0 $0x0  }
0x239: {  	[sflag:s0] =	ssyncadd.s32 @!p0 s1  }
0x23a: {  	[bflag:$0x3] =	sbarrier.arrive $0xFFFF  }
0x23b: {  	_ =	shalt  }

</sc_bundles>
